<compile_context>
chip_gen: v7x
topology: tpu7x:2x2x1
jax: 0.10.2.dev20260603
libtpu: 0.0.44.dev20260713+nightly
codegen_flags: <defaults>
</compile_context>

<pallas_src>
import functools

import jax
import jax.numpy as jnp
import numpy as np
from jax import lax
from jax.experimental import pallas as pl
from jax.experimental.pallas import tpu as pltpu
from jax.experimental.pallas import tpu_sc as plsc

N = 4096
NPARAMS = N * (N - 1) // 2
B = 128
SW = B + 8
NB = N // B
NW = 32
LANES = 16

_pairs = [(bi, bj) for bi in range(NB) for bj in range(bi + 1, NB)]
NPAIR = len(_pairs)
TSLOTS = -(-NPAIR // NW)
PADP = NW * TSLOTS + LANES
_bi_tab = np.full((PADP,), 0, np.int32)
_bj_tab = np.full((PADP,), 1, np.int32)
for _p, (_a, _b) in enumerate(_pairs):
    _bi_tab[_p] = _a
    _bj_tab[_p] = _b


def _offset(i):
    return i * (N - 1) - ((i * (i - 1)) >> 1)


def _body(params_hbm, bi_hbm, bj_hbm, out_hbm, tabi, tabj,
          sblk0, sblk1, ublk0, ublk1, tblk0, tblk1,
          sem_in0, sem_in1, sem_out0, sem_out1):
    cid = lax.axis_index("c")
    sid = lax.axis_index("s")
    wid = sid * 2 + cid

    SB = (sblk0, sblk1)
    UB = (ublk0, ublk1)
    TB = (tblk0, tblk1)
    SI = (sem_in0, sem_in1)
    SO = (sem_out0, sem_out1)

    pltpu.sync_copy(bi_hbm, tabi)
    pltpu.sync_copy(bj_hbm, tabj)

    iota = lax.iota(jnp.int32, LANES)

    def shift_of(s):
        return jnp.maximum(s & 7, s - (NPARAMS - SW))

    def pair_of(p):
        bi = tabi[pl.ds(p, LANES)][0]
        bj = tabj[pl.ds(p, LANES)][0]
        return bi, bj

    def pair_start(bi, bj):
        def start_of_row(r):
            i = bi * B + r
            return _offset(i) + bj * B - i - 1

        return start_of_row

    def diag_start(r):
        return jnp.maximum(0, _offset(wid * B + r) - r - 1)

    def fire_rows(start_of_row, par):
        def fire(r, carry):
            s = start_of_row(r)
            sa = pl.multiple_of(jnp.minimum(s - (s & 7), NPARAMS - SW), 8)
            pltpu.make_async_copy(
                params_hbm.at[pl.ds(sa, SW)], SB[par].at[r], SI[par]
            ).start()
            return carry

        lax.fori_loop(0, B, fire, 0, unroll=4)

    def drain_in(par):
        pltpu.make_async_copy(
            out_hbm.at[pl.ds(0, B), pl.ds(0, SW)], SB[par], SI[par]
        ).wait()

    def drain_out(par):
        pltpu.make_async_copy(
            out_hbm.at[pl.ds(0, B), pl.ds(0, B)], UB[par], SO[par]
        ).wait()

    def fire_pair(jt, par):
        p = wid + NW * jt

        @pl.when(p < NPAIR)
        def _():
            bi, bj = pair_of(p)
            fire_rows(pair_start(bi, bj), par)

    def compute_pair(jt, tt, par):
        p = wid + NW * jt

        @pl.when(p < NPAIR)
        def _():
            drain_in(par)

            @pl.when(tt >= 1)
            def _():
                drain_out(par)
                drain_out(par)

            bi, bj = pair_of(p)
            r0 = pl.multiple_of(bi * B, B)
            c0 = pl.multiple_of(bj * B, B)
            start_of_row = pair_start(bi, bj)
            sblk, ublk, tblk = SB[par], UB[par], TB[par]

            def rbody(r, carry):
                d = shift_of(start_of_row(r))
                rsplat = jnp.full((LANES,), 0, jnp.int32) + r
                for k in range(B // LANES):
                    v = sblk[r, pl.ds(d + k * LANES, LANES)]
                    ublk[r, pl.ds(k * LANES, LANES)] = v
                    plsc.store_scatter(
                        tblk, [k * LANES + iota, rsplat], -v
                    )
                return carry

            lax.fori_loop(0, B, rbody, 0, unroll=2)
            pltpu.make_async_copy(
                ublk, out_hbm.at[pl.ds(r0, B), pl.ds(c0, B)], SO[par]
            ).start()
            pltpu.make_async_copy(
                tblk.at[:, pl.ds(0, B)],
                out_hbm.at[pl.ds(c0, B), pl.ds(r0, B)],
                SO[par],
            ).start()

    fire_pair(0, 0)

    def loop_body(tt, carry):
        jt_a = 2 * tt
        fire_pair(jt_a + 1, 1)
        compute_pair(jt_a, tt, 0)

        nxt = jt_a + 2

        @pl.when(nxt == TSLOTS)
        def _():
            fire_rows(diag_start, 0)

        @pl.when(nxt < TSLOTS)
        def _():
            fire_pair(nxt, 0)

        compute_pair(jt_a + 1, tt, 1)
        return carry

    lax.fori_loop(0, TSLOTS // 2, loop_body, 0)

    r0 = wid * B
    drain_in(0)
    drain_out(0)
    drain_out(0)
    sblk, tblk = SB[0], TB[0]

    def drow(rr, carry):
        r = (B - 1) - rr
        d = shift_of(diag_start(r))
        rsplat = jnp.full((LANES,), 0, jnp.int32) + r
        zero = jnp.zeros((LANES,), jnp.float32)
        for k in range(B // LANES):
            jv = k * LANES + iota
            v = sblk[r, pl.ds(d + k * LANES, LANES)]
            mask = jv > r
            tblk[r, pl.ds(k * LANES, LANES)] = jnp.where(mask, v, zero)
            plsc.store_scatter(tblk, [jv, rsplat], -v, mask=mask)
        return carry

    lax.fori_loop(0, B, drow, 0, unroll=2)

    @pl.when(wid == 0)
    def _():
        zsplat = jnp.full((LANES,), 0, jnp.int32)
        for k in range(B // LANES):
            jv = k * LANES + iota
            idx = jnp.maximum(jv - 1, 0)
            v = plsc.load_gather(sblk, [zsplat, idx])
            tblk[0, pl.ds(k * LANES, LANES)] = jnp.where(
                jv > 0, v, jnp.zeros((LANES,), jnp.float32)
            )
            plsc.store_scatter(tblk, [jv, zsplat], -v, mask=jv > 0)

    pltpu.make_async_copy(
        tblk.at[:, pl.ds(0, B)],
        out_hbm.at[pl.ds(r0, B), pl.ds(r0, B)],
        SO[0],
    ).start()

    drain_out(1)
    drain_out(1)
    drain_out(0)


@jax.jit
def kernel(skewsym_params):
    mesh = plsc.VectorSubcoreMesh(core_axis_name="c", subcore_axis_name="s")
    f = pl.kernel(
        _body,
        out_type=jax.ShapeDtypeStruct((N, N), jnp.float32),
        mesh=mesh,
        compiler_params=pltpu.CompilerParams(
            use_tc_tiling_on_sc=False, needs_layout_passes=False
        ),
        scratch_types=[
            pltpu.VMEM((PADP,), jnp.int32),
            pltpu.VMEM((PADP,), jnp.int32),
            pltpu.VMEM((B, SW), jnp.float32),
            pltpu.VMEM((B, SW), jnp.float32),
            pltpu.VMEM((B, B), jnp.float32),
            pltpu.VMEM((B, B), jnp.float32),
            pltpu.VMEM((B, SW), jnp.float32),
            pltpu.VMEM((B, SW), jnp.float32),
            pltpu.SemaphoreType.DMA,
            pltpu.SemaphoreType.DMA,
            pltpu.SemaphoreType.DMA,
            pltpu.SemaphoreType.DMA,
        ],
    )
    return f(skewsym_params, jnp.asarray(_bi_tab), jnp.asarray(_bj_tab))

# --- scband reference (transcript-rebuilt; emitter-appended) ---
"""Pipeline reference for scband-skew-symmetric-matrix-27719718928665 (READ-ONLY COPY).

The authoritative reference and input builder live on the scoring server;
editing this copy changes nothing except your own understanding.
"""

import jax, jax.numpy as jnp
import numpy as np

LATENT_DIM = 4096
N_PARAMS = LATENT_DIM * (LATENT_DIM - 1) // 2


def setup_inputs(seed: int = 0) -> dict:
    key = jax.random.key(seed)
    skewsym_params = jax.random.uniform(key, (N_PARAMS,), dtype=jnp.float32)
    return {"skewsym_params": skewsym_params}


def reference(skewsym_params):
    # Faithful translation of SkewSymmetricMatrix.kmatrix():
    #   kmatrix = zeros(n, n)
    #   kmatrix[iu0, iu1] = params   (upper triangle, offset=1)
    #   kmatrix[iu1, iu0] = -params  (lower triangle)
    n = LATENT_DIM
    iu0, iu1 = jnp.triu_indices(n, k=1)
    kmatrix = jnp.zeros((n, n), dtype=skewsym_params.dtype)
    kmatrix = kmatrix.at[iu0, iu1].set(skewsym_params)
    kmatrix = kmatrix.at[iu1, iu0].set(-skewsym_params)
    return kmatrix

if __name__ == "__main__":
    import jax
    _d = setup_inputs()
    print(jax.jit(kernel)(*tuple(_d.values())))

</pallas_src>

<mosaic_0001>
#map = affine_map<(d0, d1) -> (0)>
#map1 = affine_map<(d0, d1) -> (0, 0)>
module attributes {stable_mosaic.version = 14 : i64} {
  func.func @_body(%arg0: i32, %arg1: i32, %arg2: memref<8386560xf32, #tpu.memory_space<hbm>>, %arg3: memref<528xi32, #tpu.memory_space<hbm>>, %arg4: memref<528xi32, #tpu.memory_space<hbm>>, %arg5: memref<4096x4096xf32, #tpu.memory_space<hbm>>, %arg6: memref<528xi32, #tpu.memory_space<vmem>>, %arg7: memref<528xi32, #tpu.memory_space<vmem>>, %arg8: memref<128x136xf32, #tpu.memory_space<vmem>>, %arg9: memref<128x136xf32, #tpu.memory_space<vmem>>, %arg10: memref<128x128xf32, #tpu.memory_space<vmem>>, %arg11: memref<128x128xf32, #tpu.memory_space<vmem>>, %arg12: memref<128x136xf32, #tpu.memory_space<vmem>>, %arg13: memref<128x136xf32, #tpu.memory_space<vmem>>, %arg14: memref<!tpu.dma_semaphore, #tpu.memory_space<semaphore_mem>>, %arg15: memref<!tpu.dma_semaphore, #tpu.memory_space<semaphore_mem>>, %arg16: memref<!tpu.dma_semaphore, #tpu.memory_space<semaphore_mem>>, %arg17: memref<!tpu.dma_semaphore, #tpu.memory_space<semaphore_mem>>) attributes {dimension_semantics = [#tpu.dimension_semantics<core_parallel>, #tpu.dimension_semantics<subcore_parallel>], iteration_bounds = array<i64: 2, 16>, scalar_prefetch = 0 : i64, scratch_operands = 12 : i64, tpu.core_type = #tpu.core_type<sc_vector_subcore>, window_params = [{transform_indices = #map}, {transform_indices = #map}, {transform_indices = #map}, {transform_indices = #map1}]} {
    %mul3A = arith.constant 2 : i32
    %mul3A_0 = arith.muli %arg1, %mul3A : i32
    %add3A = arith.addi %mul3A_0, %arg0 : i32
    "tpu.region"() ({
      %run_scoped3A = tpu.sem_alloc : memref<!tpu.dma_semaphore, #tpu.memory_space<semaphore_mem>>
      tpu.enqueue_dma source(%arg3 : memref<528xi32, #tpu.memory_space<hbm>>) target(%arg6 : memref<528xi32, #tpu.memory_space<vmem>>) target_semaphore(%run_scoped3A : memref<!tpu.dma_semaphore, #tpu.memory_space<semaphore_mem>>)
      tpu.wait_dma2 semaphore(%run_scoped3A : memref<!tpu.dma_semaphore, #tpu.memory_space<semaphore_mem>>) src(%arg3 : memref<528xi32, #tpu.memory_space<hbm>>) dst(%arg6 : memref<528xi32, #tpu.memory_space<vmem>>)
      tpu.yield
    }) : () -> ()
    "tpu.region"() ({
      %run_scoped3A = tpu.sem_alloc : memref<!tpu.dma_semaphore, #tpu.memory_space<semaphore_mem>>
      tpu.enqueue_dma source(%arg4 : memref<528xi32, #tpu.memory_space<hbm>>) target(%arg7 : memref<528xi32, #tpu.memory_space<vmem>>) target_semaphore(%run_scoped3A : memref<!tpu.dma_semaphore, #tpu.memory_space<semaphore_mem>>)
      tpu.wait_dma2 semaphore(%run_scoped3A : memref<!tpu.dma_semaphore, #tpu.memory_space<semaphore_mem>>) src(%arg4 : memref<528xi32, #tpu.memory_space<hbm>>) dst(%arg7 : memref<528xi32, #tpu.memory_space<vmem>>)
      tpu.yield
    }) : () -> ()
    %iota3A = tpu.iota {dimensions = array<i32: 0>} : vector<16xi32>
    %add3A_1 = arith.constant 0 : i32
    %add3A_2 = arith.addi %add3A, %add3A_1 : i32
    %lt3A = arith.constant 496 : i32
    %lt3A_3 = arith.cmpi slt, %add3A_2, %lt3A : i32
    %convert_element_type3A = arith.extui %lt3A_3 : i1 to i32
    %cond3A = arith.constant 0 : i32
    %cond3A_4 = arith.cmpi ne, %convert_element_type3A, %cond3A : i32
    scf.if %cond3A_4 {
      %get3A = arith.index_cast %add3A_2 : i32 to index
      %get3A_64 = tpu.vector_load %arg6[%get3A] {strides = array<i32>} : memref<528xi32, #tpu.memory_space<vmem>>, vector<16xi32>,
      %slice3A = vector.extract_strided_slice %get3A_64 {offsets = [0], sizes = [1], strides = [1]} : vector<16xi32> to vector<1xi32>
      %squeeze3A = vector.extract %slice3A[0] : i32 from vector<1xi32>
      %get3A_65 = arith.index_cast %add3A_2 : i32 to index
      %get3A_66 = tpu.vector_load %arg7[%get3A_65] {strides = array<i32>} : memref<528xi32, #tpu.memory_space<vmem>>, vector<16xi32>,
      %slice3A_67 = vector.extract_strided_slice %get3A_66 {offsets = [0], sizes = [1], strides = [1]} : vector<16xi32> to vector<1xi32>
      %squeeze3A_68 = vector.extract %slice3A_67[0] : i32 from vector<1xi32>
      %scan3A_69 = arith.constant 0 : i32
      %scan3A_70 = arith.constant 0 : i32
      %scan3A_71 = arith.constant 128 : i32
      %scan3A_72 = arith.addi %scan3A_70, %scan3A_71 : i32
      %scan3A_73 = arith.constant 4 : i32
      scf.for %scan3A_75 = %scan3A_70 to %scan3A_72 step %scan3A_73  : i32 {
        %mul3A_76 = arith.constant 128 : i32
        %mul3A_77 = arith.muli %squeeze3A, %mul3A_76 : i32
        %add3A_78 = arith.addi %mul3A_77, %scan3A_75 : i32
        %mul3A_79 = arith.constant 4095 : i32
        %mul3A_80 = arith.muli %add3A_78, %mul3A_79 : i32
        %sub3A = arith.constant 1 : i32
        %sub3A_81 = arith.subi %add3A_78, %sub3A : i32
        %mul3A_82 = arith.muli %add3A_78, %sub3A_81 : i32
        %shift_right_arithmetic3A = arith.constant 1 : i32
        %shift_right_arithmetic3A_83 = arith.shrsi %mul3A_82, %shift_right_arithmetic3A : i32
        %sub3A_84 = arith.subi %mul3A_80, %shift_right_arithmetic3A_83 : i32
        %mul3A_85 = arith.constant 128 : i32
        %mul3A_86 = arith.muli %squeeze3A_68, %mul3A_85 : i32
        %add3A_87 = arith.addi %sub3A_84, %mul3A_86 : i32
        %sub3A_88 = arith.subi %add3A_87, %add3A_78 : i32
        %sub3A_89 = arith.constant 1 : i32
        %sub3A_90 = arith.subi %sub3A_88, %sub3A_89 : i32
        %and3A = arith.constant 7 : i32
        %and3A_91 = arith.andi %sub3A_90, %and3A : i32
        %sub3A_92 = arith.subi %sub3A_90, %and3A_91 : i32
        %min3A = arith.constant 8386424 : i32
        %min3A_93 = arith.minsi %sub3A_92, %min3A : i32
        %multiple_of3A = tpu.assume_multiple %min3A_93, 8 : i32
        %dma_start3A_94 = arith.constant 0 : i32
        %dma_start3A_95 = tpu.memref_slice %arg8[%scan3A_75, %dma_start3A_94] : memref<128x136xf32, #tpu.memory_space<vmem>> -> memref<1x136xf32, #tpu.memory_space<vmem>>
        %dma_start3A_96 = tpu.memref_squeeze %dma_start3A_95 : memref<1x136xf32, #tpu.memory_space<vmem>> -> memref<136xf32, #tpu.memory_space<vmem>>
        %dma_start3A_97 = tpu.memref_slice %arg2[%multiple_of3A] : memref<8386560xf32, #tpu.memory_space<hbm>> -> memref<136xf32, #tpu.memory_space<hbm>>
        %dma_start3A_98 = arith.constant 0 : i32
        %dma_start3A_99 = tpu.memref_slice %arg8[%scan3A_75, %dma_start3A_98] : memref<128x136xf32, #tpu.memory_space<vmem>> -> memref<1x136xf32, #tpu.memory_space<vmem>>
        %dma_start3A_100 = tpu.memref_squeeze %dma_start3A_99 : memref<1x136xf32, #tpu.memory_space<vmem>> -> memref<136xf32, #tpu.memory_space<vmem>>
        %dma_start3A_101 = tpu.memref_slice %arg2[%multiple_of3A] : memref<8386560xf32, #tpu.memory_space<hbm>> -> memref<136xf32, #tpu.memory_space<hbm>>
        tpu.enqueue_dma source(%dma_start3A_101 : memref<136xf32, #tpu.memory_space<hbm>>) target(%dma_start3A_100 : memref<136xf32, #tpu.memory_space<vmem>>) target_semaphore(%arg14 : memref<!tpu.dma_semaphore, #tpu.memory_space<semaphore_mem>>)
        %scan3A_102 = arith.constant 1 : i32
        %scan3A_103 = arith.addi %scan3A_75, %scan3A_102 : i32
        %mul3A_104 = arith.constant 128 : i32
        %mul3A_105 = arith.muli %squeeze3A, %mul3A_104 : i32
        %add3A_106 = arith.addi %mul3A_105, %scan3A_103 : i32
        %mul3A_107 = arith.constant 4095 : i32
        %mul3A_108 = arith.muli %add3A_106, %mul3A_107 : i32
        %sub3A_109 = arith.constant 1 : i32
        %sub3A_110 = arith.subi %add3A_106, %sub3A_109 : i32
        %mul3A_111 = arith.muli %add3A_106, %sub3A_110 : i32
        %shift_right_arithmetic3A_112 = arith.constant 1 : i32
        %shift_right_arithmetic3A_113 = arith.shrsi %mul3A_111, %shift_right_arithmetic3A_112 : i32
        %sub3A_114 = arith.subi %mul3A_108, %shift_right_arithmetic3A_113 : i32
        %mul3A_115 = arith.constant 128 : i32
        %mul3A_116 = arith.muli %squeeze3A_68, %mul3A_115 : i32
        %add3A_117 = arith.addi %sub3A_114, %mul3A_116 : i32
        %sub3A_118 = arith.subi %add3A_117, %add3A_106 : i32
        %sub3A_119 = arith.constant 1 : i32
        %sub3A_120 = arith.subi %sub3A_118, %sub3A_119 : i32
        %and3A_121 = arith.constant 7 : i32
        %and3A_122 = arith.andi %sub3A_120, %and3A_121 : i32
        %sub3A_123 = arith.subi %sub3A_120, %and3A_122 : i32
        %min3A_124 = arith.constant 8386424 : i32
        %min3A_125 = arith.minsi %sub3A_123, %min3A_124 : i32
        %multiple_of3A_126 = tpu.assume_multiple %min3A_125, 8 : i32
        %dma_start3A_127 = arith.constant 0 : i32
        %dma_start3A_128 = tpu.memref_slice %arg8[%scan3A_103, %dma_start3A_127] : memref<128x136xf32, #tpu.memory_space<vmem>> -> memref<1x136xf32, #tpu.memory_space<vmem>>
        %dma_start3A_129 = tpu.memref_squeeze %dma_start3A_128 : memref<1x136xf32, #tpu.memory_space<vmem>> -> memref<136xf32, #tpu.memory_space<vmem>>
        %dma_start3A_130 = tpu.memref_slice %arg2[%multiple_of3A_126] : memref<8386560xf32, #tpu.memory_space<hbm>> -> memref<136xf32, #tpu.memory_space<hbm>>
        %dma_start3A_131 = arith.constant 0 : i32
        %dma_start3A_132 = tpu.memref_slice %arg8[%scan3A_103, %dma_start3A_131] : memref<128x136xf32, #tpu.memory_space<vmem>> -> memref<1x136xf32, #tpu.memory_space<vmem>>
        %dma_start3A_133 = tpu.memref_squeeze %dma_start3A_132 : memref<1x136xf32, #tpu.memory_space<vmem>> -> memref<136xf32, #tpu.memory_space<vmem>>
        %dma_start3A_134 = tpu.memref_slice %arg2[%multiple_of3A_126] : memref<8386560xf32, #tpu.memory_space<hbm>> -> memref<136xf32, #tpu.memory_space<hbm>>
        tpu.enqueue_dma source(%dma_start3A_134 : memref<136xf32, #tpu.memory_space<hbm>>) target(%dma_start3A_133 : memref<136xf32, #tpu.memory_space<vmem>>) target_semaphore(%arg14 : memref<!tpu.dma_semaphore, #tpu.memory_space<semaphore_mem>>)
        %scan3A_135 = arith.constant 2 : i32
        %scan3A_136 = arith.addi %scan3A_75, %scan3A_135 : i32
        %mul3A_137 = arith.constant 128 : i32
        %mul3A_138 = arith.muli %squeeze3A, %mul3A_137 : i32
        %add3A_139 = arith.addi %mul3A_138, %scan3A_136 : i32
        %mul3A_140 = arith.constant 4095 : i32
        %mul3A_141 = arith.muli %add3A_139, %mul3A_140 : i32
        %sub3A_142 = arith.constant 1 : i32
        %sub3A_143 = arith.subi %add3A_139, %sub3A_142 : i32
        %mul3A_144 = arith.muli %add3A_139, %sub3A_143 : i32
        %shift_right_arithmetic3A_145 = arith.constant 1 : i32
        %shift_right_arithmetic3A_146 = arith.shrsi %mul3A_144, %shift_right_arithmetic3A_145 : i32
        %sub3A_147 = arith.subi %mul3A_141, %shift_right_arithmetic3A_146 : i32
        %mul3A_148 = arith.constant 128 : i32
        %mul3A_149 = arith.muli %squeeze3A_68, %mul3A_148 : i32
        %add3A_150 = arith.addi %sub3A_147, %mul3A_149 : i32
        %sub3A_151 = arith.subi %add3A_150, %add3A_139 : i32
        %sub3A_152 = arith.constant 1 : i32
        %sub3A_153 = arith.subi %sub3A_151, %sub3A_152 : i32
        %and3A_154 = arith.constant 7 : i32
        %and3A_155 = arith.andi %sub3A_153, %and3A_154 : i32
        %sub3A_156 = arith.subi %sub3A_153, %and3A_155 : i32
        %min3A_157 = arith.constant 8386424 : i32
        %min3A_158 = arith.minsi %sub3A_156, %min3A_157 : i32
        %multiple_of3A_159 = tpu.assume_multiple %min3A_158, 8 : i32
        %dma_start3A_160 = arith.constant 0 : i32
        %dma_start3A_161 = tpu.memref_slice %arg8[%scan3A_136, %dma_start3A_160] : memref<128x136xf32, #tpu.memory_space<vmem>> -> memref<1x136xf32, #tpu.memory_space<vmem>>
        %dma_start3A_162 = tpu.memref_squeeze %dma_start3A_161 : memref<1x136xf32, #tpu.memory_space<vmem>> -> memref<136xf32, #tpu.memory_space<vmem>>
        %dma_start3A_163 = tpu.memref_slice %arg2[%multiple_of3A_159] : memref<8386560xf32, #tpu.memory_space<hbm>> -> memref<136xf32, #tpu.memory_space<hbm>>
        %dma_start3A_164 = arith.constant 0 : i32
        %dma_start3A_165 = tpu.memref_slice %arg8[%scan3A_136, %dma_start3A_164] : memref<128x136xf32, #tpu.memory_space<vmem>> -> memref<1x136xf32, #tpu.memory_space<vmem>>
        %dma_start3A_166 = tpu.memref_squeeze %dma_start3A_165 : memref<1x136xf32, #tpu.memory_space<vmem>> -> memref<136xf32, #tpu.memory_space<vmem>>
        %dma_start3A_167 = tpu.memref_slice %arg2[%multiple_of3A_159] : memref<8386560xf32, #tpu.memory_space<hbm>> -> memref<136xf32, #tpu.memory_space<hbm>>
        tpu.enqueue_dma source(%dma_start3A_167 : memref<136xf32, #tpu.memory_space<hbm>>) target(%dma_start3A_166 : memref<136xf32, #tpu.memory_space<vmem>>) target_semaphore(%arg14 : memref<!tpu.dma_semaphore, #tpu.memory_space<semaphore_mem>>)
        %scan3A_168 = arith.constant 3 : i32
        %scan3A_169 = arith.addi %scan3A_75, %scan3A_168 : i32
        %mul3A_170 = arith.constant 128 : i32
        %mul3A_171 = arith.muli %squeeze3A, %mul3A_170 : i32
        %add3A_172 = arith.addi %mul3A_171, %scan3A_169 : i32
        %mul3A_173 = arith.constant 4095 : i32
        %mul3A_174 = arith.muli %add3A_172, %mul3A_173 : i32
        %sub3A_175 = arith.constant 1 : i32
        %sub3A_176 = arith.subi %add3A_172, %sub3A_175 : i32
        %mul3A_177 = arith.muli %add3A_172, %sub3A_176 : i32
        %shift_right_arithmetic3A_178 = arith.constant 1 : i32
        %shift_right_arithmetic3A_179 = arith.shrsi %mul3A_177, %shift_right_arithmetic3A_178 : i32
        %sub3A_180 = arith.subi %mul3A_174, %shift_right_arithmetic3A_179 : i32
        %mul3A_181 = arith.constant 128 : i32
        %mul3A_182 = arith.muli %squeeze3A_68, %mul3A_181 : i32
        %add3A_183 = arith.addi %sub3A_180, %mul3A_182 : i32
        %sub3A_184 = arith.subi %add3A_183, %add3A_172 : i32
        %sub3A_185 = arith.constant 1 : i32
        %sub3A_186 = arith.subi %sub3A_184, %sub3A_185 : i32
        %and3A_187 = arith.constant 7 : i32
        %and3A_188 = arith.andi %sub3A_186, %and3A_187 : i32
        %sub3A_189 = arith.subi %sub3A_186, %and3A_188 : i32
        %min3A_190 = arith.constant 8386424 : i32
        %min3A_191 = arith.minsi %sub3A_189, %min3A_190 : i32
        %multiple_of3A_192 = tpu.assume_multiple %min3A_191, 8 : i32
        %dma_start3A_193 = arith.constant 0 : i32
        %dma_start3A_194 = tpu.memref_slice %arg8[%scan3A_169, %dma_start3A_193] : memref<128x136xf32, #tpu.memory_space<vmem>> -> memref<1x136xf32, #tpu.memory_space<vmem>>
        %dma_start3A_195 = tpu.memref_squeeze %dma_start3A_194 : memref<1x136xf32, #tpu.memory_space<vmem>> -> memref<136xf32, #tpu.memory_space<vmem>>
        %dma_start3A_196 = tpu.memref_slice %arg2[%multiple_of3A_192] : memref<8386560xf32, #tpu.memory_space<hbm>> -> memref<136xf32, #tpu.memory_space<hbm>>
        %dma_start3A_197 = arith.constant 0 : i32
        %dma_start3A_198 = tpu.memref_slice %arg8[%scan3A_169, %dma_start3A_197] : memref<128x136xf32, #tpu.memory_space<vmem>> -> memref<1x136xf32, #tpu.memory_space<vmem>>
        %dma_start3A_199 = tpu.memref_squeeze %dma_start3A_198 : memref<1x136xf32, #tpu.memory_space<vmem>> -> memref<136xf32, #tpu.memory_space<vmem>>
        %dma_start3A_200 = tpu.memref_slice %arg2[%multiple_of3A_192] : memref<8386560xf32, #tpu.memory_space<hbm>> -> memref<136xf32, #tpu.memory_space<hbm>>
        tpu.enqueue_dma source(%dma_start3A_200 : memref<136xf32, #tpu.memory_space<hbm>>) target(%dma_start3A_199 : memref<136xf32, #tpu.memory_space<vmem>>) target_semaphore(%arg14 : memref<!tpu.dma_semaphore, #tpu.memory_space<semaphore_mem>>)
      }
      %scan3A_74 = arith.constant 128 : i32
    } else {
    }
    %scan3A = arith.constant 0 : i32
    %scan3A_5 = arith.constant 0 : i32
    %scan3A_6 = arith.constant 8 : i32
    %scan3A_7 = arith.addi %scan3A_5, %scan3A_6 : i32
    %scan3A_8 = arith.constant 1 : i32
    scf.for %scan3A_64 = %scan3A_5 to %scan3A_7 step %scan3A_8  : i32 {
      %mul3A_65 = arith.constant 2 : i32
      %mul3A_66 = arith.muli %mul3A_65, %scan3A_64 : i32
      %add3A_67 = arith.constant 1 : i32
      %add3A_68 = arith.addi %mul3A_66, %add3A_67 : i32
      %mul3A_69 = arith.constant 32 : i32
      %mul3A_70 = arith.muli %mul3A_69, %add3A_68 : i32
      %add3A_71 = arith.addi %add3A, %mul3A_70 : i32
      %lt3A_72 = arith.constant 496 : i32
      %lt3A_73 = arith.cmpi slt, %add3A_71, %lt3A_72 : i32
      %convert_element_type3A_74 = arith.extui %lt3A_73 : i1 to i32
      %cond3A_75 = arith.constant 0 : i32
      %cond3A_76 = arith.cmpi ne, %convert_element_type3A_74, %cond3A_75 : i32
      scf.if %cond3A_76 {
        %get3A = arith.index_cast %add3A_71 : i32 to index
        %get3A_107 = tpu.vector_load %arg6[%get3A] {strides = array<i32>} : memref<528xi32, #tpu.memory_space<vmem>>, vector<16xi32>,
        %slice3A = vector.extract_strided_slice %get3A_107 {offsets = [0], sizes = [1], strides = [1]} : vector<16xi32> to vector<1xi32>
        %squeeze3A = vector.extract %slice3A[0] : i32 from vector<1xi32>
        %get3A_108 = arith.index_cast %add3A_71 : i32 to index
        %get3A_109 = tpu.vector_load %arg7[%get3A_108] {strides = array<i32>} : memref<528xi32, #tpu.memory_space<vmem>>, vector<16xi32>,
        %slice3A_110 = vector.extract_strided_slice %get3A_109 {offsets = [0], sizes = [1], strides = [1]} : vector<16xi32> to vector<1xi32>
        %squeeze3A_111 = vector.extract %slice3A_110[0] : i32 from vector<1xi32>
        %scan3A_112 = arith.constant 0 : i32
        %scan3A_113 = arith.constant 0 : i32
        %scan3A_114 = arith.constant 128 : i32
        %scan3A_115 = arith.addi %scan3A_113, %scan3A_114 : i32
        %scan3A_116 = arith.constant 4 : i32
        scf.for %scan3A_118 = %scan3A_113 to %scan3A_115 step %scan3A_116  : i32 {
          %mul3A_119 = arith.constant 128 : i32
          %mul3A_120 = arith.muli %squeeze3A, %mul3A_119 : i32
          %add3A_121 = arith.addi %mul3A_120, %scan3A_118 : i32
          %mul3A_122 = arith.constant 4095 : i32
          %mul3A_123 = arith.muli %add3A_121, %mul3A_122 : i32
          %sub3A = arith.constant 1 : i32
          %sub3A_124 = arith.subi %add3A_121, %sub3A : i32
          %mul3A_125 = arith.muli %add3A_121, %sub3A_124 : i32
          %shift_right_arithmetic3A = arith.constant 1 : i32
          %shift_right_arithmetic3A_126 = arith.shrsi %mul3A_125, %shift_right_arithmetic3A : i32
          %sub3A_127 = arith.subi %mul3A_123, %shift_right_arithmetic3A_126 : i32
          %mul3A_128 = arith.constant 128 : i32
          %mul3A_129 = arith.muli %squeeze3A_111, %mul3A_128 : i32
          %add3A_130 = arith.addi %sub3A_127, %mul3A_129 : i32
          %sub3A_131 = arith.subi %add3A_130, %add3A_121 : i32
          %sub3A_132 = arith.constant 1 : i32
          %sub3A_133 = arith.subi %sub3A_131, %sub3A_132 : i32
          %and3A = arith.constant 7 : i32
          %and3A_134 = arith.andi %sub3A_133, %and3A : i32
          %sub3A_135 = arith.subi %sub3A_133, %and3A_134 : i32
          %min3A = arith.constant 8386424 : i32
          %min3A_136 = arith.minsi %sub3A_135, %min3A : i32
          %multiple_of3A = tpu.assume_multiple %min3A_136, 8 : i32
          %dma_start3A_137 = arith.constant 0 : i32
          %dma_start3A_138 = tpu.memref_slice %arg9[%scan3A_118, %dma_start3A_137] : memref<128x136xf32, #tpu.memory_space<vmem>> -> memref<1x136xf32, #tpu.memory_space<vmem>>
          %dma_start3A_139 = tpu.memref_squeeze %dma_start3A_138 : memref<1x136xf32, #tpu.memory_space<vmem>> -> memref<136xf32, #tpu.memory_space<vmem>>
          %dma_start3A_140 = tpu.memref_slice %arg2[%multiple_of3A] : memref<8386560xf32, #tpu.memory_space<hbm>> -> memref<136xf32, #tpu.memory_space<hbm>>
          %dma_start3A_141 = arith.constant 0 : i32
          %dma_start3A_142 = tpu.memref_slice %arg9[%scan3A_118, %dma_start3A_141] : memref<128x136xf32, #tpu.memory_space<vmem>> -> memref<1x136xf32, #tpu.memory_space<vmem>>
          %dma_start3A_143 = tpu.memref_squeeze %dma_start3A_142 : memref<1x136xf32, #tpu.memory_space<vmem>> -> memref<136xf32, #tpu.memory_space<vmem>>
          %dma_start3A_144 = tpu.memref_slice %arg2[%multiple_of3A] : memref<8386560xf32, #tpu.memory_space<hbm>> -> memref<136xf32, #tpu.memory_space<hbm>>
          tpu.enqueue_dma source(%dma_start3A_144 : memref<136xf32, #tpu.memory_space<hbm>>) target(%dma_start3A_143 : memref<136xf32, #tpu.memory_space<vmem>>) target_semaphore(%arg15 : memref<!tpu.dma_semaphore, #tpu.memory_space<semaphore_mem>>)
          %scan3A_145 = arith.constant 1 : i32
          %scan3A_146 = arith.addi %scan3A_118, %scan3A_145 : i32
          %mul3A_147 = arith.constant 128 : i32
          %mul3A_148 = arith.muli %squeeze3A, %mul3A_147 : i32
          %add3A_149 = arith.addi %mul3A_148, %scan3A_146 : i32
          %mul3A_150 = arith.constant 4095 : i32
          %mul3A_151 = arith.muli %add3A_149, %mul3A_150 : i32
          %sub3A_152 = arith.constant 1 : i32
          %sub3A_153 = arith.subi %add3A_149, %sub3A_152 : i32
          %mul3A_154 = arith.muli %add3A_149, %sub3A_153 : i32
          %shift_right_arithmetic3A_155 = arith.constant 1 : i32
          %shift_right_arithmetic3A_156 = arith.shrsi %mul3A_154, %shift_right_arithmetic3A_155 : i32
          %sub3A_157 = arith.subi %mul3A_151, %shift_right_arithmetic3A_156 : i32
          %mul3A_158 = arith.constant 128 : i32
          %mul3A_159 = arith.muli %squeeze3A_111, %mul3A_158 : i32
          %add3A_160 = arith.addi %sub3A_157, %mul3A_159 : i32
          %sub3A_161 = arith.subi %add3A_160, %add3A_149 : i32
          %sub3A_162 = arith.constant 1 : i32
          %sub3A_163 = arith.subi %sub3A_161, %sub3A_162 : i32
          %and3A_164 = arith.constant 7 : i32
          %and3A_165 = arith.andi %sub3A_163, %and3A_164 : i32
          %sub3A_166 = arith.subi %sub3A_163, %and3A_165 : i32
          %min3A_167 = arith.constant 8386424 : i32
          %min3A_168 = arith.minsi %sub3A_166, %min3A_167 : i32
          %multiple_of3A_169 = tpu.assume_multiple %min3A_168, 8 : i32
          %dma_start3A_170 = arith.constant 0 : i32
          %dma_start3A_171 = tpu.memref_slice %arg9[%scan3A_146, %dma_start3A_170] : memref<128x136xf32, #tpu.memory_space<vmem>> -> memref<1x136xf32, #tpu.memory_space<vmem>>
          %dma_start3A_172 = tpu.memref_squeeze %dma_start3A_171 : memref<1x136xf32, #tpu.memory_space<vmem>> -> memref<136xf32, #tpu.memory_space<vmem>>
          %dma_start3A_173 = tpu.memref_slice %arg2[%multiple_of3A_169] : memref<8386560xf32, #tpu.memory_space<hbm>> -> memref<136xf32, #tpu.memory_space<hbm>>
          %dma_start3A_174 = arith.constant 0 : i32
          %dma_start3A_175 = tpu.memref_slice %arg9[%scan3A_146, %dma_start3A_174] : memref<128x136xf32, #tpu.memory_space<vmem>> -> memref<1x136xf32, #tpu.memory_space<vmem>>
          %dma_start3A_176 = tpu.memref_squeeze %dma_start3A_175 : memref<1x136xf32, #tpu.memory_space<vmem>> -> memref<136xf32, #tpu.memory_space<vmem>>
          %dma_start3A_177 = tpu.memref_slice %arg2[%multiple_of3A_169] : memref<8386560xf32, #tpu.memory_space<hbm>> -> memref<136xf32, #tpu.memory_space<hbm>>
          tpu.enqueue_dma source(%dma_start3A_177 : memref<136xf32, #tpu.memory_space<hbm>>) target(%dma_start3A_176 : memref<136xf32, #tpu.memory_space<vmem>>) target_semaphore(%arg15 : memref<!tpu.dma_semaphore, #tpu.memory_space<semaphore_mem>>)
          %scan3A_178 = arith.constant 2 : i32
          %scan3A_179 = arith.addi %scan3A_118, %scan3A_178 : i32
          %mul3A_180 = arith.constant 128 : i32
          %mul3A_181 = arith.muli %squeeze3A, %mul3A_180 : i32
          %add3A_182 = arith.addi %mul3A_181, %scan3A_179 : i32
          %mul3A_183 = arith.constant 4095 : i32
          %mul3A_184 = arith.muli %add3A_182, %mul3A_183 : i32
          %sub3A_185 = arith.constant 1 : i32
          %sub3A_186 = arith.subi %add3A_182, %sub3A_185 : i32
          %mul3A_187 = arith.muli %add3A_182, %sub3A_186 : i32
          %shift_right_arithmetic3A_188 = arith.constant 1 : i32
          %shift_right_arithmetic3A_189 = arith.shrsi %mul3A_187, %shift_right_arithmetic3A_188 : i32
          %sub3A_190 = arith.subi %mul3A_184, %shift_right_arithmetic3A_189 : i32
          %mul3A_191 = arith.constant 128 : i32
          %mul3A_192 = arith.muli %squeeze3A_111, %mul3A_191 : i32
          %add3A_193 = arith.addi %sub3A_190, %mul3A_192 : i32
          %sub3A_194 = arith.subi %add3A_193, %add3A_182 : i32
          %sub3A_195 = arith.constant 1 : i32
          %sub3A_196 = arith.subi %sub3A_194, %sub3A_195 : i32
          %and3A_197 = arith.constant 7 : i32
          %and3A_198 = arith.andi %sub3A_196, %and3A_197 : i32
          %sub3A_199 = arith.subi %sub3A_196, %and3A_198 : i32
          %min3A_200 = arith.constant 8386424 : i32
          %min3A_201 = arith.minsi %sub3A_199, %min3A_200 : i32
          %multiple_of3A_202 = tpu.assume_multiple %min3A_201, 8 : i32
          %dma_start3A_203 = arith.constant 0 : i32
          %dma_start3A_204 = tpu.memref_slice %arg9[%scan3A_179, %dma_start3A_203] : memref<128x136xf32, #tpu.memory_space<vmem>> -> memref<1x136xf32, #tpu.memory_space<vmem>>
          %dma_start3A_205 = tpu.memref_squeeze %dma_start3A_204 : memref<1x136xf32, #tpu.memory_space<vmem>> -> memref<136xf32, #tpu.memory_space<vmem>>
          %dma_start3A_206 = tpu.memref_slice %arg2[%multiple_of3A_202] : memref<8386560xf32, #tpu.memory_space<hbm>> -> memref<136xf32, #tpu.memory_space<hbm>>
          %dma_start3A_207 = arith.constant 0 : i32
          %dma_start3A_208 = tpu.memref_slice %arg9[%scan3A_179, %dma_start3A_207] : memref<128x136xf32, #tpu.memory_space<vmem>> -> memref<1x136xf32, #tpu.memory_space<vmem>>
          %dma_start3A_209 = tpu.memref_squeeze %dma_start3A_208 : memref<1x136xf32, #tpu.memory_space<vmem>> -> memref<136xf32, #tpu.memory_space<vmem>>
          %dma_start3A_210 = tpu.memref_slice %arg2[%multiple_of3A_202] : memref<8386560xf32, #tpu.memory_space<hbm>> -> memref<136xf32, #tpu.memory_space<hbm>>
          tpu.enqueue_dma source(%dma_start3A_210 : memref<136xf32, #tpu.memory_space<hbm>>) target(%dma_start3A_209 : memref<136xf32, #tpu.memory_space<vmem>>) target_semaphore(%arg15 : memref<!tpu.dma_semaphore, #tpu.memory_space<semaphore_mem>>)
          %scan3A_211 = arith.constant 3 : i32
          %scan3A_212 = arith.addi %scan3A_118, %scan3A_211 : i32
          %mul3A_213 = arith.constant 128 : i32
          %mul3A_214 = arith.muli %squeeze3A, %mul3A_213 : i32
          %add3A_215 = arith.addi %mul3A_214, %scan3A_212 : i32
          %mul3A_216 = arith.constant 4095 : i32
          %mul3A_217 = arith.muli %add3A_215, %mul3A_216 : i32
          %sub3A_218 = arith.constant 1 : i32
          %sub3A_219 = arith.subi %add3A_215, %sub3A_218 : i32
          %mul3A_220 = arith.muli %add3A_215, %sub3A_219 : i32
          %shift_right_arithmetic3A_221 = arith.constant 1 : i32
          %shift_right_arithmetic3A_222 = arith.shrsi %mul3A_220, %shift_right_arithmetic3A_221 : i32
          %sub3A_223 = arith.subi %mul3A_217, %shift_right_arithmetic3A_222 : i32
          %mul3A_224 = arith.constant 128 : i32
          %mul3A_225 = arith.muli %squeeze3A_111, %mul3A_224 : i32
          %add3A_226 = arith.addi %sub3A_223, %mul3A_225 : i32
          %sub3A_227 = arith.subi %add3A_226, %add3A_215 : i32
          %sub3A_228 = arith.constant 1 : i32
          %sub3A_229 = arith.subi %sub3A_227, %sub3A_228 : i32
          %and3A_230 = arith.constant 7 : i32
          %and3A_231 = arith.andi %sub3A_229, %and3A_230 : i32
          %sub3A_232 = arith.subi %sub3A_229, %and3A_231 : i32
          %min3A_233 = arith.constant 8386424 : i32
          %min3A_234 = arith.minsi %sub3A_232, %min3A_233 : i32
          %multiple_of3A_235 = tpu.assume_multiple %min3A_234, 8 : i32
          %dma_start3A_236 = arith.constant 0 : i32
          %dma_start3A_237 = tpu.memref_slice %arg9[%scan3A_212, %dma_start3A_236] : memref<128x136xf32, #tpu.memory_space<vmem>> -> memref<1x136xf32, #tpu.memory_space<vmem>>
          %dma_start3A_238 = tpu.memref_squeeze %dma_start3A_237 : memref<1x136xf32, #tpu.memory_space<vmem>> -> memref<136xf32, #tpu.memory_space<vmem>>
          %dma_start3A_239 = tpu.memref_slice %arg2[%multiple_of3A_235] : memref<8386560xf32, #tpu.memory_space<hbm>> -> memref<136xf32, #tpu.memory_space<hbm>>
          %dma_start3A_240 = arith.constant 0 : i32
          %dma_start3A_241 = tpu.memref_slice %arg9[%scan3A_212, %dma_start3A_240] : memref<128x136xf32, #tpu.memory_space<vmem>> -> memref<1x136xf32, #tpu.memory_space<vmem>>
          %dma_start3A_242 = tpu.memref_squeeze %dma_start3A_241 : memref<1x136xf32, #tpu.memory_space<vmem>> -> memref<136xf32, #tpu.memory_space<vmem>>
          %dma_start3A_243 = tpu.memref_slice %arg2[%multiple_of3A_235] : memref<8386560xf32, #tpu.memory_space<hbm>> -> memref<136xf32, #tpu.memory_space<hbm>>
          tpu.enqueue_dma source(%dma_start3A_243 : memref<136xf32, #tpu.memory_space<hbm>>) target(%dma_start3A_242 : memref<136xf32, #tpu.memory_space<vmem>>) target_semaphore(%arg15 : memref<!tpu.dma_semaphore, #tpu.memory_space<semaphore_mem>>)
        }
        %scan3A_117 = arith.constant 128 : i32
      } else {
      }
      %mul3A_77 = arith.constant 32 : i32
      %mul3A_78 = arith.muli %mul3A_77, %mul3A_66 : i32
      %add3A_79 = arith.addi %add3A, %mul3A_78 : i32
      %lt3A_80 = arith.constant 496 : i32
      %lt3A_81 = arith.cmpi slt, %add3A_79, %lt3A_80 : i32
      %convert_element_type3A_82 = arith.extui %lt3A_81 : i1 to i32
      %cond3A_83 = arith.constant 0 : i32
      %cond3A_84 = arith.cmpi ne, %convert_element_type3A_82, %cond3A_83 : i32
      scf.if %cond3A_84 {
        %dma_wait3A_107 = arith.constant 0 : i32
        %dma_wait3A_108 = arith.constant 0 : i32
        %dma_wait3A_109 = tpu.memref_slice %arg5[%dma_wait3A_107, %dma_wait3A_108] : memref<4096x4096xf32, #tpu.memory_space<hbm>> -> memref<128x136xf32, #tpu.memory_space<hbm>>
        %dma_wait3A_110 = arith.constant 0 : i32
        %dma_wait3A_111 = arith.constant 0 : i32
        %dma_wait3A_112 = tpu.memref_slice %arg5[%dma_wait3A_110, %dma_wait3A_111] : memref<4096x4096xf32, #tpu.memory_space<hbm>> -> memref<128x136xf32, #tpu.memory_space<hbm>>
        tpu.wait_dma2 semaphore(%arg14 : memref<!tpu.dma_semaphore, #tpu.memory_space<semaphore_mem>>) src(%dma_wait3A_112 : memref<128x136xf32, #tpu.memory_space<hbm>>) dst(%arg8 : memref<128x136xf32, #tpu.memory_space<vmem>>)
        %ge3A = arith.constant 1 : i32
        %ge3A_113 = arith.cmpi sge, %scan3A_64, %ge3A : i32
        %convert_element_type3A_114 = arith.extui %ge3A_113 : i1 to i32
        %cond3A_115 = arith.constant 0 : i32
        %cond3A_116 = arith.cmpi ne, %convert_element_type3A_114, %cond3A_115 : i32
        scf.if %cond3A_116 {
          %dma_wait3A_143 = arith.constant 0 : i32
          %dma_wait3A_144 = arith.constant 0 : i32
          %dma_wait3A_145 = tpu.memref_slice %arg5[%dma_wait3A_143, %dma_wait3A_144] : memref<4096x4096xf32, #tpu.memory_space<hbm>> -> memref<128x128xf32, #tpu.memory_space<hbm>>
          %dma_wait3A_146 = arith.constant 0 : i32
          %dma_wait3A_147 = arith.constant 0 : i32
          %dma_wait3A_148 = tpu.memref_slice %arg5[%dma_wait3A_146, %dma_wait3A_147] : memref<4096x4096xf32, #tpu.memory_space<hbm>> -> memref<128x128xf32, #tpu.memory_space<hbm>>
          tpu.wait_dma2 semaphore(%arg16 : memref<!tpu.dma_semaphore, #tpu.memory_space<semaphore_mem>>) src(%dma_wait3A_148 : memref<128x128xf32, #tpu.memory_space<hbm>>) dst(%arg10 : memref<128x128xf32, #tpu.memory_space<vmem>>)
          %dma_wait3A_149 = arith.constant 0 : i32
          %dma_wait3A_150 = arith.constant 0 : i32
          %dma_wait3A_151 = tpu.memref_slice %arg5[%dma_wait3A_149, %dma_wait3A_150] : memref<4096x4096xf32, #tpu.memory_space<hbm>> -> memref<128x128xf32, #tpu.memory_space<hbm>>
          %dma_wait3A_152 = arith.constant 0 : i32
          %dma_wait3A_153 = arith.constant 0 : i32
          %dma_wait3A_154 = tpu.memref_slice %arg5[%dma_wait3A_152, %dma_wait3A_153] : memref<4096x4096xf32, #tpu.memory_space<hbm>> -> memref<128x128xf32, #tpu.memory_space<hbm>>
          tpu.wait_dma2 semaphore(%arg16 : memref<!tpu.dma_semaphore, #tpu.memory_space<semaphore_mem>>) src(%dma_wait3A_154 : memref<128x128xf32, #tpu.memory_space<hbm>>) dst(%arg10 : memref<128x128xf32, #tpu.memory_space<vmem>>)
        } else {
        }
        %get3A = arith.index_cast %add3A_79 : i32 to index
        %get3A_117 = tpu.vector_load %arg6[%get3A] {strides = array<i32>} : memref<528xi32, #tpu.memory_space<vmem>>, vector<16xi32>,
        %slice3A = vector.extract_strided_slice %get3A_117 {offsets = [0], sizes = [1], strides = [1]} : vector<16xi32> to vector<1xi32>
        %squeeze3A = vector.extract %slice3A[0] : i32 from vector<1xi32>
        %get3A_118 = arith.index_cast %add3A_79 : i32 to index
        %get3A_119 = tpu.vector_load %arg7[%get3A_118] {strides = array<i32>} : memref<528xi32, #tpu.memory_space<vmem>>, vector<16xi32>,
        %slice3A_120 = vector.extract_strided_slice %get3A_119 {offsets = [0], sizes = [1], strides = [1]} : vector<16xi32> to vector<1xi32>
        %squeeze3A_121 = vector.extract %slice3A_120[0] : i32 from vector<1xi32>
        %mul3A_122 = arith.constant 128 : i32
        %mul3A_123 = arith.muli %squeeze3A, %mul3A_122 : i32
        %multiple_of3A = tpu.assume_multiple %mul3A_123, 128 : i32
        %mul3A_124 = arith.constant 128 : i32
        %mul3A_125 = arith.muli %squeeze3A_121, %mul3A_124 : i32
        %multiple_of3A_126 = tpu.assume_multiple %mul3A_125, 128 : i32
        %scan3A_127 = arith.constant 0 : i32
        %scan3A_128 = arith.constant 0 : i32
        %scan3A_129 = arith.constant 128 : i32
        %scan3A_130 = arith.addi %scan3A_128, %scan3A_129 : i32
        %scan3A_131 = arith.constant 2 : i32
        scf.for %scan3A_143 = %scan3A_128 to %scan3A_130 step %scan3A_131  : i32 {
          %mul3A_144 = arith.constant 128 : i32
          %mul3A_145 = arith.muli %squeeze3A, %mul3A_144 : i32
          %add3A_146 = arith.addi %mul3A_145, %scan3A_143 : i32
          %mul3A_147 = arith.constant 4095 : i32
          %mul3A_148 = arith.muli %add3A_146, %mul3A_147 : i32
          %sub3A = arith.constant 1 : i32
          %sub3A_149 = arith.subi %add3A_146, %sub3A : i32
          %mul3A_150 = arith.muli %add3A_146, %sub3A_149 : i32
          %shift_right_arithmetic3A = arith.constant 1 : i32
          %shift_right_arithmetic3A_151 = arith.shrsi %mul3A_150, %shift_right_arithmetic3A : i32
          %sub3A_152 = arith.subi %mul3A_148, %shift_right_arithmetic3A_151 : i32
          %mul3A_153 = arith.constant 128 : i32
          %mul3A_154 = arith.muli %squeeze3A_121, %mul3A_153 : i32
          %add3A_155 = arith.addi %sub3A_152, %mul3A_154 : i32
          %sub3A_156 = arith.subi %add3A_155, %add3A_146 : i32
          %sub3A_157 = arith.constant 1 : i32
          %sub3A_158 = arith.subi %sub3A_156, %sub3A_157 : i32
          %and3A = arith.constant 7 : i32
          %and3A_159 = arith.andi %sub3A_158, %and3A : i32
          %sub3A_160 = arith.constant 8386424 : i32
          %sub3A_161 = arith.subi %sub3A_158, %sub3A_160 : i32
          %max3A = arith.maxsi %and3A_159, %sub3A_161 : i32
          %broadcast_in_dim3A = arith.constant 0 : i32
          %broadcast_in_dim3A_162 = vector.broadcast %broadcast_in_dim3A : i32 to vector<16xi32>
          %add3A_163 = vector.broadcast %scan3A_143 : i32 to vector<16xi32>
          %add3A_164 = arith.addi %broadcast_in_dim3A_162, %add3A_163 : vector<16xi32>
          %add3A_165 = arith.constant 0 : i32
          %add3A_166 = arith.addi %max3A, %add3A_165 : i32
          %get3A_167 = arith.index_cast %scan3A_143 : i32 to index
          %get3A_168 = arith.index_cast %add3A_166 : i32 to index
          %get3A_169 = tpu.vector_load %arg8[%get3A_167, %get3A_168] {strides = array<i32>} : memref<128x136xf32, #tpu.memory_space<vmem>>, vector<16xf32>,
          %swap3A = arith.index_cast %scan3A_143 : i32 to index
          %swap3A_170 = arith.constant 0 : index
          %swap3A_171 = tpu.vector_load %arg10[%swap3A, %swap3A_170] {strides = array<i32>} : memref<128x128xf32, #tpu.memory_space<vmem>>, vector<16xf32>,
          tpu.vector_store %arg10[%swap3A, %swap3A_170], %get3A_169 {strides = array<i32>} : memref<128x128xf32, #tpu.memory_space<vmem>>, vector<16xf32>,
          %add3A_172 = arith.constant 0 : i32
          %add3A_173 = vector.broadcast %add3A_172 : i32 to vector<16xi32>
          %add3A_174 = arith.addi %add3A_173, %iota3A : vector<16xi32>
          %neg3A = arith.constant 0.000000e+00 : f32
          %neg3A_175 = vector.broadcast %neg3A : f32 to vector<16xf32>
          %neg3A_176 = arith.subf %neg3A_175, %get3A_169 : vector<16xf32>
          tpu.vector_store_idx %arg12[%add3A_174, %add3A_164], %neg3A_176 : memref<128x136xf32, #tpu.memory_space<vmem>>[vector<16xi32>, vector<16xi32>], vector<16xf32>,
          %add3A_177 = arith.constant 16 : i32
          %add3A_178 = arith.addi %max3A, %add3A_177 : i32
          %get3A_179 = arith.index_cast %scan3A_143 : i32 to index
          %get3A_180 = arith.index_cast %add3A_178 : i32 to index
          %get3A_181 = tpu.vector_load %arg8[%get3A_179, %get3A_180] {strides = array<i32>} : memref<128x136xf32, #tpu.memory_space<vmem>>, vector<16xf32>,
          %swap3A_182 = arith.index_cast %scan3A_143 : i32 to index
          %swap3A_183 = arith.constant 16 : index
          %swap3A_184 = tpu.vector_load %arg10[%swap3A_182, %swap3A_183] {strides = array<i32>} : memref<128x128xf32, #tpu.memory_space<vmem>>, vector<16xf32>,
          tpu.vector_store %arg10[%swap3A_182, %swap3A_183], %get3A_181 {strides = array<i32>} : memref<128x128xf32, #tpu.memory_space<vmem>>, vector<16xf32>,
          %add3A_185 = arith.constant 16 : i32
          %add3A_186 = vector.broadcast %add3A_185 : i32 to vector<16xi32>
          %add3A_187 = arith.addi %add3A_186, %iota3A : vector<16xi32>
          %neg3A_188 = arith.constant 0.000000e+00 : f32
          %neg3A_189 = vector.broadcast %neg3A_188 : f32 to vector<16xf32>
          %neg3A_190 = arith.subf %neg3A_189, %get3A_181 : vector<16xf32>
          tpu.vector_store_idx %arg12[%add3A_187, %add3A_164], %neg3A_190 : memref<128x136xf32, #tpu.memory_space<vmem>>[vector<16xi32>, vector<16xi32>], vector<16xf32>,
          %add3A_191 = arith.constant 32 : i32
          %add3A_192 = arith.addi %max3A, %add3A_191 : i32
          %get3A_193 = arith.index_cast %scan3A_143 : i32 to index
          %get3A_194 = arith.index_cast %add3A_192 : i32 to index
          %get3A_195 = tpu.vector_load %arg8[%get3A_193, %get3A_194] {strides = array<i32>} : memref<128x136xf32, #tpu.memory_space<vmem>>, vector<16xf32>,
          %swap3A_196 = arith.index_cast %scan3A_143 : i32 to index
          %swap3A_197 = arith.constant 32 : index
          %swap3A_198 = tpu.vector_load %arg10[%swap3A_196, %swap3A_197] {strides = array<i32>} : memref<128x128xf32, #tpu.memory_space<vmem>>, vector<16xf32>,
          tpu.vector_store %arg10[%swap3A_196, %swap3A_197], %get3A_195 {strides = array<i32>} : memref<128x128xf32, #tpu.memory_space<vmem>>, vector<16xf32>,
          %add3A_199 = arith.constant 32 : i32
          %add3A_200 = vector.broadcast %add3A_199 : i32 to vector<16xi32>
          %add3A_201 = arith.addi %add3A_200, %iota3A : vector<16xi32>
          %neg3A_202 = arith.constant 0.000000e+00 : f32
          %neg3A_203 = vector.broadcast %neg3A_202 : f32 to vector<16xf32>
          %neg3A_204 = arith.subf %neg3A_203, %get3A_195 : vector<16xf32>
          tpu.vector_store_idx %arg12[%add3A_201, %add3A_164], %neg3A_204 : memref<128x136xf32, #tpu.memory_space<vmem>>[vector<16xi32>, vector<16xi32>], vector<16xf32>,
          %add3A_205 = arith.constant 48 : i32
          %add3A_206 = arith.addi %max3A, %add3A_205 : i32
          %get3A_207 = arith.index_cast %scan3A_143 : i32 to index
          %get3A_208 = arith.index_cast %add3A_206 : i32 to index
          %get3A_209 = tpu.vector_load %arg8[%get3A_207, %get3A_208] {strides = array<i32>} : memref<128x136xf32, #tpu.memory_space<vmem>>, vector<16xf32>,
          %swap3A_210 = arith.index_cast %scan3A_143 : i32 to index
          %swap3A_211 = arith.constant 48 : index
          %swap3A_212 = tpu.vector_load %arg10[%swap3A_210, %swap3A_211] {strides = array<i32>} : memref<128x128xf32, #tpu.memory_space<vmem>>, vector<16xf32>,
          tpu.vector_store %arg10[%swap3A_210, %swap3A_211], %get3A_209 {strides = array<i32>} : memref<128x128xf32, #tpu.memory_space<vmem>>, vector<16xf32>,
          %add3A_213 = arith.constant 48 : i32
          %add3A_214 = vector.broadcast %add3A_213 : i32 to vector<16xi32>
          %add3A_215 = arith.addi %add3A_214, %iota3A : vector<16xi32>
          %neg3A_216 = arith.constant 0.000000e+00 : f32
          %neg3A_217 = vector.broadcast %neg3A_216 : f32 to vector<16xf32>
          %neg3A_218 = arith.subf %neg3A_217, %get3A_209 : vector<16xf32>
          tpu.vector_store_idx %arg12[%add3A_215, %add3A_164], %neg3A_218 : memref<128x136xf32, #tpu.memory_space<vmem>>[vector<16xi32>, vector<16xi32>], vector<16xf32>,
          %add3A_219 = arith.constant 64 : i32
          %add3A_220 = arith.addi %max3A, %add3A_219 : i32
          %get3A_221 = arith.index_cast %scan3A_143 : i32 to index
          %get3A_222 = arith.index_cast %add3A_220 : i32 to index
          %get3A_223 = tpu.vector_load %arg8[%get3A_221, %get3A_222] {strides = array<i32>} : memref<128x136xf32, #tpu.memory_space<vmem>>, vector<16xf32>,
          %swap3A_224 = arith.index_cast %scan3A_143 : i32 to index
          %swap3A_225 = arith.constant 64 : index
          %swap3A_226 = tpu.vector_load %arg10[%swap3A_224, %swap3A_225] {strides = array<i32>} : memref<128x128xf32, #tpu.memory_space<vmem>>, vector<16xf32>,
          tpu.vector_store %arg10[%swap3A_224, %swap3A_225], %get3A_223 {strides = array<i32>} : memref<128x128xf32, #tpu.memory_space<vmem>>, vector<16xf32>,
          %add3A_227 = arith.constant 64 : i32
          %add3A_228 = vector.broadcast %add3A_227 : i32 to vector<16xi32>
          %add3A_229 = arith.addi %add3A_228, %iota3A : vector<16xi32>
          %neg3A_230 = arith.constant 0.000000e+00 : f32
          %neg3A_231 = vector.broadcast %neg3A_230 : f32 to vector<16xf32>
          %neg3A_232 = arith.subf %neg3A_231, %get3A_223 : vector<16xf32>
          tpu.vector_store_idx %arg12[%add3A_229, %add3A_164], %neg3A_232 : memref<128x136xf32, #tpu.memory_space<vmem>>[vector<16xi32>, vector<16xi32>], vector<16xf32>,
          %add3A_233 = arith.constant 80 : i32
          %add3A_234 = arith.addi %max3A, %add3A_233 : i32
          %get3A_235 = arith.index_cast %scan3A_143 : i32 to index
          %get3A_236 = arith.index_cast %add3A_234 : i32 to index
          %get3A_237 = tpu.vector_load %arg8[%get3A_235, %get3A_236] {strides = array<i32>} : memref<128x136xf32, #tpu.memory_space<vmem>>, vector<16xf32>,
          %swap3A_238 = arith.index_cast %scan3A_143 : i32 to index
          %swap3A_239 = arith.constant 80 : index
          %swap3A_240 = tpu.vector_load %arg10[%swap3A_238, %swap3A_239] {strides = array<i32>} : memref<128x128xf32, #tpu.memory_space<vmem>>, vector<16xf32>,
          tpu.vector_store %arg10[%swap3A_238, %swap3A_239], %get3A_237 {strides = array<i32>} : memref<128x128xf32, #tpu.memory_space<vmem>>, vector<16xf32>,
          %add3A_241 = arith.constant 80 : i32
          %add3A_242 = vector.broadcast %add3A_241 : i32 to vector<16xi32>
          %add3A_243 = arith.addi %add3A_242, %iota3A : vector<16xi32>
          %neg3A_244 = arith.constant 0.000000e+00 : f32
          %neg3A_245 = vector.broadcast %neg3A_244 : f32 to vector<16xf32>
          %neg3A_246 = arith.subf %neg3A_245, %get3A_237 : vector<16xf32>
          tpu.vector_store_idx %arg12[%add3A_243, %add3A_164], %neg3A_246 : memref<128x136xf32, #tpu.memory_space<vmem>>[vector<16xi32>, vector<16xi32>], vector<16xf32>,
          %add3A_247 = arith.constant 96 : i32
          %add3A_248 = arith.addi %max3A, %add3A_247 : i32
          %get3A_249 = arith.index_cast %scan3A_143 : i32 to index
          %get3A_250 = arith.index_cast %add3A_248 : i32 to index
          %get3A_251 = tpu.vector_load %arg8[%get3A_249, %get3A_250] {strides = array<i32>} : memref<128x136xf32, #tpu.memory_space<vmem>>, vector<16xf32>,
          %swap3A_252 = arith.index_cast %scan3A_143 : i32 to index
          %swap3A_253 = arith.constant 96 : index
          %swap3A_254 = tpu.vector_load %arg10[%swap3A_252, %swap3A_253] {strides = array<i32>} : memref<128x128xf32, #tpu.memory_space<vmem>>, vector<16xf32>,
          tpu.vector_store %arg10[%swap3A_252, %swap3A_253], %get3A_251 {strides = array<i32>} : memref<128x128xf32, #tpu.memory_space<vmem>>, vector<16xf32>,
          %add3A_255 = arith.constant 96 : i32
          %add3A_256 = vector.broadcast %add3A_255 : i32 to vector<16xi32>
          %add3A_257 = arith.addi %add3A_256, %iota3A : vector<16xi32>
          %neg3A_258 = arith.constant 0.000000e+00 : f32
          %neg3A_259 = vector.broadcast %neg3A_258 : f32 to vector<16xf32>
          %neg3A_260 = arith.subf %neg3A_259, %get3A_251 : vector<16xf32>
          tpu.vector_store_idx %arg12[%add3A_257, %add3A_164], %neg3A_260 : memref<128x136xf32, #tpu.memory_space<vmem>>[vector<16xi32>, vector<16xi32>], vector<16xf32>,
          %add3A_261 = arith.constant 112 : i32
          %add3A_262 = arith.addi %max3A, %add3A_261 : i32
          %get3A_263 = arith.index_cast %scan3A_143 : i32 to index
          %get3A_264 = arith.index_cast %add3A_262 : i32 to index
          %get3A_265 = tpu.vector_load %arg8[%get3A_263, %get3A_264] {strides = array<i32>} : memref<128x136xf32, #tpu.memory_space<vmem>>, vector<16xf32>,
          %swap3A_266 = arith.index_cast %scan3A_143 : i32 to index
          %swap3A_267 = arith.constant 112 : index
          %swap3A_268 = tpu.vector_load %arg10[%swap3A_266, %swap3A_267] {strides = array<i32>} : memref<128x128xf32, #tpu.memory_space<vmem>>, vector<16xf32>,
          tpu.vector_store %arg10[%swap3A_266, %swap3A_267], %get3A_265 {strides = array<i32>} : memref<128x128xf32, #tpu.memory_space<vmem>>, vector<16xf32>,
          %add3A_269 = arith.constant 112 : i32
          %add3A_270 = vector.broadcast %add3A_269 : i32 to vector<16xi32>
          %add3A_271 = arith.addi %add3A_270, %iota3A : vector<16xi32>
          %neg3A_272 = arith.constant 0.000000e+00 : f32
          %neg3A_273 = vector.broadcast %neg3A_272 : f32 to vector<16xf32>
          %neg3A_274 = arith.subf %neg3A_273, %get3A_265 : vector<16xf32>
          tpu.vector_store_idx %arg12[%add3A_271, %add3A_164], %neg3A_274 : memref<128x136xf32, #tpu.memory_space<vmem>>[vector<16xi32>, vector<16xi32>], vector<16xf32>,
          %scan3A_275 = arith.constant 1 : i32
          %scan3A_276 = arith.addi %scan3A_143, %scan3A_275 : i32
          %mul3A_277 = arith.constant 128 : i32
          %mul3A_278 = arith.muli %squeeze3A, %mul3A_277 : i32
          %add3A_279 = arith.addi %mul3A_278, %scan3A_276 : i32
          %mul3A_280 = arith.constant 4095 : i32
          %mul3A_281 = arith.muli %add3A_279, %mul3A_280 : i32
          %sub3A_282 = arith.constant 1 : i32
          %sub3A_283 = arith.subi %add3A_279, %sub3A_282 : i32
          %mul3A_284 = arith.muli %add3A_279, %sub3A_283 : i32
          %shift_right_arithmetic3A_285 = arith.constant 1 : i32
          %shift_right_arithmetic3A_286 = arith.shrsi %mul3A_284, %shift_right_arithmetic3A_285 : i32
          %sub3A_287 = arith.subi %mul3A_281, %shift_right_arithmetic3A_286 : i32
          %mul3A_288 = arith.constant 128 : i32
          %mul3A_289 = arith.muli %squeeze3A_121, %mul3A_288 : i32
          %add3A_290 = arith.addi %sub3A_287, %mul3A_289 : i32
          %sub3A_291 = arith.subi %add3A_290, %add3A_279 : i32
          %sub3A_292 = arith.constant 1 : i32
          %sub3A_293 = arith.subi %sub3A_291, %sub3A_292 : i32
          %and3A_294 = arith.constant 7 : i32
          %and3A_295 = arith.andi %sub3A_293, %and3A_294 : i32
          %sub3A_296 = arith.constant 8386424 : i32
          %sub3A_297 = arith.subi %sub3A_293, %sub3A_296 : i32
          %max3A_298 = arith.maxsi %and3A_295, %sub3A_297 : i32
          %broadcast_in_dim3A_299 = arith.constant 0 : i32
          %broadcast_in_dim3A_300 = vector.broadcast %broadcast_in_dim3A_299 : i32 to vector<16xi32>
          %add3A_301 = vector.broadcast %scan3A_276 : i32 to vector<16xi32>
          %add3A_302 = arith.addi %broadcast_in_dim3A_300, %add3A_301 : vector<16xi32>
          %add3A_303 = arith.constant 0 : i32
          %add3A_304 = arith.addi %max3A_298, %add3A_303 : i32
          %get3A_305 = arith.index_cast %scan3A_276 : i32 to index
          %get3A_306 = arith.index_cast %add3A_304 : i32 to index
          %get3A_307 = tpu.vector_load %arg8[%get3A_305, %get3A_306] {strides = array<i32>} : memref<128x136xf32, #tpu.memory_space<vmem>>, vector<16xf32>,
          %swap3A_308 = arith.index_cast %scan3A_276 : i32 to index
          %swap3A_309 = arith.constant 0 : index
          %swap3A_310 = tpu.vector_load %arg10[%swap3A_308, %swap3A_309] {strides = array<i32>} : memref<128x128xf32, #tpu.memory_space<vmem>>, vector<16xf32>,
          tpu.vector_store %arg10[%swap3A_308, %swap3A_309], %get3A_307 {strides = array<i32>} : memref<128x128xf32, #tpu.memory_space<vmem>>, vector<16xf32>,
          %add3A_311 = arith.constant 0 : i32
          %add3A_312 = vector.broadcast %add3A_311 : i32 to vector<16xi32>
          %add3A_313 = arith.addi %add3A_312, %iota3A : vector<16xi32>
          %neg3A_314 = arith.constant 0.000000e+00 : f32
          %neg3A_315 = vector.broadcast %neg3A_314 : f32 to vector<16xf32>
          %neg3A_316 = arith.subf %neg3A_315, %get3A_307 : vector<16xf32>
          tpu.vector_store_idx %arg12[%add3A_313, %add3A_302], %neg3A_316 : memref<128x136xf32, #tpu.memory_space<vmem>>[vector<16xi32>, vector<16xi32>], vector<16xf32>,
          %add3A_317 = arith.constant 16 : i32
          %add3A_318 = arith.addi %max3A_298, %add3A_317 : i32
          %get3A_319 = arith.index_cast %scan3A_276 : i32 to index
          %get3A_320 = arith.index_cast %add3A_318 : i32 to index
          %get3A_321 = tpu.vector_load %arg8[%get3A_319, %get3A_320] {strides = array<i32>} : memref<128x136xf32, #tpu.memory_space<vmem>>, vector<16xf32>,
          %swap3A_322 = arith.index_cast %scan3A_276 : i32 to index
          %swap3A_323 = arith.constant 16 : index
          %swap3A_324 = tpu.vector_load %arg10[%swap3A_322, %swap3A_323] {strides = array<i32>} : memref<128x128xf32, #tpu.memory_space<vmem>>, vector<16xf32>,
          tpu.vector_store %arg10[%swap3A_322, %swap3A_323], %get3A_321 {strides = array<i32>} : memref<128x128xf32, #tpu.memory_space<vmem>>, vector<16xf32>,
          %add3A_325 = arith.constant 16 : i32
          %add3A_326 = vector.broadcast %add3A_325 : i32 to vector<16xi32>
          %add3A_327 = arith.addi %add3A_326, %iota3A : vector<16xi32>
          %neg3A_328 = arith.constant 0.000000e+00 : f32
          %neg3A_329 = vector.broadcast %neg3A_328 : f32 to vector<16xf32>
          %neg3A_330 = arith.subf %neg3A_329, %get3A_321 : vector<16xf32>
          tpu.vector_store_idx %arg12[%add3A_327, %add3A_302], %neg3A_330 : memref<128x136xf32, #tpu.memory_space<vmem>>[vector<16xi32>, vector<16xi32>], vector<16xf32>,
          %add3A_331 = arith.constant 32 : i32
          %add3A_332 = arith.addi %max3A_298, %add3A_331 : i32
          %get3A_333 = arith.index_cast %scan3A_276 : i32 to index
          %get3A_334 = arith.index_cast %add3A_332 : i32 to index
          %get3A_335 = tpu.vector_load %arg8[%get3A_333, %get3A_334] {strides = array<i32>} : memref<128x136xf32, #tpu.memory_space<vmem>>, vector<16xf32>,
          %swap3A_336 = arith.index_cast %scan3A_276 : i32 to index
          %swap3A_337 = arith.constant 32 : index
          %swap3A_338 = tpu.vector_load %arg10[%swap3A_336, %swap3A_337] {strides = array<i32>} : memref<128x128xf32, #tpu.memory_space<vmem>>, vector<16xf32>,
          tpu.vector_store %arg10[%swap3A_336, %swap3A_337], %get3A_335 {strides = array<i32>} : memref<128x128xf32, #tpu.memory_space<vmem>>, vector<16xf32>,
          %add3A_339 = arith.constant 32 : i32
          %add3A_340 = vector.broadcast %add3A_339 : i32 to vector<16xi32>
          %add3A_341 = arith.addi %add3A_340, %iota3A : vector<16xi32>
          %neg3A_342 = arith.constant 0.000000e+00 : f32
          %neg3A_343 = vector.broadcast %neg3A_342 : f32 to vector<16xf32>
          %neg3A_344 = arith.subf %neg3A_343, %get3A_335 : vector<16xf32>
          tpu.vector_store_idx %arg12[%add3A_341, %add3A_302], %neg3A_344 : memref<128x136xf32, #tpu.memory_space<vmem>>[vector<16xi32>, vector<16xi32>], vector<16xf32>,
          %add3A_345 = arith.constant 48 : i32
          %add3A_346 = arith.addi %max3A_298, %add3A_345 : i32
          %get3A_347 = arith.index_cast %scan3A_276 : i32 to index
          %get3A_348 = arith.index_cast %add3A_346 : i32 to index
          %get3A_349 = tpu.vector_load %arg8[%get3A_347, %get3A_348] {strides = array<i32>} : memref<128x136xf32, #tpu.memory_space<vmem>>, vector<16xf32>,
          %swap3A_350 = arith.index_cast %scan3A_276 : i32 to index
          %swap3A_351 = arith.constant 48 : index
          %swap3A_352 = tpu.vector_load %arg10[%swap3A_350, %swap3A_351] {strides = array<i32>} : memref<128x128xf32, #tpu.memory_space<vmem>>, vector<16xf32>,
          tpu.vector_store %arg10[%swap3A_350, %swap3A_351], %get3A_349 {strides = array<i32>} : memref<128x128xf32, #tpu.memory_space<vmem>>, vector<16xf32>,
          %add3A_353 = arith.constant 48 : i32
          %add3A_354 = vector.broadcast %add3A_353 : i32 to vector<16xi32>
          %add3A_355 = arith.addi %add3A_354, %iota3A : vector<16xi32>
          %neg3A_356 = arith.constant 0.000000e+00 : f32
          %neg3A_357 = vector.broadcast %neg3A_356 : f32 to vector<16xf32>
          %neg3A_358 = arith.subf %neg3A_357, %get3A_349 : vector<16xf32>
          tpu.vector_store_idx %arg12[%add3A_355, %add3A_302], %neg3A_358 : memref<128x136xf32, #tpu.memory_space<vmem>>[vector<16xi32>, vector<16xi32>], vector<16xf32>,
          %add3A_359 = arith.constant 64 : i32
          %add3A_360 = arith.addi %max3A_298, %add3A_359 : i32
          %get3A_361 = arith.index_cast %scan3A_276 : i32 to index
          %get3A_362 = arith.index_cast %add3A_360 : i32 to index
          %get3A_363 = tpu.vector_load %arg8[%get3A_361, %get3A_362] {strides = array<i32>} : memref<128x136xf32, #tpu.memory_space<vmem>>, vector<16xf32>,
          %swap3A_364 = arith.index_cast %scan3A_276 : i32 to index
          %swap3A_365 = arith.constant 64 : index
          %swap3A_366 = tpu.vector_load %arg10[%swap3A_364, %swap3A_365] {strides = array<i32>} : memref<128x128xf32, #tpu.memory_space<vmem>>, vector<16xf32>,
          tpu.vector_store %arg10[%swap3A_364, %swap3A_365], %get3A_363 {strides = array<i32>} : memref<128x128xf32, #tpu.memory_space<vmem>>, vector<16xf32>,
          %add3A_367 = arith.constant 64 : i32
          %add3A_368 = vector.broadcast %add3A_367 : i32 to vector<16xi32>
          %add3A_369 = arith.addi %add3A_368, %iota3A : vector<16xi32>
          %neg3A_370 = arith.constant 0.000000e+00 : f32
          %neg3A_371 = vector.broadcast %neg3A_370 : f32 to vector<16xf32>
          %neg3A_372 = arith.subf %neg3A_371, %get3A_363 : vector<16xf32>
          tpu.vector_store_idx %arg12[%add3A_369, %add3A_302], %neg3A_372 : memref<128x136xf32, #tpu.memory_space<vmem>>[vector<16xi32>, vector<16xi32>], vector<16xf32>,
          %add3A_373 = arith.constant 80 : i32
          %add3A_374 = arith.addi %max3A_298, %add3A_373 : i32
          %get3A_375 = arith.index_cast %scan3A_276 : i32 to index
          %get3A_376 = arith.index_cast %add3A_374 : i32 to index
          %get3A_377 = tpu.vector_load %arg8[%get3A_375, %get3A_376] {strides = array<i32>} : memref<128x136xf32, #tpu.memory_space<vmem>>, vector<16xf32>,
          %swap3A_378 = arith.index_cast %scan3A_276 : i32 to index
          %swap3A_379 = arith.constant 80 : index
          %swap3A_380 = tpu.vector_load %arg10[%swap3A_378, %swap3A_379] {strides = array<i32>} : memref<128x128xf32, #tpu.memory_space<vmem>>, vector<16xf32>,
          tpu.vector_store %arg10[%swap3A_378, %swap3A_379], %get3A_377 {strides = array<i32>} : memref<128x128xf32, #tpu.memory_space<vmem>>, vector<16xf32>,
          %add3A_381 = arith.constant 80 : i32
          %add3A_382 = vector.broadcast %add3A_381 : i32 to vector<16xi32>
          %add3A_383 = arith.addi %add3A_382, %iota3A : vector<16xi32>
          %neg3A_384 = arith.constant 0.000000e+00 : f32
          %neg3A_385 = vector.broadcast %neg3A_384 : f32 to vector<16xf32>
          %neg3A_386 = arith.subf %neg3A_385, %get3A_377 : vector<16xf32>
          tpu.vector_store_idx %arg12[%add3A_383, %add3A_302], %neg3A_386 : memref<128x136xf32, #tpu.memory_space<vmem>>[vector<16xi32>, vector<16xi32>], vector<16xf32>,
          %add3A_387 = arith.constant 96 : i32
          %add3A_388 = arith.addi %max3A_298, %add3A_387 : i32
          %get3A_389 = arith.index_cast %scan3A_276 : i32 to index
          %get3A_390 = arith.index_cast %add3A_388 : i32 to index
          %get3A_391 = tpu.vector_load %arg8[%get3A_389, %get3A_390] {strides = array<i32>} : memref<128x136xf32, #tpu.memory_space<vmem>>, vector<16xf32>,
          %swap3A_392 = arith.index_cast %scan3A_276 : i32 to index
          %swap3A_393 = arith.constant 96 : index
          %swap3A_394 = tpu.vector_load %arg10[%swap3A_392, %swap3A_393] {strides = array<i32>} : memref<128x128xf32, #tpu.memory_space<vmem>>, vector<16xf32>,
          tpu.vector_store %arg10[%swap3A_392, %swap3A_393], %get3A_391 {strides = array<i32>} : memref<128x128xf32, #tpu.memory_space<vmem>>, vector<16xf32>,
          %add3A_395 = arith.constant 96 : i32
          %add3A_396 = vector.broadcast %add3A_395 : i32 to vector<16xi32>
          %add3A_397 = arith.addi %add3A_396, %iota3A : vector<16xi32>
          %neg3A_398 = arith.constant 0.000000e+00 : f32
          %neg3A_399 = vector.broadcast %neg3A_398 : f32 to vector<16xf32>
          %neg3A_400 = arith.subf %neg3A_399, %get3A_391 : vector<16xf32>
          tpu.vector_store_idx %arg12[%add3A_397, %add3A_302], %neg3A_400 : memref<128x136xf32, #tpu.memory_space<vmem>>[vector<16xi32>, vector<16xi32>], vector<16xf32>,
          %add3A_401 = arith.constant 112 : i32
          %add3A_402 = arith.addi %max3A_298, %add3A_401 : i32
          %get3A_403 = arith.index_cast %scan3A_276 : i32 to index
          %get3A_404 = arith.index_cast %add3A_402 : i32 to index
          %get3A_405 = tpu.vector_load %arg8[%get3A_403, %get3A_404] {strides = array<i32>} : memref<128x136xf32, #tpu.memory_space<vmem>>, vector<16xf32>,
          %swap3A_406 = arith.index_cast %scan3A_276 : i32 to index
          %swap3A_407 = arith.constant 112 : index
          %swap3A_408 = tpu.vector_load %arg10[%swap3A_406, %swap3A_407] {strides = array<i32>} : memref<128x128xf32, #tpu.memory_space<vmem>>, vector<16xf32>,
          tpu.vector_store %arg10[%swap3A_406, %swap3A_407], %get3A_405 {strides = array<i32>} : memref<128x128xf32, #tpu.memory_space<vmem>>, vector<16xf32>,
          %add3A_409 = arith.constant 112 : i32
          %add3A_410 = vector.broadcast %add3A_409 : i32 to vector<16xi32>
          %add3A_411 = arith.addi %add3A_410, %iota3A : vector<16xi32>
          %neg3A_412 = arith.constant 0.000000e+00 : f32
          %neg3A_413 = vector.broadcast %neg3A_412 : f32 to vector<16xf32>
          %neg3A_414 = arith.subf %neg3A_413, %get3A_405 : vector<16xf32>
          tpu.vector_store_idx %arg12[%add3A_411, %add3A_302], %neg3A_414 : memref<128x136xf32, #tpu.memory_space<vmem>>[vector<16xi32>, vector<16xi32>], vector<16xf32>,
        }
        %scan3A_132 = arith.constant 128 : i32
        %dma_start3A_133 = tpu.memref_slice %arg5[%multiple_of3A, %multiple_of3A_126] : memref<4096x4096xf32, #tpu.memory_space<hbm>> -> memref<128x128xf32, #tpu.memory_space<hbm>>
        %dma_start3A_134 = tpu.memref_slice %arg5[%multiple_of3A, %multiple_of3A_126] : memref<4096x4096xf32, #tpu.memory_space<hbm>> -> memref<128x128xf32, #tpu.memory_space<hbm>>
        tpu.enqueue_dma source(%arg10 : memref<128x128xf32, #tpu.memory_space<vmem>>) target(%dma_start3A_134 : memref<128x128xf32, #tpu.memory_space<hbm>>) target_semaphore(%arg16 : memref<!tpu.dma_semaphore, #tpu.memory_space<semaphore_mem>>)
        %dma_start3A_135 = arith.constant 0 : i32
        %dma_start3A_136 = arith.constant 0 : i32
        %dma_start3A_137 = tpu.memref_slice %arg12[%dma_start3A_135, %dma_start3A_136] : memref<128x136xf32, #tpu.memory_space<vmem>> -> memref<128x128xf32, #tpu.memory_space<vmem>>
        %dma_start3A_138 = tpu.memref_slice %arg5[%multiple_of3A_126, %multiple_of3A] : memref<4096x4096xf32, #tpu.memory_space<hbm>> -> memref<128x128xf32, #tpu.memory_space<hbm>>
        %dma_start3A_139 = tpu.memref_slice %arg5[%multiple_of3A_126, %multiple_of3A] : memref<4096x4096xf32, #tpu.memory_space<hbm>> -> memref<128x128xf32, #tpu.memory_space<hbm>>
        %dma_start3A_140 = arith.constant 0 : i32
        %dma_start3A_141 = arith.constant 0 : i32
        %dma_start3A_142 = tpu.memref_slice %arg12[%dma_start3A_140, %dma_start3A_141] : memref<128x136xf32, #tpu.memory_space<vmem>> -> memref<128x128xf32, #tpu.memory_space<vmem>>
        tpu.enqueue_dma source(%dma_start3A_142 : memref<128x128xf32, #tpu.memory_space<vmem>>) target(%dma_start3A_139 : memref<128x128xf32, #tpu.memory_space<hbm>>) target_semaphore(%arg16 : memref<!tpu.dma_semaphore, #tpu.memory_space<semaphore_mem>>)
      } else {
      }
      %add3A_85 = arith.constant 2 : i32
      %add3A_86 = arith.addi %mul3A_66, %add3A_85 : i32
      %eq3A_87 = arith.constant 16 : i32
      %eq3A_88 = arith.cmpi eq, %add3A_86, %eq3A_87 : i32
      %convert_element_type3A_89 = arith.extui %eq3A_88 : i1 to i32
      %cond3A_90 = arith.constant 0 : i32
      %cond3A_91 = arith.cmpi ne, %convert_element_type3A_89, %cond3A_90 : i32
      scf.if %cond3A_91 {
        %scan3A_107 = arith.constant 0 : i32
        %scan3A_108 = arith.constant 0 : i32
        %scan3A_109 = arith.constant 128 : i32
        %scan3A_110 = arith.addi %scan3A_108, %scan3A_109 : i32
        %scan3A_111 = arith.constant 4 : i32
        scf.for %scan3A_113 = %scan3A_108 to %scan3A_110 step %scan3A_111  : i32 {
          %mul3A_114 = arith.constant 128 : i32
          %mul3A_115 = arith.muli %add3A, %mul3A_114 : i32
          %add3A_116 = arith.addi %mul3A_115, %scan3A_113 : i32
          %mul3A_117 = arith.constant 4095 : i32
          %mul3A_118 = arith.muli %add3A_116, %mul3A_117 : i32
          %sub3A = arith.constant 1 : i32
          %sub3A_119 = arith.subi %add3A_116, %sub3A : i32
          %mul3A_120 = arith.muli %add3A_116, %sub3A_119 : i32
          %shift_right_arithmetic3A = arith.constant 1 : i32
          %shift_right_arithmetic3A_121 = arith.shrsi %mul3A_120, %shift_right_arithmetic3A : i32
          %sub3A_122 = arith.subi %mul3A_118, %shift_right_arithmetic3A_121 : i32
          %sub3A_123 = arith.subi %sub3A_122, %scan3A_113 : i32
          %sub3A_124 = arith.constant 1 : i32
          %sub3A_125 = arith.subi %sub3A_123, %sub3A_124 : i32
          %max3A = arith.constant 0 : i32
          %max3A_126 = arith.maxsi %max3A, %sub3A_125 : i32
          %and3A = arith.constant 7 : i32
          %and3A_127 = arith.andi %max3A_126, %and3A : i32
          %sub3A_128 = arith.subi %max3A_126, %and3A_127 : i32
          %min3A = arith.constant 8386424 : i32
          %min3A_129 = arith.minsi %sub3A_128, %min3A : i32
          %multiple_of3A = tpu.assume_multiple %min3A_129, 8 : i32
          %dma_start3A_130 = arith.constant 0 : i32
          %dma_start3A_131 = tpu.memref_slice %arg8[%scan3A_113, %dma_start3A_130] : memref<128x136xf32, #tpu.memory_space<vmem>> -> memref<1x136xf32, #tpu.memory_space<vmem>>
          %dma_start3A_132 = tpu.memref_squeeze %dma_start3A_131 : memref<1x136xf32, #tpu.memory_space<vmem>> -> memref<136xf32, #tpu.memory_space<vmem>>
          %dma_start3A_133 = tpu.memref_slice %arg2[%multiple_of3A] : memref<8386560xf32, #tpu.memory_space<hbm>> -> memref<136xf32, #tpu.memory_space<hbm>>
          %dma_start3A_134 = arith.constant 0 : i32
          %dma_start3A_135 = tpu.memref_slice %arg8[%scan3A_113, %dma_start3A_134] : memref<128x136xf32, #tpu.memory_space<vmem>> -> memref<1x136xf32, #tpu.memory_space<vmem>>
          %dma_start3A_136 = tpu.memref_squeeze %dma_start3A_135 : memref<1x136xf32, #tpu.memory_space<vmem>> -> memref<136xf32, #tpu.memory_space<vmem>>
          %dma_start3A_137 = tpu.memref_slice %arg2[%multiple_of3A] : memref<8386560xf32, #tpu.memory_space<hbm>> -> memref<136xf32, #tpu.memory_space<hbm>>
          tpu.enqueue_dma source(%dma_start3A_137 : memref<136xf32, #tpu.memory_space<hbm>>) target(%dma_start3A_136 : memref<136xf32, #tpu.memory_space<vmem>>) target_semaphore(%arg14 : memref<!tpu.dma_semaphore, #tpu.memory_space<semaphore_mem>>)
          %scan3A_138 = arith.constant 1 : i32
          %scan3A_139 = arith.addi %scan3A_113, %scan3A_138 : i32
          %mul3A_140 = arith.constant 128 : i32
          %mul3A_141 = arith.muli %add3A, %mul3A_140 : i32
          %add3A_142 = arith.addi %mul3A_141, %scan3A_139 : i32
          %mul3A_143 = arith.constant 4095 : i32
          %mul3A_144 = arith.muli %add3A_142, %mul3A_143 : i32
          %sub3A_145 = arith.constant 1 : i32
          %sub3A_146 = arith.subi %add3A_142, %sub3A_145 : i32
          %mul3A_147 = arith.muli %add3A_142, %sub3A_146 : i32
          %shift_right_arithmetic3A_148 = arith.constant 1 : i32
          %shift_right_arithmetic3A_149 = arith.shrsi %mul3A_147, %shift_right_arithmetic3A_148 : i32
          %sub3A_150 = arith.subi %mul3A_144, %shift_right_arithmetic3A_149 : i32
          %sub3A_151 = arith.subi %sub3A_150, %scan3A_139 : i32
          %sub3A_152 = arith.constant 1 : i32
          %sub3A_153 = arith.subi %sub3A_151, %sub3A_152 : i32
          %max3A_154 = arith.constant 0 : i32
          %max3A_155 = arith.maxsi %max3A_154, %sub3A_153 : i32
          %and3A_156 = arith.constant 7 : i32
          %and3A_157 = arith.andi %max3A_155, %and3A_156 : i32
          %sub3A_158 = arith.subi %max3A_155, %and3A_157 : i32
          %min3A_159 = arith.constant 8386424 : i32
          %min3A_160 = arith.minsi %sub3A_158, %min3A_159 : i32
          %multiple_of3A_161 = tpu.assume_multiple %min3A_160, 8 : i32
          %dma_start3A_162 = arith.constant 0 : i32
          %dma_start3A_163 = tpu.memref_slice %arg8[%scan3A_139, %dma_start3A_162] : memref<128x136xf32, #tpu.memory_space<vmem>> -> memref<1x136xf32, #tpu.memory_space<vmem>>
          %dma_start3A_164 = tpu.memref_squeeze %dma_start3A_163 : memref<1x136xf32, #tpu.memory_space<vmem>> -> memref<136xf32, #tpu.memory_space<vmem>>
          %dma_start3A_165 = tpu.memref_slice %arg2[%multiple_of3A_161] : memref<8386560xf32, #tpu.memory_space<hbm>> -> memref<136xf32, #tpu.memory_space<hbm>>
          %dma_start3A_166 = arith.constant 0 : i32
          %dma_start3A_167 = tpu.memref_slice %arg8[%scan3A_139, %dma_start3A_166] : memref<128x136xf32, #tpu.memory_space<vmem>> -> memref<1x136xf32, #tpu.memory_space<vmem>>
          %dma_start3A_168 = tpu.memref_squeeze %dma_start3A_167 : memref<1x136xf32, #tpu.memory_space<vmem>> -> memref<136xf32, #tpu.memory_space<vmem>>
          %dma_start3A_169 = tpu.memref_slice %arg2[%multiple_of3A_161] : memref<8386560xf32, #tpu.memory_space<hbm>> -> memref<136xf32, #tpu.memory_space<hbm>>
          tpu.enqueue_dma source(%dma_start3A_169 : memref<136xf32, #tpu.memory_space<hbm>>) target(%dma_start3A_168 : memref<136xf32, #tpu.memory_space<vmem>>) target_semaphore(%arg14 : memref<!tpu.dma_semaphore, #tpu.memory_space<semaphore_mem>>)
          %scan3A_170 = arith.constant 2 : i32
          %scan3A_171 = arith.addi %scan3A_113, %scan3A_170 : i32
          %mul3A_172 = arith.constant 128 : i32
          %mul3A_173 = arith.muli %add3A, %mul3A_172 : i32
          %add3A_174 = arith.addi %mul3A_173, %scan3A_171 : i32
          %mul3A_175 = arith.constant 4095 : i32
          %mul3A_176 = arith.muli %add3A_174, %mul3A_175 : i32
          %sub3A_177 = arith.constant 1 : i32
          %sub3A_178 = arith.subi %add3A_174, %sub3A_177 : i32
          %mul3A_179 = arith.muli %add3A_174, %sub3A_178 : i32
          %shift_right_arithmetic3A_180 = arith.constant 1 : i32
          %shift_right_arithmetic3A_181 = arith.shrsi %mul3A_179, %shift_right_arithmetic3A_180 : i32
          %sub3A_182 = arith.subi %mul3A_176, %shift_right_arithmetic3A_181 : i32
          %sub3A_183 = arith.subi %sub3A_182, %scan3A_171 : i32
          %sub3A_184 = arith.constant 1 : i32
          %sub3A_185 = arith.subi %sub3A_183, %sub3A_184 : i32
          %max3A_186 = arith.constant 0 : i32
          %max3A_187 = arith.maxsi %max3A_186, %sub3A_185 : i32
          %and3A_188 = arith.constant 7 : i32
          %and3A_189 = arith.andi %max3A_187, %and3A_188 : i32
          %sub3A_190 = arith.subi %max3A_187, %and3A_189 : i32
          %min3A_191 = arith.constant 8386424 : i32
          %min3A_192 = arith.minsi %sub3A_190, %min3A_191 : i32
          %multiple_of3A_193 = tpu.assume_multiple %min3A_192, 8 : i32
          %dma_start3A_194 = arith.constant 0 : i32
          %dma_start3A_195 = tpu.memref_slice %arg8[%scan3A_171, %dma_start3A_194] : memref<128x136xf32, #tpu.memory_space<vmem>> -> memref<1x136xf32, #tpu.memory_space<vmem>>
          %dma_start3A_196 = tpu.memref_squeeze %dma_start3A_195 : memref<1x136xf32, #tpu.memory_space<vmem>> -> memref<136xf32, #tpu.memory_space<vmem>>
          %dma_start3A_197 = tpu.memref_slice %arg2[%multiple_of3A_193] : memref<8386560xf32, #tpu.memory_space<hbm>> -> memref<136xf32, #tpu.memory_space<hbm>>
          %dma_start3A_198 = arith.constant 0 : i32
          %dma_start3A_199 = tpu.memref_slice %arg8[%scan3A_171, %dma_start3A_198] : memref<128x136xf32, #tpu.memory_space<vmem>> -> memref<1x136xf32, #tpu.memory_space<vmem>>
          %dma_start3A_200 = tpu.memref_squeeze %dma_start3A_199 : memref<1x136xf32, #tpu.memory_space<vmem>> -> memref<136xf32, #tpu.memory_space<vmem>>
          %dma_start3A_201 = tpu.memref_slice %arg2[%multiple_of3A_193] : memref<8386560xf32, #tpu.memory_space<hbm>> -> memref<136xf32, #tpu.memory_space<hbm>>
          tpu.enqueue_dma source(%dma_start3A_201 : memref<136xf32, #tpu.memory_space<hbm>>) target(%dma_start3A_200 : memref<136xf32, #tpu.memory_space<vmem>>) target_semaphore(%arg14 : memref<!tpu.dma_semaphore, #tpu.memory_space<semaphore_mem>>)
          %scan3A_202 = arith.constant 3 : i32
          %scan3A_203 = arith.addi %scan3A_113, %scan3A_202 : i32
          %mul3A_204 = arith.constant 128 : i32
          %mul3A_205 = arith.muli %add3A, %mul3A_204 : i32
          %add3A_206 = arith.addi %mul3A_205, %scan3A_203 : i32
          %mul3A_207 = arith.constant 4095 : i32
          %mul3A_208 = arith.muli %add3A_206, %mul3A_207 : i32
          %sub3A_209 = arith.constant 1 : i32
          %sub3A_210 = arith.subi %add3A_206, %sub3A_209 : i32
          %mul3A_211 = arith.muli %add3A_206, %sub3A_210 : i32
          %shift_right_arithmetic3A_212 = arith.constant 1 : i32
          %shift_right_arithmetic3A_213 = arith.shrsi %mul3A_211, %shift_right_arithmetic3A_212 : i32
          %sub3A_214 = arith.subi %mul3A_208, %shift_right_arithmetic3A_213 : i32
          %sub3A_215 = arith.subi %sub3A_214, %scan3A_203 : i32
          %sub3A_216 = arith.constant 1 : i32
          %sub3A_217 = arith.subi %sub3A_215, %sub3A_216 : i32
          %max3A_218 = arith.constant 0 : i32
          %max3A_219 = arith.maxsi %max3A_218, %sub3A_217 : i32
          %and3A_220 = arith.constant 7 : i32
          %and3A_221 = arith.andi %max3A_219, %and3A_220 : i32
          %sub3A_222 = arith.subi %max3A_219, %and3A_221 : i32
          %min3A_223 = arith.constant 8386424 : i32
          %min3A_224 = arith.minsi %sub3A_222, %min3A_223 : i32
          %multiple_of3A_225 = tpu.assume_multiple %min3A_224, 8 : i32
          %dma_start3A_226 = arith.constant 0 : i32
          %dma_start3A_227 = tpu.memref_slice %arg8[%scan3A_203, %dma_start3A_226] : memref<128x136xf32, #tpu.memory_space<vmem>> -> memref<1x136xf32, #tpu.memory_space<vmem>>
          %dma_start3A_228 = tpu.memref_squeeze %dma_start3A_227 : memref<1x136xf32, #tpu.memory_space<vmem>> -> memref<136xf32, #tpu.memory_space<vmem>>
          %dma_start3A_229 = tpu.memref_slice %arg2[%multiple_of3A_225] : memref<8386560xf32, #tpu.memory_space<hbm>> -> memref<136xf32, #tpu.memory_space<hbm>>
          %dma_start3A_230 = arith.constant 0 : i32
          %dma_start3A_231 = tpu.memref_slice %arg8[%scan3A_203, %dma_start3A_230] : memref<128x136xf32, #tpu.memory_space<vmem>> -> memref<1x136xf32, #tpu.memory_space<vmem>>
          %dma_start3A_232 = tpu.memref_squeeze %dma_start3A_231 : memref<1x136xf32, #tpu.memory_space<vmem>> -> memref<136xf32, #tpu.memory_space<vmem>>
          %dma_start3A_233 = tpu.memref_slice %arg2[%multiple_of3A_225] : memref<8386560xf32, #tpu.memory_space<hbm>> -> memref<136xf32, #tpu.memory_space<hbm>>
          tpu.enqueue_dma source(%dma_start3A_233 : memref<136xf32, #tpu.memory_space<hbm>>) target(%dma_start3A_232 : memref<136xf32, #tpu.memory_space<vmem>>) target_semaphore(%arg14 : memref<!tpu.dma_semaphore, #tpu.memory_space<semaphore_mem>>)
        }
        %scan3A_112 = arith.constant 128 : i32
      } else {
      }
      %lt3A_92 = arith.constant 16 : i32
      %lt3A_93 = arith.cmpi slt, %add3A_86, %lt3A_92 : i32
      %convert_element_type3A_94 = arith.extui %lt3A_93 : i1 to i32
      %cond3A_95 = arith.constant 0 : i32
      %cond3A_96 = arith.cmpi ne, %convert_element_type3A_94, %cond3A_95 : i32
      scf.if %cond3A_96 {
        %mul3A_107 = arith.constant 32 : i32
        %mul3A_108 = arith.muli %mul3A_107, %add3A_86 : i32
        %add3A_109 = arith.addi %add3A, %mul3A_108 : i32
        %lt3A_110 = arith.constant 496 : i32
        %lt3A_111 = arith.cmpi slt, %add3A_109, %lt3A_110 : i32
        %convert_element_type3A_112 = arith.extui %lt3A_111 : i1 to i32
        %cond3A_113 = arith.constant 0 : i32
        %cond3A_114 = arith.cmpi ne, %convert_element_type3A_112, %cond3A_113 : i32
        scf.if %cond3A_114 {
          %get3A = arith.index_cast %add3A_109 : i32 to index
          %get3A_115 = tpu.vector_load %arg6[%get3A] {strides = array<i32>} : memref<528xi32, #tpu.memory_space<vmem>>, vector<16xi32>,
          %slice3A = vector.extract_strided_slice %get3A_115 {offsets = [0], sizes = [1], strides = [1]} : vector<16xi32> to vector<1xi32>
          %squeeze3A = vector.extract %slice3A[0] : i32 from vector<1xi32>
          %get3A_116 = arith.index_cast %add3A_109 : i32 to index
          %get3A_117 = tpu.vector_load %arg7[%get3A_116] {strides = array<i32>} : memref<528xi32, #tpu.memory_space<vmem>>, vector<16xi32>,
          %slice3A_118 = vector.extract_strided_slice %get3A_117 {offsets = [0], sizes = [1], strides = [1]} : vector<16xi32> to vector<1xi32>
          %squeeze3A_119 = vector.extract %slice3A_118[0] : i32 from vector<1xi32>
          %scan3A_120 = arith.constant 0 : i32
          %scan3A_121 = arith.constant 0 : i32
          %scan3A_122 = arith.constant 128 : i32
          %scan3A_123 = arith.addi %scan3A_121, %scan3A_122 : i32
          %scan3A_124 = arith.constant 4 : i32
          scf.for %scan3A_126 = %scan3A_121 to %scan3A_123 step %scan3A_124  : i32 {
            %mul3A_127 = arith.constant 128 : i32
            %mul3A_128 = arith.muli %squeeze3A, %mul3A_127 : i32
            %add3A_129 = arith.addi %mul3A_128, %scan3A_126 : i32
            %mul3A_130 = arith.constant 4095 : i32
            %mul3A_131 = arith.muli %add3A_129, %mul3A_130 : i32
            %sub3A = arith.constant 1 : i32
            %sub3A_132 = arith.subi %add3A_129, %sub3A : i32
            %mul3A_133 = arith.muli %add3A_129, %sub3A_132 : i32
            %shift_right_arithmetic3A = arith.constant 1 : i32
            %shift_right_arithmetic3A_134 = arith.shrsi %mul3A_133, %shift_right_arithmetic3A : i32
            %sub3A_135 = arith.subi %mul3A_131, %shift_right_arithmetic3A_134 : i32
            %mul3A_136 = arith.constant 128 : i32
            %mul3A_137 = arith.muli %squeeze3A_119, %mul3A_136 : i32
            %add3A_138 = arith.addi %sub3A_135, %mul3A_137 : i32
            %sub3A_139 = arith.subi %add3A_138, %add3A_129 : i32
            %sub3A_140 = arith.constant 1 : i32
            %sub3A_141 = arith.subi %sub3A_139, %sub3A_140 : i32
            %and3A = arith.constant 7 : i32
            %and3A_142 = arith.andi %sub3A_141, %and3A : i32
            %sub3A_143 = arith.subi %sub3A_141, %and3A_142 : i32
            %min3A = arith.constant 8386424 : i32
            %min3A_144 = arith.minsi %sub3A_143, %min3A : i32
            %multiple_of3A = tpu.assume_multiple %min3A_144, 8 : i32
            %dma_start3A_145 = arith.constant 0 : i32
            %dma_start3A_146 = tpu.memref_slice %arg8[%scan3A_126, %dma_start3A_145] : memref<128x136xf32, #tpu.memory_space<vmem>> -> memref<1x136xf32, #tpu.memory_space<vmem>>
            %dma_start3A_147 = tpu.memref_squeeze %dma_start3A_146 : memref<1x136xf32, #tpu.memory_space<vmem>> -> memref<136xf32, #tpu.memory_space<vmem>>
            %dma_start3A_148 = tpu.memref_slice %arg2[%multiple_of3A] : memref<8386560xf32, #tpu.memory_space<hbm>> -> memref<136xf32, #tpu.memory_space<hbm>>
            %dma_start3A_149 = arith.constant 0 : i32
            %dma_start3A_150 = tpu.memref_slice %arg8[%scan3A_126, %dma_start3A_149] : memref<128x136xf32, #tpu.memory_space<vmem>> -> memref<1x136xf32, #tpu.memory_space<vmem>>
            %dma_start3A_151 = tpu.memref_squeeze %dma_start3A_150 : memref<1x136xf32, #tpu.memory_space<vmem>> -> memref<136xf32, #tpu.memory_space<vmem>>
            %dma_start3A_152 = tpu.memref_slice %arg2[%multiple_of3A] : memref<8386560xf32, #tpu.memory_space<hbm>> -> memref<136xf32, #tpu.memory_space<hbm>>
            tpu.enqueue_dma source(%dma_start3A_152 : memref<136xf32, #tpu.memory_space<hbm>>) target(%dma_start3A_151 : memref<136xf32, #tpu.memory_space<vmem>>) target_semaphore(%arg14 : memref<!tpu.dma_semaphore, #tpu.memory_space<semaphore_mem>>)
            %scan3A_153 = arith.constant 1 : i32
            %scan3A_154 = arith.addi %scan3A_126, %scan3A_153 : i32
            %mul3A_155 = arith.constant 128 : i32
            %mul3A_156 = arith.muli %squeeze3A, %mul3A_155 : i32
            %add3A_157 = arith.addi %mul3A_156, %scan3A_154 : i32
            %mul3A_158 = arith.constant 4095 : i32
            %mul3A_159 = arith.muli %add3A_157, %mul3A_158 : i32
            %sub3A_160 = arith.constant 1 : i32
            %sub3A_161 = arith.subi %add3A_157, %sub3A_160 : i32
            %mul3A_162 = arith.muli %add3A_157, %sub3A_161 : i32
            %shift_right_arithmetic3A_163 = arith.constant 1 : i32
            %shift_right_arithmetic3A_164 = arith.shrsi %mul3A_162, %shift_right_arithmetic3A_163 : i32
            %sub3A_165 = arith.subi %mul3A_159, %shift_right_arithmetic3A_164 : i32
            %mul3A_166 = arith.constant 128 : i32
            %mul3A_167 = arith.muli %squeeze3A_119, %mul3A_166 : i32
            %add3A_168 = arith.addi %sub3A_165, %mul3A_167 : i32
            %sub3A_169 = arith.subi %add3A_168, %add3A_157 : i32
            %sub3A_170 = arith.constant 1 : i32
            %sub3A_171 = arith.subi %sub3A_169, %sub3A_170 : i32
            %and3A_172 = arith.constant 7 : i32
            %and3A_173 = arith.andi %sub3A_171, %and3A_172 : i32
            %sub3A_174 = arith.subi %sub3A_171, %and3A_173 : i32
            %min3A_175 = arith.constant 8386424 : i32
            %min3A_176 = arith.minsi %sub3A_174, %min3A_175 : i32
            %multiple_of3A_177 = tpu.assume_multiple %min3A_176, 8 : i32
            %dma_start3A_178 = arith.constant 0 : i32
            %dma_start3A_179 = tpu.memref_slice %arg8[%scan3A_154, %dma_start3A_178] : memref<128x136xf32, #tpu.memory_space<vmem>> -> memref<1x136xf32, #tpu.memory_space<vmem>>
            %dma_start3A_180 = tpu.memref_squeeze %dma_start3A_179 : memref<1x136xf32, #tpu.memory_space<vmem>> -> memref<136xf32, #tpu.memory_space<vmem>>
            %dma_start3A_181 = tpu.memref_slice %arg2[%multiple_of3A_177] : memref<8386560xf32, #tpu.memory_space<hbm>> -> memref<136xf32, #tpu.memory_space<hbm>>
            %dma_start3A_182 = arith.constant 0 : i32
            %dma_start3A_183 = tpu.memref_slice %arg8[%scan3A_154, %dma_start3A_182] : memref<128x136xf32, #tpu.memory_space<vmem>> -> memref<1x136xf32, #tpu.memory_space<vmem>>
            %dma_start3A_184 = tpu.memref_squeeze %dma_start3A_183 : memref<1x136xf32, #tpu.memory_space<vmem>> -> memref<136xf32, #tpu.memory_space<vmem>>
            %dma_start3A_185 = tpu.memref_slice %arg2[%multiple_of3A_177] : memref<8386560xf32, #tpu.memory_space<hbm>> -> memref<136xf32, #tpu.memory_space<hbm>>
            tpu.enqueue_dma source(%dma_start3A_185 : memref<136xf32, #tpu.memory_space<hbm>>) target(%dma_start3A_184 : memref<136xf32, #tpu.memory_space<vmem>>) target_semaphore(%arg14 : memref<!tpu.dma_semaphore, #tpu.memory_space<semaphore_mem>>)
            %scan3A_186 = arith.constant 2 : i32
            %scan3A_187 = arith.addi %scan3A_126, %scan3A_186 : i32
            %mul3A_188 = arith.constant 128 : i32
            %mul3A_189 = arith.muli %squeeze3A, %mul3A_188 : i32
            %add3A_190 = arith.addi %mul3A_189, %scan3A_187 : i32
            %mul3A_191 = arith.constant 4095 : i32
            %mul3A_192 = arith.muli %add3A_190, %mul3A_191 : i32
            %sub3A_193 = arith.constant 1 : i32
            %sub3A_194 = arith.subi %add3A_190, %sub3A_193 : i32
            %mul3A_195 = arith.muli %add3A_190, %sub3A_194 : i32
            %shift_right_arithmetic3A_196 = arith.constant 1 : i32
            %shift_right_arithmetic3A_197 = arith.shrsi %mul3A_195, %shift_right_arithmetic3A_196 : i32
            %sub3A_198 = arith.subi %mul3A_192, %shift_right_arithmetic3A_197 : i32
            %mul3A_199 = arith.constant 128 : i32
            %mul3A_200 = arith.muli %squeeze3A_119, %mul3A_199 : i32
            %add3A_201 = arith.addi %sub3A_198, %mul3A_200 : i32
            %sub3A_202 = arith.subi %add3A_201, %add3A_190 : i32
            %sub3A_203 = arith.constant 1 : i32
            %sub3A_204 = arith.subi %sub3A_202, %sub3A_203 : i32
            %and3A_205 = arith.constant 7 : i32
            %and3A_206 = arith.andi %sub3A_204, %and3A_205 : i32
            %sub3A_207 = arith.subi %sub3A_204, %and3A_206 : i32
            %min3A_208 = arith.constant 8386424 : i32
            %min3A_209 = arith.minsi %sub3A_207, %min3A_208 : i32
            %multiple_of3A_210 = tpu.assume_multiple %min3A_209, 8 : i32
            %dma_start3A_211 = arith.constant 0 : i32
            %dma_start3A_212 = tpu.memref_slice %arg8[%scan3A_187, %dma_start3A_211] : memref<128x136xf32, #tpu.memory_space<vmem>> -> memref<1x136xf32, #tpu.memory_space<vmem>>
            %dma_start3A_213 = tpu.memref_squeeze %dma_start3A_212 : memref<1x136xf32, #tpu.memory_space<vmem>> -> memref<136xf32, #tpu.memory_space<vmem>>
            %dma_start3A_214 = tpu.memref_slice %arg2[%multiple_of3A_210] : memref<8386560xf32, #tpu.memory_space<hbm>> -> memref<136xf32, #tpu.memory_space<hbm>>
            %dma_start3A_215 = arith.constant 0 : i32
            %dma_start3A_216 = tpu.memref_slice %arg8[%scan3A_187, %dma_start3A_215] : memref<128x136xf32, #tpu.memory_space<vmem>> -> memref<1x136xf32, #tpu.memory_space<vmem>>
            %dma_start3A_217 = tpu.memref_squeeze %dma_start3A_216 : memref<1x136xf32, #tpu.memory_space<vmem>> -> memref<136xf32, #tpu.memory_space<vmem>>
            %dma_start3A_218 = tpu.memref_slice %arg2[%multiple_of3A_210] : memref<8386560xf32, #tpu.memory_space<hbm>> -> memref<136xf32, #tpu.memory_space<hbm>>
            tpu.enqueue_dma source(%dma_start3A_218 : memref<136xf32, #tpu.memory_space<hbm>>) target(%dma_start3A_217 : memref<136xf32, #tpu.memory_space<vmem>>) target_semaphore(%arg14 : memref<!tpu.dma_semaphore, #tpu.memory_space<semaphore_mem>>)
            %scan3A_219 = arith.constant 3 : i32
            %scan3A_220 = arith.addi %scan3A_126, %scan3A_219 : i32
            %mul3A_221 = arith.constant 128 : i32
            %mul3A_222 = arith.muli %squeeze3A, %mul3A_221 : i32
            %add3A_223 = arith.addi %mul3A_222, %scan3A_220 : i32
            %mul3A_224 = arith.constant 4095 : i32
            %mul3A_225 = arith.muli %add3A_223, %mul3A_224 : i32
            %sub3A_226 = arith.constant 1 : i32
            %sub3A_227 = arith.subi %add3A_223, %sub3A_226 : i32
            %mul3A_228 = arith.muli %add3A_223, %sub3A_227 : i32
            %shift_right_arithmetic3A_229 = arith.constant 1 : i32
            %shift_right_arithmetic3A_230 = arith.shrsi %mul3A_228, %shift_right_arithmetic3A_229 : i32
            %sub3A_231 = arith.subi %mul3A_225, %shift_right_arithmetic3A_230 : i32
            %mul3A_232 = arith.constant 128 : i32
            %mul3A_233 = arith.muli %squeeze3A_119, %mul3A_232 : i32
            %add3A_234 = arith.addi %sub3A_231, %mul3A_233 : i32
            %sub3A_235 = arith.subi %add3A_234, %add3A_223 : i32
            %sub3A_236 = arith.constant 1 : i32
            %sub3A_237 = arith.subi %sub3A_235, %sub3A_236 : i32
            %and3A_238 = arith.constant 7 : i32
            %and3A_239 = arith.andi %sub3A_237, %and3A_238 : i32
            %sub3A_240 = arith.subi %sub3A_237, %and3A_239 : i32
            %min3A_241 = arith.constant 8386424 : i32
            %min3A_242 = arith.minsi %sub3A_240, %min3A_241 : i32
            %multiple_of3A_243 = tpu.assume_multiple %min3A_242, 8 : i32
            %dma_start3A_244 = arith.constant 0 : i32
            %dma_start3A_245 = tpu.memref_slice %arg8[%scan3A_220, %dma_start3A_244] : memref<128x136xf32, #tpu.memory_space<vmem>> -> memref<1x136xf32, #tpu.memory_space<vmem>>
            %dma_start3A_246 = tpu.memref_squeeze %dma_start3A_245 : memref<1x136xf32, #tpu.memory_space<vmem>> -> memref<136xf32, #tpu.memory_space<vmem>>
            %dma_start3A_247 = tpu.memref_slice %arg2[%multiple_of3A_243] : memref<8386560xf32, #tpu.memory_space<hbm>> -> memref<136xf32, #tpu.memory_space<hbm>>
            %dma_start3A_248 = arith.constant 0 : i32
            %dma_start3A_249 = tpu.memref_slice %arg8[%scan3A_220, %dma_start3A_248] : memref<128x136xf32, #tpu.memory_space<vmem>> -> memref<1x136xf32, #tpu.memory_space<vmem>>
            %dma_start3A_250 = tpu.memref_squeeze %dma_start3A_249 : memref<1x136xf32, #tpu.memory_space<vmem>> -> memref<136xf32, #tpu.memory_space<vmem>>
            %dma_start3A_251 = tpu.memref_slice %arg2[%multiple_of3A_243] : memref<8386560xf32, #tpu.memory_space<hbm>> -> memref<136xf32, #tpu.memory_space<hbm>>
            tpu.enqueue_dma source(%dma_start3A_251 : memref<136xf32, #tpu.memory_space<hbm>>) target(%dma_start3A_250 : memref<136xf32, #tpu.memory_space<vmem>>) target_semaphore(%arg14 : memref<!tpu.dma_semaphore, #tpu.memory_space<semaphore_mem>>)
          }
          %scan3A_125 = arith.constant 128 : i32
        } else {
        }
      } else {
      }
      %add3A_97 = arith.constant 1 : i32
      %add3A_98 = arith.addi %mul3A_66, %add3A_97 : i32
      %mul3A_99 = arith.constant 32 : i32
      %mul3A_100 = arith.muli %mul3A_99, %add3A_98 : i32
      %add3A_101 = arith.addi %add3A, %mul3A_100 : i32
      %lt3A_102 = arith.constant 496 : i32
      %lt3A_103 = arith.cmpi slt, %add3A_101, %lt3A_102 : i32
      %convert_element_type3A_104 = arith.extui %lt3A_103 : i1 to i32
      %cond3A_105 = arith.constant 0 : i32
      %cond3A_106 = arith.cmpi ne, %convert_element_type3A_104, %cond3A_105 : i32
      scf.if %cond3A_106 {
        %dma_wait3A_107 = arith.constant 0 : i32
        %dma_wait3A_108 = arith.constant 0 : i32
        %dma_wait3A_109 = tpu.memref_slice %arg5[%dma_wait3A_107, %dma_wait3A_108] : memref<4096x4096xf32, #tpu.memory_space<hbm>> -> memref<128x136xf32, #tpu.memory_space<hbm>>
        %dma_wait3A_110 = arith.constant 0 : i32
        %dma_wait3A_111 = arith.constant 0 : i32
        %dma_wait3A_112 = tpu.memref_slice %arg5[%dma_wait3A_110, %dma_wait3A_111] : memref<4096x4096xf32, #tpu.memory_space<hbm>> -> memref<128x136xf32, #tpu.memory_space<hbm>>
        tpu.wait_dma2 semaphore(%arg15 : memref<!tpu.dma_semaphore, #tpu.memory_space<semaphore_mem>>) src(%dma_wait3A_112 : memref<128x136xf32, #tpu.memory_space<hbm>>) dst(%arg9 : memref<128x136xf32, #tpu.memory_space<vmem>>)
        %ge3A = arith.constant 1 : i32
        %ge3A_113 = arith.cmpi sge, %scan3A_64, %ge3A : i32
        %convert_element_type3A_114 = arith.extui %ge3A_113 : i1 to i32
        %cond3A_115 = arith.constant 0 : i32
        %cond3A_116 = arith.cmpi ne, %convert_element_type3A_114, %cond3A_115 : i32
        scf.if %cond3A_116 {
          %dma_wait3A_143 = arith.constant 0 : i32
          %dma_wait3A_144 = arith.constant 0 : i32
          %dma_wait3A_145 = tpu.memref_slice %arg5[%dma_wait3A_143, %dma_wait3A_144] : memref<4096x4096xf32, #tpu.memory_space<hbm>> -> memref<128x128xf32, #tpu.memory_space<hbm>>
          %dma_wait3A_146 = arith.constant 0 : i32
          %dma_wait3A_147 = arith.constant 0 : i32
          %dma_wait3A_148 = tpu.memref_slice %arg5[%dma_wait3A_146, %dma_wait3A_147] : memref<4096x4096xf32, #tpu.memory_space<hbm>> -> memref<128x128xf32, #tpu.memory_space<hbm>>
          tpu.wait_dma2 semaphore(%arg17 : memref<!tpu.dma_semaphore, #tpu.memory_space<semaphore_mem>>) src(%dma_wait3A_148 : memref<128x128xf32, #tpu.memory_space<hbm>>) dst(%arg11 : memref<128x128xf32, #tpu.memory_space<vmem>>)
          %dma_wait3A_149 = arith.constant 0 : i32
          %dma_wait3A_150 = arith.constant 0 : i32
          %dma_wait3A_151 = tpu.memref_slice %arg5[%dma_wait3A_149, %dma_wait3A_150] : memref<4096x4096xf32, #tpu.memory_space<hbm>> -> memref<128x128xf32, #tpu.memory_space<hbm>>
          %dma_wait3A_152 = arith.constant 0 : i32
          %dma_wait3A_153 = arith.constant 0 : i32
          %dma_wait3A_154 = tpu.memref_slice %arg5[%dma_wait3A_152, %dma_wait3A_153] : memref<4096x4096xf32, #tpu.memory_space<hbm>> -> memref<128x128xf32, #tpu.memory_space<hbm>>
          tpu.wait_dma2 semaphore(%arg17 : memref<!tpu.dma_semaphore, #tpu.memory_space<semaphore_mem>>) src(%dma_wait3A_154 : memref<128x128xf32, #tpu.memory_space<hbm>>) dst(%arg11 : memref<128x128xf32, #tpu.memory_space<vmem>>)
        } else {
        }
        %get3A = arith.index_cast %add3A_101 : i32 to index
        %get3A_117 = tpu.vector_load %arg6[%get3A] {strides = array<i32>} : memref<528xi32, #tpu.memory_space<vmem>>, vector<16xi32>,
        %slice3A = vector.extract_strided_slice %get3A_117 {offsets = [0], sizes = [1], strides = [1]} : vector<16xi32> to vector<1xi32>
        %squeeze3A = vector.extract %slice3A[0] : i32 from vector<1xi32>
        %get3A_118 = arith.index_cast %add3A_101 : i32 to index
        %get3A_119 = tpu.vector_load %arg7[%get3A_118] {strides = array<i32>} : memref<528xi32, #tpu.memory_space<vmem>>, vector<16xi32>,
        %slice3A_120 = vector.extract_strided_slice %get3A_119 {offsets = [0], sizes = [1], strides = [1]} : vector<16xi32> to vector<1xi32>
        %squeeze3A_121 = vector.extract %slice3A_120[0] : i32 from vector<1xi32>
        %mul3A_122 = arith.constant 128 : i32
        %mul3A_123 = arith.muli %squeeze3A, %mul3A_122 : i32
        %multiple_of3A = tpu.assume_multiple %mul3A_123, 128 : i32
        %mul3A_124 = arith.constant 128 : i32
        %mul3A_125 = arith.muli %squeeze3A_121, %mul3A_124 : i32
        %multiple_of3A_126 = tpu.assume_multiple %mul3A_125, 128 : i32
        %scan3A_127 = arith.constant 0 : i32
        %scan3A_128 = arith.constant 0 : i32
        %scan3A_129 = arith.constant 128 : i32
        %scan3A_130 = arith.addi %scan3A_128, %scan3A_129 : i32
        %scan3A_131 = arith.constant 2 : i32
        scf.for %scan3A_143 = %scan3A_128 to %scan3A_130 step %scan3A_131  : i32 {
          %mul3A_144 = arith.constant 128 : i32
          %mul3A_145 = arith.muli %squeeze3A, %mul3A_144 : i32
          %add3A_146 = arith.addi %mul3A_145, %scan3A_143 : i32
          %mul3A_147 = arith.constant 4095 : i32
          %mul3A_148 = arith.muli %add3A_146, %mul3A_147 : i32
          %sub3A = arith.constant 1 : i32
          %sub3A_149 = arith.subi %add3A_146, %sub3A : i32
          %mul3A_150 = arith.muli %add3A_146, %sub3A_149 : i32
          %shift_right_arithmetic3A = arith.constant 1 : i32
          %shift_right_arithmetic3A_151 = arith.shrsi %mul3A_150, %shift_right_arithmetic3A : i32
          %sub3A_152 = arith.subi %mul3A_148, %shift_right_arithmetic3A_151 : i32
          %mul3A_153 = arith.constant 128 : i32
          %mul3A_154 = arith.muli %squeeze3A_121, %mul3A_153 : i32
          %add3A_155 = arith.addi %sub3A_152, %mul3A_154 : i32
          %sub3A_156 = arith.subi %add3A_155, %add3A_146 : i32
          %sub3A_157 = arith.constant 1 : i32
          %sub3A_158 = arith.subi %sub3A_156, %sub3A_157 : i32
          %and3A = arith.constant 7 : i32
          %and3A_159 = arith.andi %sub3A_158, %and3A : i32
          %sub3A_160 = arith.constant 8386424 : i32
          %sub3A_161 = arith.subi %sub3A_158, %sub3A_160 : i32
          %max3A = arith.maxsi %and3A_159, %sub3A_161 : i32
          %broadcast_in_dim3A = arith.constant 0 : i32
          %broadcast_in_dim3A_162 = vector.broadcast %broadcast_in_dim3A : i32 to vector<16xi32>
          %add3A_163 = vector.broadcast %scan3A_143 : i32 to vector<16xi32>
          %add3A_164 = arith.addi %broadcast_in_dim3A_162, %add3A_163 : vector<16xi32>
          %add3A_165 = arith.constant 0 : i32
          %add3A_166 = arith.addi %max3A, %add3A_165 : i32
          %get3A_167 = arith.index_cast %scan3A_143 : i32 to index
          %get3A_168 = arith.index_cast %add3A_166 : i32 to index
          %get3A_169 = tpu.vector_load %arg9[%get3A_167, %get3A_168] {strides = array<i32>} : memref<128x136xf32, #tpu.memory_space<vmem>>, vector<16xf32>,
          %swap3A = arith.index_cast %scan3A_143 : i32 to index
          %swap3A_170 = arith.constant 0 : index
          %swap3A_171 = tpu.vector_load %arg11[%swap3A, %swap3A_170] {strides = array<i32>} : memref<128x128xf32, #tpu.memory_space<vmem>>, vector<16xf32>,
          tpu.vector_store %arg11[%swap3A, %swap3A_170], %get3A_169 {strides = array<i32>} : memref<128x128xf32, #tpu.memory_space<vmem>>, vector<16xf32>,
          %add3A_172 = arith.constant 0 : i32
          %add3A_173 = vector.broadcast %add3A_172 : i32 to vector<16xi32>
          %add3A_174 = arith.addi %add3A_173, %iota3A : vector<16xi32>
          %neg3A = arith.constant 0.000000e+00 : f32
          %neg3A_175 = vector.broadcast %neg3A : f32 to vector<16xf32>
          %neg3A_176 = arith.subf %neg3A_175, %get3A_169 : vector<16xf32>
          tpu.vector_store_idx %arg13[%add3A_174, %add3A_164], %neg3A_176 : memref<128x136xf32, #tpu.memory_space<vmem>>[vector<16xi32>, vector<16xi32>], vector<16xf32>,
          %add3A_177 = arith.constant 16 : i32
          %add3A_178 = arith.addi %max3A, %add3A_177 : i32
          %get3A_179 = arith.index_cast %scan3A_143 : i32 to index
          %get3A_180 = arith.index_cast %add3A_178 : i32 to index
          %get3A_181 = tpu.vector_load %arg9[%get3A_179, %get3A_180] {strides = array<i32>} : memref<128x136xf32, #tpu.memory_space<vmem>>, vector<16xf32>,
          %swap3A_182 = arith.index_cast %scan3A_143 : i32 to index
          %swap3A_183 = arith.constant 16 : index
          %swap3A_184 = tpu.vector_load %arg11[%swap3A_182, %swap3A_183] {strides = array<i32>} : memref<128x128xf32, #tpu.memory_space<vmem>>, vector<16xf32>,
          tpu.vector_store %arg11[%swap3A_182, %swap3A_183], %get3A_181 {strides = array<i32>} : memref<128x128xf32, #tpu.memory_space<vmem>>, vector<16xf32>,
          %add3A_185 = arith.constant 16 : i32
          %add3A_186 = vector.broadcast %add3A_185 : i32 to vector<16xi32>
          %add3A_187 = arith.addi %add3A_186, %iota3A : vector<16xi32>
          %neg3A_188 = arith.constant 0.000000e+00 : f32
          %neg3A_189 = vector.broadcast %neg3A_188 : f32 to vector<16xf32>
          %neg3A_190 = arith.subf %neg3A_189, %get3A_181 : vector<16xf32>
          tpu.vector_store_idx %arg13[%add3A_187, %add3A_164], %neg3A_190 : memref<128x136xf32, #tpu.memory_space<vmem>>[vector<16xi32>, vector<16xi32>], vector<16xf32>,
          %add3A_191 = arith.constant 32 : i32
          %add3A_192 = arith.addi %max3A, %add3A_191 : i32
          %get3A_193 = arith.index_cast %scan3A_143 : i32 to index
          %get3A_194 = arith.index_cast %add3A_192 : i32 to index
          %get3A_195 = tpu.vector_load %arg9[%get3A_193, %get3A_194] {strides = array<i32>} : memref<128x136xf32, #tpu.memory_space<vmem>>, vector<16xf32>,
          %swap3A_196 = arith.index_cast %scan3A_143 : i32 to index
          %swap3A_197 = arith.constant 32 : index
          %swap3A_198 = tpu.vector_load %arg11[%swap3A_196, %swap3A_197] {strides = array<i32>} : memref<128x128xf32, #tpu.memory_space<vmem>>, vector<16xf32>,
          tpu.vector_store %arg11[%swap3A_196, %swap3A_197], %get3A_195 {strides = array<i32>} : memref<128x128xf32, #tpu.memory_space<vmem>>, vector<16xf32>,
          %add3A_199 = arith.constant 32 : i32
          %add3A_200 = vector.broadcast %add3A_199 : i32 to vector<16xi32>
          %add3A_201 = arith.addi %add3A_200, %iota3A : vector<16xi32>
          %neg3A_202 = arith.constant 0.000000e+00 : f32
          %neg3A_203 = vector.broadcast %neg3A_202 : f32 to vector<16xf32>
          %neg3A_204 = arith.subf %neg3A_203, %get3A_195 : vector<16xf32>
          tpu.vector_store_idx %arg13[%add3A_201, %add3A_164], %neg3A_204 : memref<128x136xf32, #tpu.memory_space<vmem>>[vector<16xi32>, vector<16xi32>], vector<16xf32>,
          %add3A_205 = arith.constant 48 : i32
          %add3A_206 = arith.addi %max3A, %add3A_205 : i32
          %get3A_207 = arith.index_cast %scan3A_143 : i32 to index
          %get3A_208 = arith.index_cast %add3A_206 : i32 to index
          %get3A_209 = tpu.vector_load %arg9[%get3A_207, %get3A_208] {strides = array<i32>} : memref<128x136xf32, #tpu.memory_space<vmem>>, vector<16xf32>,
          %swap3A_210 = arith.index_cast %scan3A_143 : i32 to index
          %swap3A_211 = arith.constant 48 : index
          %swap3A_212 = tpu.vector_load %arg11[%swap3A_210, %swap3A_211] {strides = array<i32>} : memref<128x128xf32, #tpu.memory_space<vmem>>, vector<16xf32>,
          tpu.vector_store %arg11[%swap3A_210, %swap3A_211], %get3A_209 {strides = array<i32>} : memref<128x128xf32, #tpu.memory_space<vmem>>, vector<16xf32>,
          %add3A_213 = arith.constant 48 : i32
          %add3A_214 = vector.broadcast %add3A_213 : i32 to vector<16xi32>
          %add3A_215 = arith.addi %add3A_214, %iota3A : vector<16xi32>
          %neg3A_216 = arith.constant 0.000000e+00 : f32
          %neg3A_217 = vector.broadcast %neg3A_216 : f32 to vector<16xf32>
          %neg3A_218 = arith.subf %neg3A_217, %get3A_209 : vector<16xf32>
          tpu.vector_store_idx %arg13[%add3A_215, %add3A_164], %neg3A_218 : memref<128x136xf32, #tpu.memory_space<vmem>>[vector<16xi32>, vector<16xi32>], vector<16xf32>,
          %add3A_219 = arith.constant 64 : i32
          %add3A_220 = arith.addi %max3A, %add3A_219 : i32
          %get3A_221 = arith.index_cast %scan3A_143 : i32 to index
          %get3A_222 = arith.index_cast %add3A_220 : i32 to index
          %get3A_223 = tpu.vector_load %arg9[%get3A_221, %get3A_222] {strides = array<i32>} : memref<128x136xf32, #tpu.memory_space<vmem>>, vector<16xf32>,
          %swap3A_224 = arith.index_cast %scan3A_143 : i32 to index
          %swap3A_225 = arith.constant 64 : index
          %swap3A_226 = tpu.vector_load %arg11[%swap3A_224, %swap3A_225] {strides = array<i32>} : memref<128x128xf32, #tpu.memory_space<vmem>>, vector<16xf32>,
          tpu.vector_store %arg11[%swap3A_224, %swap3A_225], %get3A_223 {strides = array<i32>} : memref<128x128xf32, #tpu.memory_space<vmem>>, vector<16xf32>,
          %add3A_227 = arith.constant 64 : i32
          %add3A_228 = vector.broadcast %add3A_227 : i32 to vector<16xi32>
          %add3A_229 = arith.addi %add3A_228, %iota3A : vector<16xi32>
          %neg3A_230 = arith.constant 0.000000e+00 : f32
          %neg3A_231 = vector.broadcast %neg3A_230 : f32 to vector<16xf32>
          %neg3A_232 = arith.subf %neg3A_231, %get3A_223 : vector<16xf32>
          tpu.vector_store_idx %arg13[%add3A_229, %add3A_164], %neg3A_232 : memref<128x136xf32, #tpu.memory_space<vmem>>[vector<16xi32>, vector<16xi32>], vector<16xf32>,
          %add3A_233 = arith.constant 80 : i32
          %add3A_234 = arith.addi %max3A, %add3A_233 : i32
          %get3A_235 = arith.index_cast %scan3A_143 : i32 to index
          %get3A_236 = arith.index_cast %add3A_234 : i32 to index
          %get3A_237 = tpu.vector_load %arg9[%get3A_235, %get3A_236] {strides = array<i32>} : memref<128x136xf32, #tpu.memory_space<vmem>>, vector<16xf32>,
          %swap3A_238 = arith.index_cast %scan3A_143 : i32 to index
          %swap3A_239 = arith.constant 80 : index
          %swap3A_240 = tpu.vector_load %arg11[%swap3A_238, %swap3A_239] {strides = array<i32>} : memref<128x128xf32, #tpu.memory_space<vmem>>, vector<16xf32>,
          tpu.vector_store %arg11[%swap3A_238, %swap3A_239], %get3A_237 {strides = array<i32>} : memref<128x128xf32, #tpu.memory_space<vmem>>, vector<16xf32>,
          %add3A_241 = arith.constant 80 : i32
          %add3A_242 = vector.broadcast %add3A_241 : i32 to vector<16xi32>
          %add3A_243 = arith.addi %add3A_242, %iota3A : vector<16xi32>
          %neg3A_244 = arith.constant 0.000000e+00 : f32
          %neg3A_245 = vector.broadcast %neg3A_244 : f32 to vector<16xf32>
          %neg3A_246 = arith.subf %neg3A_245, %get3A_237 : vector<16xf32>
          tpu.vector_store_idx %arg13[%add3A_243, %add3A_164], %neg3A_246 : memref<128x136xf32, #tpu.memory_space<vmem>>[vector<16xi32>, vector<16xi32>], vector<16xf32>,
          %add3A_247 = arith.constant 96 : i32
          %add3A_248 = arith.addi %max3A, %add3A_247 : i32
          %get3A_249 = arith.index_cast %scan3A_143 : i32 to index
          %get3A_250 = arith.index_cast %add3A_248 : i32 to index
          %get3A_251 = tpu.vector_load %arg9[%get3A_249, %get3A_250] {strides = array<i32>} : memref<128x136xf32, #tpu.memory_space<vmem>>, vector<16xf32>,
          %swap3A_252 = arith.index_cast %scan3A_143 : i32 to index
          %swap3A_253 = arith.constant 96 : index
          %swap3A_254 = tpu.vector_load %arg11[%swap3A_252, %swap3A_253] {strides = array<i32>} : memref<128x128xf32, #tpu.memory_space<vmem>>, vector<16xf32>,
          tpu.vector_store %arg11[%swap3A_252, %swap3A_253], %get3A_251 {strides = array<i32>} : memref<128x128xf32, #tpu.memory_space<vmem>>, vector<16xf32>,
          %add3A_255 = arith.constant 96 : i32
          %add3A_256 = vector.broadcast %add3A_255 : i32 to vector<16xi32>
          %add3A_257 = arith.addi %add3A_256, %iota3A : vector<16xi32>
          %neg3A_258 = arith.constant 0.000000e+00 : f32
          %neg3A_259 = vector.broadcast %neg3A_258 : f32 to vector<16xf32>
          %neg3A_260 = arith.subf %neg3A_259, %get3A_251 : vector<16xf32>
          tpu.vector_store_idx %arg13[%add3A_257, %add3A_164], %neg3A_260 : memref<128x136xf32, #tpu.memory_space<vmem>>[vector<16xi32>, vector<16xi32>], vector<16xf32>,
          %add3A_261 = arith.constant 112 : i32
          %add3A_262 = arith.addi %max3A, %add3A_261 : i32
          %get3A_263 = arith.index_cast %scan3A_143 : i32 to index
          %get3A_264 = arith.index_cast %add3A_262 : i32 to index
          %get3A_265 = tpu.vector_load %arg9[%get3A_263, %get3A_264] {strides = array<i32>} : memref<128x136xf32, #tpu.memory_space<vmem>>, vector<16xf32>,
          %swap3A_266 = arith.index_cast %scan3A_143 : i32 to index
          %swap3A_267 = arith.constant 112 : index
          %swap3A_268 = tpu.vector_load %arg11[%swap3A_266, %swap3A_267] {strides = array<i32>} : memref<128x128xf32, #tpu.memory_space<vmem>>, vector<16xf32>,
          tpu.vector_store %arg11[%swap3A_266, %swap3A_267], %get3A_265 {strides = array<i32>} : memref<128x128xf32, #tpu.memory_space<vmem>>, vector<16xf32>,
          %add3A_269 = arith.constant 112 : i32
          %add3A_270 = vector.broadcast %add3A_269 : i32 to vector<16xi32>
          %add3A_271 = arith.addi %add3A_270, %iota3A : vector<16xi32>
          %neg3A_272 = arith.constant 0.000000e+00 : f32
          %neg3A_273 = vector.broadcast %neg3A_272 : f32 to vector<16xf32>
          %neg3A_274 = arith.subf %neg3A_273, %get3A_265 : vector<16xf32>
          tpu.vector_store_idx %arg13[%add3A_271, %add3A_164], %neg3A_274 : memref<128x136xf32, #tpu.memory_space<vmem>>[vector<16xi32>, vector<16xi32>], vector<16xf32>,
          %scan3A_275 = arith.constant 1 : i32
          %scan3A_276 = arith.addi %scan3A_143, %scan3A_275 : i32
          %mul3A_277 = arith.constant 128 : i32
          %mul3A_278 = arith.muli %squeeze3A, %mul3A_277 : i32
          %add3A_279 = arith.addi %mul3A_278, %scan3A_276 : i32
          %mul3A_280 = arith.constant 4095 : i32
          %mul3A_281 = arith.muli %add3A_279, %mul3A_280 : i32
          %sub3A_282 = arith.constant 1 : i32
          %sub3A_283 = arith.subi %add3A_279, %sub3A_282 : i32
          %mul3A_284 = arith.muli %add3A_279, %sub3A_283 : i32
          %shift_right_arithmetic3A_285 = arith.constant 1 : i32
          %shift_right_arithmetic3A_286 = arith.shrsi %mul3A_284, %shift_right_arithmetic3A_285 : i32
          %sub3A_287 = arith.subi %mul3A_281, %shift_right_arithmetic3A_286 : i32
          %mul3A_288 = arith.constant 128 : i32
          %mul3A_289 = arith.muli %squeeze3A_121, %mul3A_288 : i32
          %add3A_290 = arith.addi %sub3A_287, %mul3A_289 : i32
          %sub3A_291 = arith.subi %add3A_290, %add3A_279 : i32
          %sub3A_292 = arith.constant 1 : i32
          %sub3A_293 = arith.subi %sub3A_291, %sub3A_292 : i32
          %and3A_294 = arith.constant 7 : i32
          %and3A_295 = arith.andi %sub3A_293, %and3A_294 : i32
          %sub3A_296 = arith.constant 8386424 : i32
          %sub3A_297 = arith.subi %sub3A_293, %sub3A_296 : i32
          %max3A_298 = arith.maxsi %and3A_295, %sub3A_297 : i32
          %broadcast_in_dim3A_299 = arith.constant 0 : i32
          %broadcast_in_dim3A_300 = vector.broadcast %broadcast_in_dim3A_299 : i32 to vector<16xi32>
          %add3A_301 = vector.broadcast %scan3A_276 : i32 to vector<16xi32>
          %add3A_302 = arith.addi %broadcast_in_dim3A_300, %add3A_301 : vector<16xi32>
          %add3A_303 = arith.constant 0 : i32
          %add3A_304 = arith.addi %max3A_298, %add3A_303 : i32
          %get3A_305 = arith.index_cast %scan3A_276 : i32 to index
          %get3A_306 = arith.index_cast %add3A_304 : i32 to index
          %get3A_307 = tpu.vector_load %arg9[%get3A_305, %get3A_306] {strides = array<i32>} : memref<128x136xf32, #tpu.memory_space<vmem>>, vector<16xf32>,
          %swap3A_308 = arith.index_cast %scan3A_276 : i32 to index
          %swap3A_309 = arith.constant 0 : index
          %swap3A_310 = tpu.vector_load %arg11[%swap3A_308, %swap3A_309] {strides = array<i32>} : memref<128x128xf32, #tpu.memory_space<vmem>>, vector<16xf32>,
          tpu.vector_store %arg11[%swap3A_308, %swap3A_309], %get3A_307 {strides = array<i32>} : memref<128x128xf32, #tpu.memory_space<vmem>>, vector<16xf32>,
          %add3A_311 = arith.constant 0 : i32
          %add3A_312 = vector.broadcast %add3A_311 : i32 to vector<16xi32>
          %add3A_313 = arith.addi %add3A_312, %iota3A : vector<16xi32>
          %neg3A_314 = arith.constant 0.000000e+00 : f32
          %neg3A_315 = vector.broadcast %neg3A_314 : f32 to vector<16xf32>
          %neg3A_316 = arith.subf %neg3A_315, %get3A_307 : vector<16xf32>
          tpu.vector_store_idx %arg13[%add3A_313, %add3A_302], %neg3A_316 : memref<128x136xf32, #tpu.memory_space<vmem>>[vector<16xi32>, vector<16xi32>], vector<16xf32>,
          %add3A_317 = arith.constant 16 : i32
          %add3A_318 = arith.addi %max3A_298, %add3A_317 : i32
          %get3A_319 = arith.index_cast %scan3A_276 : i32 to index
          %get3A_320 = arith.index_cast %add3A_318 : i32 to index
          %get3A_321 = tpu.vector_load %arg9[%get3A_319, %get3A_320] {strides = array<i32>} : memref<128x136xf32, #tpu.memory_space<vmem>>, vector<16xf32>,
          %swap3A_322 = arith.index_cast %scan3A_276 : i32 to index
          %swap3A_323 = arith.constant 16 : index
          %swap3A_324 = tpu.vector_load %arg11[%swap3A_322, %swap3A_323] {strides = array<i32>} : memref<128x128xf32, #tpu.memory_space<vmem>>, vector<16xf32>,
          tpu.vector_store %arg11[%swap3A_322, %swap3A_323], %get3A_321 {strides = array<i32>} : memref<128x128xf32, #tpu.memory_space<vmem>>, vector<16xf32>,
          %add3A_325 = arith.constant 16 : i32
          %add3A_326 = vector.broadcast %add3A_325 : i32 to vector<16xi32>
          %add3A_327 = arith.addi %add3A_326, %iota3A : vector<16xi32>
          %neg3A_328 = arith.constant 0.000000e+00 : f32
          %neg3A_329 = vector.broadcast %neg3A_328 : f32 to vector<16xf32>
          %neg3A_330 = arith.subf %neg3A_329, %get3A_321 : vector<16xf32>
          tpu.vector_store_idx %arg13[%add3A_327, %add3A_302], %neg3A_330 : memref<128x136xf32, #tpu.memory_space<vmem>>[vector<16xi32>, vector<16xi32>], vector<16xf32>,
          %add3A_331 = arith.constant 32 : i32
          %add3A_332 = arith.addi %max3A_298, %add3A_331 : i32
          %get3A_333 = arith.index_cast %scan3A_276 : i32 to index
          %get3A_334 = arith.index_cast %add3A_332 : i32 to index
          %get3A_335 = tpu.vector_load %arg9[%get3A_333, %get3A_334] {strides = array<i32>} : memref<128x136xf32, #tpu.memory_space<vmem>>, vector<16xf32>,
          %swap3A_336 = arith.index_cast %scan3A_276 : i32 to index
          %swap3A_337 = arith.constant 32 : index
          %swap3A_338 = tpu.vector_load %arg11[%swap3A_336, %swap3A_337] {strides = array<i32>} : memref<128x128xf32, #tpu.memory_space<vmem>>, vector<16xf32>,
          tpu.vector_store %arg11[%swap3A_336, %swap3A_337], %get3A_335 {strides = array<i32>} : memref<128x128xf32, #tpu.memory_space<vmem>>, vector<16xf32>,
          %add3A_339 = arith.constant 32 : i32
          %add3A_340 = vector.broadcast %add3A_339 : i32 to vector<16xi32>
          %add3A_341 = arith.addi %add3A_340, %iota3A : vector<16xi32>
          %neg3A_342 = arith.constant 0.000000e+00 : f32
          %neg3A_343 = vector.broadcast %neg3A_342 : f32 to vector<16xf32>
          %neg3A_344 = arith.subf %neg3A_343, %get3A_335 : vector<16xf32>
          tpu.vector_store_idx %arg13[%add3A_341, %add3A_302], %neg3A_344 : memref<128x136xf32, #tpu.memory_space<vmem>>[vector<16xi32>, vector<16xi32>], vector<16xf32>,
          %add3A_345 = arith.constant 48 : i32
          %add3A_346 = arith.addi %max3A_298, %add3A_345 : i32
          %get3A_347 = arith.index_cast %scan3A_276 : i32 to index
          %get3A_348 = arith.index_cast %add3A_346 : i32 to index
          %get3A_349 = tpu.vector_load %arg9[%get3A_347, %get3A_348] {strides = array<i32>} : memref<128x136xf32, #tpu.memory_space<vmem>>, vector<16xf32>,
          %swap3A_350 = arith.index_cast %scan3A_276 : i32 to index
          %swap3A_351 = arith.constant 48 : index
          %swap3A_352 = tpu.vector_load %arg11[%swap3A_350, %swap3A_351] {strides = array<i32>} : memref<128x128xf32, #tpu.memory_space<vmem>>, vector<16xf32>,
          tpu.vector_store %arg11[%swap3A_350, %swap3A_351], %get3A_349 {strides = array<i32>} : memref<128x128xf32, #tpu.memory_space<vmem>>, vector<16xf32>,
          %add3A_353 = arith.constant 48 : i32
          %add3A_354 = vector.broadcast %add3A_353 : i32 to vector<16xi32>
          %add3A_355 = arith.addi %add3A_354, %iota3A : vector<16xi32>
          %neg3A_356 = arith.constant 0.000000e+00 : f32
          %neg3A_357 = vector.broadcast %neg3A_356 : f32 to vector<16xf32>
          %neg3A_358 = arith.subf %neg3A_357, %get3A_349 : vector<16xf32>
          tpu.vector_store_idx %arg13[%add3A_355, %add3A_302], %neg3A_358 : memref<128x136xf32, #tpu.memory_space<vmem>>[vector<16xi32>, vector<16xi32>], vector<16xf32>,
          %add3A_359 = arith.constant 64 : i32
          %add3A_360 = arith.addi %max3A_298, %add3A_359 : i32
          %get3A_361 = arith.index_cast %scan3A_276 : i32 to index
          %get3A_362 = arith.index_cast %add3A_360 : i32 to index
          %get3A_363 = tpu.vector_load %arg9[%get3A_361, %get3A_362] {strides = array<i32>} : memref<128x136xf32, #tpu.memory_space<vmem>>, vector<16xf32>,
          %swap3A_364 = arith.index_cast %scan3A_276 : i32 to index
          %swap3A_365 = arith.constant 64 : index
          %swap3A_366 = tpu.vector_load %arg11[%swap3A_364, %swap3A_365] {strides = array<i32>} : memref<128x128xf32, #tpu.memory_space<vmem>>, vector<16xf32>,
          tpu.vector_store %arg11[%swap3A_364, %swap3A_365], %get3A_363 {strides = array<i32>} : memref<128x128xf32, #tpu.memory_space<vmem>>, vector<16xf32>,
          %add3A_367 = arith.constant 64 : i32
          %add3A_368 = vector.broadcast %add3A_367 : i32 to vector<16xi32>
          %add3A_369 = arith.addi %add3A_368, %iota3A : vector<16xi32>
          %neg3A_370 = arith.constant 0.000000e+00 : f32
          %neg3A_371 = vector.broadcast %neg3A_370 : f32 to vector<16xf32>
          %neg3A_372 = arith.subf %neg3A_371, %get3A_363 : vector<16xf32>
          tpu.vector_store_idx %arg13[%add3A_369, %add3A_302], %neg3A_372 : memref<128x136xf32, #tpu.memory_space<vmem>>[vector<16xi32>, vector<16xi32>], vector<16xf32>,
          %add3A_373 = arith.constant 80 : i32
          %add3A_374 = arith.addi %max3A_298, %add3A_373 : i32
          %get3A_375 = arith.index_cast %scan3A_276 : i32 to index
          %get3A_376 = arith.index_cast %add3A_374 : i32 to index
          %get3A_377 = tpu.vector_load %arg9[%get3A_375, %get3A_376] {strides = array<i32>} : memref<128x136xf32, #tpu.memory_space<vmem>>, vector<16xf32>,
          %swap3A_378 = arith.index_cast %scan3A_276 : i32 to index
          %swap3A_379 = arith.constant 80 : index
          %swap3A_380 = tpu.vector_load %arg11[%swap3A_378, %swap3A_379] {strides = array<i32>} : memref<128x128xf32, #tpu.memory_space<vmem>>, vector<16xf32>,
          tpu.vector_store %arg11[%swap3A_378, %swap3A_379], %get3A_377 {strides = array<i32>} : memref<128x128xf32, #tpu.memory_space<vmem>>, vector<16xf32>,
          %add3A_381 = arith.constant 80 : i32
          %add3A_382 = vector.broadcast %add3A_381 : i32 to vector<16xi32>
          %add3A_383 = arith.addi %add3A_382, %iota3A : vector<16xi32>
          %neg3A_384 = arith.constant 0.000000e+00 : f32
          %neg3A_385 = vector.broadcast %neg3A_384 : f32 to vector<16xf32>
          %neg3A_386 = arith.subf %neg3A_385, %get3A_377 : vector<16xf32>
          tpu.vector_store_idx %arg13[%add3A_383, %add3A_302], %neg3A_386 : memref<128x136xf32, #tpu.memory_space<vmem>>[vector<16xi32>, vector<16xi32>], vector<16xf32>,
          %add3A_387 = arith.constant 96 : i32
          %add3A_388 = arith.addi %max3A_298, %add3A_387 : i32
          %get3A_389 = arith.index_cast %scan3A_276 : i32 to index
          %get3A_390 = arith.index_cast %add3A_388 : i32 to index
          %get3A_391 = tpu.vector_load %arg9[%get3A_389, %get3A_390] {strides = array<i32>} : memref<128x136xf32, #tpu.memory_space<vmem>>, vector<16xf32>,
          %swap3A_392 = arith.index_cast %scan3A_276 : i32 to index
          %swap3A_393 = arith.constant 96 : index
          %swap3A_394 = tpu.vector_load %arg11[%swap3A_392, %swap3A_393] {strides = array<i32>} : memref<128x128xf32, #tpu.memory_space<vmem>>, vector<16xf32>,
          tpu.vector_store %arg11[%swap3A_392, %swap3A_393], %get3A_391 {strides = array<i32>} : memref<128x128xf32, #tpu.memory_space<vmem>>, vector<16xf32>,
          %add3A_395 = arith.constant 96 : i32
          %add3A_396 = vector.broadcast %add3A_395 : i32 to vector<16xi32>
          %add3A_397 = arith.addi %add3A_396, %iota3A : vector<16xi32>
          %neg3A_398 = arith.constant 0.000000e+00 : f32
          %neg3A_399 = vector.broadcast %neg3A_398 : f32 to vector<16xf32>
          %neg3A_400 = arith.subf %neg3A_399, %get3A_391 : vector<16xf32>
          tpu.vector_store_idx %arg13[%add3A_397, %add3A_302], %neg3A_400 : memref<128x136xf32, #tpu.memory_space<vmem>>[vector<16xi32>, vector<16xi32>], vector<16xf32>,
          %add3A_401 = arith.constant 112 : i32
          %add3A_402 = arith.addi %max3A_298, %add3A_401 : i32
          %get3A_403 = arith.index_cast %scan3A_276 : i32 to index
          %get3A_404 = arith.index_cast %add3A_402 : i32 to index
          %get3A_405 = tpu.vector_load %arg9[%get3A_403, %get3A_404] {strides = array<i32>} : memref<128x136xf32, #tpu.memory_space<vmem>>, vector<16xf32>,
          %swap3A_406 = arith.index_cast %scan3A_276 : i32 to index
          %swap3A_407 = arith.constant 112 : index
          %swap3A_408 = tpu.vector_load %arg11[%swap3A_406, %swap3A_407] {strides = array<i32>} : memref<128x128xf32, #tpu.memory_space<vmem>>, vector<16xf32>,
          tpu.vector_store %arg11[%swap3A_406, %swap3A_407], %get3A_405 {strides = array<i32>} : memref<128x128xf32, #tpu.memory_space<vmem>>, vector<16xf32>,
          %add3A_409 = arith.constant 112 : i32
          %add3A_410 = vector.broadcast %add3A_409 : i32 to vector<16xi32>
          %add3A_411 = arith.addi %add3A_410, %iota3A : vector<16xi32>
          %neg3A_412 = arith.constant 0.000000e+00 : f32
          %neg3A_413 = vector.broadcast %neg3A_412 : f32 to vector<16xf32>
          %neg3A_414 = arith.subf %neg3A_413, %get3A_405 : vector<16xf32>
          tpu.vector_store_idx %arg13[%add3A_411, %add3A_302], %neg3A_414 : memref<128x136xf32, #tpu.memory_space<vmem>>[vector<16xi32>, vector<16xi32>], vector<16xf32>,
        }
        %scan3A_132 = arith.constant 128 : i32
        %dma_start3A_133 = tpu.memref_slice %arg5[%multiple_of3A, %multiple_of3A_126] : memref<4096x4096xf32, #tpu.memory_space<hbm>> -> memref<128x128xf32, #tpu.memory_space<hbm>>
        %dma_start3A_134 = tpu.memref_slice %arg5[%multiple_of3A, %multiple_of3A_126] : memref<4096x4096xf32, #tpu.memory_space<hbm>> -> memref<128x128xf32, #tpu.memory_space<hbm>>
        tpu.enqueue_dma source(%arg11 : memref<128x128xf32, #tpu.memory_space<vmem>>) target(%dma_start3A_134 : memref<128x128xf32, #tpu.memory_space<hbm>>) target_semaphore(%arg17 : memref<!tpu.dma_semaphore, #tpu.memory_space<semaphore_mem>>)
        %dma_start3A_135 = arith.constant 0 : i32
        %dma_start3A_136 = arith.constant 0 : i32
        %dma_start3A_137 = tpu.memref_slice %arg13[%dma_start3A_135, %dma_start3A_136] : memref<128x136xf32, #tpu.memory_space<vmem>> -> memref<128x128xf32, #tpu.memory_space<vmem>>
        %dma_start3A_138 = tpu.memref_slice %arg5[%multiple_of3A_126, %multiple_of3A] : memref<4096x4096xf32, #tpu.memory_space<hbm>> -> memref<128x128xf32, #tpu.memory_space<hbm>>
        %dma_start3A_139 = tpu.memref_slice %arg5[%multiple_of3A_126, %multiple_of3A] : memref<4096x4096xf32, #tpu.memory_space<hbm>> -> memref<128x128xf32, #tpu.memory_space<hbm>>
        %dma_start3A_140 = arith.constant 0 : i32
        %dma_start3A_141 = arith.constant 0 : i32
        %dma_start3A_142 = tpu.memref_slice %arg13[%dma_start3A_140, %dma_start3A_141] : memref<128x136xf32, #tpu.memory_space<vmem>> -> memref<128x128xf32, #tpu.memory_space<vmem>>
        tpu.enqueue_dma source(%dma_start3A_142 : memref<128x128xf32, #tpu.memory_space<vmem>>) target(%dma_start3A_139 : memref<128x128xf32, #tpu.memory_space<hbm>>) target_semaphore(%arg17 : memref<!tpu.dma_semaphore, #tpu.memory_space<semaphore_mem>>)
      } else {
      }
    }
    %scan3A_9 = arith.constant 8 : i32
    %mul3A_10 = arith.constant 128 : i32
    %mul3A_11 = arith.muli %add3A, %mul3A_10 : i32
    %dma_wait3A = arith.constant 0 : i32
    %dma_wait3A_12 = arith.constant 0 : i32
    %dma_wait3A_13 = tpu.memref_slice %arg5[%dma_wait3A, %dma_wait3A_12] : memref<4096x4096xf32, #tpu.memory_space<hbm>> -> memref<128x136xf32, #tpu.memory_space<hbm>>
    %dma_wait3A_14 = arith.constant 0 : i32
    %dma_wait3A_15 = arith.constant 0 : i32
    %dma_wait3A_16 = tpu.memref_slice %arg5[%dma_wait3A_14, %dma_wait3A_15] : memref<4096x4096xf32, #tpu.memory_space<hbm>> -> memref<128x136xf32, #tpu.memory_space<hbm>>
    tpu.wait_dma2 semaphore(%arg14 : memref<!tpu.dma_semaphore, #tpu.memory_space<semaphore_mem>>) src(%dma_wait3A_16 : memref<128x136xf32, #tpu.memory_space<hbm>>) dst(%arg8 : memref<128x136xf32, #tpu.memory_space<vmem>>)
    %dma_wait3A_17 = arith.constant 0 : i32
    %dma_wait3A_18 = arith.constant 0 : i32
    %dma_wait3A_19 = tpu.memref_slice %arg5[%dma_wait3A_17, %dma_wait3A_18] : memref<4096x4096xf32, #tpu.memory_space<hbm>> -> memref<128x128xf32, #tpu.memory_space<hbm>>
    %dma_wait3A_20 = arith.constant 0 : i32
    %dma_wait3A_21 = arith.constant 0 : i32
    %dma_wait3A_22 = tpu.memref_slice %arg5[%dma_wait3A_20, %dma_wait3A_21] : memref<4096x4096xf32, #tpu.memory_space<hbm>> -> memref<128x128xf32, #tpu.memory_space<hbm>>
    tpu.wait_dma2 semaphore(%arg16 : memref<!tpu.dma_semaphore, #tpu.memory_space<semaphore_mem>>) src(%dma_wait3A_22 : memref<128x128xf32, #tpu.memory_space<hbm>>) dst(%arg10 : memref<128x128xf32, #tpu.memory_space<vmem>>)
    %dma_wait3A_23 = arith.constant 0 : i32
    %dma_wait3A_24 = arith.constant 0 : i32
    %dma_wait3A_25 = tpu.memref_slice %arg5[%dma_wait3A_23, %dma_wait3A_24] : memref<4096x4096xf32, #tpu.memory_space<hbm>> -> memref<128x128xf32, #tpu.memory_space<hbm>>
    %dma_wait3A_26 = arith.constant 0 : i32
    %dma_wait3A_27 = arith.constant 0 : i32
    %dma_wait3A_28 = tpu.memref_slice %arg5[%dma_wait3A_26, %dma_wait3A_27] : memref<4096x4096xf32, #tpu.memory_space<hbm>> -> memref<128x128xf32, #tpu.memory_space<hbm>>
    tpu.wait_dma2 semaphore(%arg16 : memref<!tpu.dma_semaphore, #tpu.memory_space<semaphore_mem>>) src(%dma_wait3A_28 : memref<128x128xf32, #tpu.memory_space<hbm>>) dst(%arg10 : memref<128x128xf32, #tpu.memory_space<vmem>>)
    %scan3A_29 = arith.constant 0 : i32
    %scan3A_30 = arith.constant 0 : i32
    %scan3A_31 = arith.constant 128 : i32
    %scan3A_32 = arith.addi %scan3A_30, %scan3A_31 : i32
    %scan3A_33 = arith.constant 2 : i32
    scf.for %scan3A_64 = %scan3A_30 to %scan3A_32 step %scan3A_33  : i32 {
      %sub3A = arith.constant 127 : i32
      %sub3A_65 = arith.subi %sub3A, %scan3A_64 : i32
      %mul3A_66 = arith.constant 128 : i32
      %mul3A_67 = arith.muli %add3A, %mul3A_66 : i32
      %add3A_68 = arith.addi %mul3A_67, %sub3A_65 : i32
      %mul3A_69 = arith.constant 4095 : i32
      %mul3A_70 = arith.muli %add3A_68, %mul3A_69 : i32
      %sub3A_71 = arith.constant 1 : i32
      %sub3A_72 = arith.subi %add3A_68, %sub3A_71 : i32
      %mul3A_73 = arith.muli %add3A_68, %sub3A_72 : i32
      %shift_right_arithmetic3A = arith.constant 1 : i32
      %shift_right_arithmetic3A_74 = arith.shrsi %mul3A_73, %shift_right_arithmetic3A : i32
      %sub3A_75 = arith.subi %mul3A_70, %shift_right_arithmetic3A_74 : i32
      %sub3A_76 = arith.subi %sub3A_75, %sub3A_65 : i32
      %sub3A_77 = arith.constant 1 : i32
      %sub3A_78 = arith.subi %sub3A_76, %sub3A_77 : i32
      %max3A = arith.constant 0 : i32
      %max3A_79 = arith.maxsi %max3A, %sub3A_78 : i32
      %and3A = arith.constant 7 : i32
      %and3A_80 = arith.andi %max3A_79, %and3A : i32
      %sub3A_81 = arith.constant 8386424 : i32
      %sub3A_82 = arith.subi %max3A_79, %sub3A_81 : i32
      %max3A_83 = arith.maxsi %and3A_80, %sub3A_82 : i32
      %broadcast_in_dim3A = arith.constant 0 : i32
      %broadcast_in_dim3A_84 = vector.broadcast %broadcast_in_dim3A : i32 to vector<16xi32>
      %add3A_85 = vector.broadcast %sub3A_65 : i32 to vector<16xi32>
      %add3A_86 = arith.addi %broadcast_in_dim3A_84, %add3A_85 : vector<16xi32>
      %broadcast_in_dim3A_87 = arith.constant 0.000000e+00 : f32
      %broadcast_in_dim3A_88 = vector.broadcast %broadcast_in_dim3A_87 : f32 to vector<16xf32>
      %add3A_89 = arith.constant 0 : i32
      %add3A_90 = vector.broadcast %add3A_89 : i32 to vector<16xi32>
      %add3A_91 = arith.addi %add3A_90, %iota3A : vector<16xi32>
      %add3A_92 = arith.constant 0 : i32
      %add3A_93 = arith.addi %max3A_83, %add3A_92 : i32
      %get3A = arith.index_cast %sub3A_65 : i32 to index
      %get3A_94 = arith.index_cast %add3A_93 : i32 to index
      %get3A_95 = tpu.vector_load %arg8[%get3A, %get3A_94] {strides = array<i32>} : memref<128x136xf32, #tpu.memory_space<vmem>>, vector<16xf32>,
      %gt3A = vector.broadcast %sub3A_65 : i32 to vector<16xi32>
      %gt3A_96 = arith.cmpi sgt, %add3A_91, %gt3A : vector<16xi32>
      %select_n3A = arith.select %gt3A_96, %get3A_95, %broadcast_in_dim3A_88 : vector<16xi1>, vector<16xf32>
      %swap3A = arith.index_cast %sub3A_65 : i32 to index
      %swap3A_97 = arith.constant 0 : index
      %swap3A_98 = tpu.vector_load %arg12[%swap3A, %swap3A_97] {strides = array<i32>} : memref<128x136xf32, #tpu.memory_space<vmem>>, vector<16xf32>,
      tpu.vector_store %arg12[%swap3A, %swap3A_97], %select_n3A {strides = array<i32>} : memref<128x136xf32, #tpu.memory_space<vmem>>, vector<16xf32>,
      %neg3A = arith.constant 0.000000e+00 : f32
      %neg3A_99 = vector.broadcast %neg3A : f32 to vector<16xf32>
      %neg3A_100 = arith.subf %neg3A_99, %get3A_95 : vector<16xf32>
      tpu.vector_store_idx %arg12[%add3A_91, %add3A_86], %neg3A_100 masked %gt3A_96 : memref<128x136xf32, #tpu.memory_space<vmem>>[vector<16xi32>, vector<16xi32>], vector<16xf32>, vector<16xi1>
      %add3A_101 = arith.constant 16 : i32
      %add3A_102 = vector.broadcast %add3A_101 : i32 to vector<16xi32>
      %add3A_103 = arith.addi %add3A_102, %iota3A : vector<16xi32>
      %add3A_104 = arith.constant 16 : i32
      %add3A_105 = arith.addi %max3A_83, %add3A_104 : i32
      %get3A_106 = arith.index_cast %sub3A_65 : i32 to index
      %get3A_107 = arith.index_cast %add3A_105 : i32 to index
      %get3A_108 = tpu.vector_load %arg8[%get3A_106, %get3A_107] {strides = array<i32>} : memref<128x136xf32, #tpu.memory_space<vmem>>, vector<16xf32>,
      %gt3A_109 = vector.broadcast %sub3A_65 : i32 to vector<16xi32>
      %gt3A_110 = arith.cmpi sgt, %add3A_103, %gt3A_109 : vector<16xi32>
      %select_n3A_111 = arith.select %gt3A_110, %get3A_108, %broadcast_in_dim3A_88 : vector<16xi1>, vector<16xf32>
      %swap3A_112 = arith.index_cast %sub3A_65 : i32 to index
      %swap3A_113 = arith.constant 16 : index
      %swap3A_114 = tpu.vector_load %arg12[%swap3A_112, %swap3A_113] {strides = array<i32>} : memref<128x136xf32, #tpu.memory_space<vmem>>, vector<16xf32>,
      tpu.vector_store %arg12[%swap3A_112, %swap3A_113], %select_n3A_111 {strides = array<i32>} : memref<128x136xf32, #tpu.memory_space<vmem>>, vector<16xf32>,
      %neg3A_115 = arith.constant 0.000000e+00 : f32
      %neg3A_116 = vector.broadcast %neg3A_115 : f32 to vector<16xf32>
      %neg3A_117 = arith.subf %neg3A_116, %get3A_108 : vector<16xf32>
      tpu.vector_store_idx %arg12[%add3A_103, %add3A_86], %neg3A_117 masked %gt3A_110 : memref<128x136xf32, #tpu.memory_space<vmem>>[vector<16xi32>, vector<16xi32>], vector<16xf32>, vector<16xi1>
      %add3A_118 = arith.constant 32 : i32
      %add3A_119 = vector.broadcast %add3A_118 : i32 to vector<16xi32>
      %add3A_120 = arith.addi %add3A_119, %iota3A : vector<16xi32>
      %add3A_121 = arith.constant 32 : i32
      %add3A_122 = arith.addi %max3A_83, %add3A_121 : i32
      %get3A_123 = arith.index_cast %sub3A_65 : i32 to index
      %get3A_124 = arith.index_cast %add3A_122 : i32 to index
      %get3A_125 = tpu.vector_load %arg8[%get3A_123, %get3A_124] {strides = array<i32>} : memref<128x136xf32, #tpu.memory_space<vmem>>, vector<16xf32>,
      %gt3A_126 = vector.broadcast %sub3A_65 : i32 to vector<16xi32>
      %gt3A_127 = arith.cmpi sgt, %add3A_120, %gt3A_126 : vector<16xi32>
      %select_n3A_128 = arith.select %gt3A_127, %get3A_125, %broadcast_in_dim3A_88 : vector<16xi1>, vector<16xf32>
      %swap3A_129 = arith.index_cast %sub3A_65 : i32 to index
      %swap3A_130 = arith.constant 32 : index
      %swap3A_131 = tpu.vector_load %arg12[%swap3A_129, %swap3A_130] {strides = array<i32>} : memref<128x136xf32, #tpu.memory_space<vmem>>, vector<16xf32>,
      tpu.vector_store %arg12[%swap3A_129, %swap3A_130], %select_n3A_128 {strides = array<i32>} : memref<128x136xf32, #tpu.memory_space<vmem>>, vector<16xf32>,
      %neg3A_132 = arith.constant 0.000000e+00 : f32
      %neg3A_133 = vector.broadcast %neg3A_132 : f32 to vector<16xf32>
      %neg3A_134 = arith.subf %neg3A_133, %get3A_125 : vector<16xf32>
      tpu.vector_store_idx %arg12[%add3A_120, %add3A_86], %neg3A_134 masked %gt3A_127 : memref<128x136xf32, #tpu.memory_space<vmem>>[vector<16xi32>, vector<16xi32>], vector<16xf32>, vector<16xi1>
      %add3A_135 = arith.constant 48 : i32
      %add3A_136 = vector.broadcast %add3A_135 : i32 to vector<16xi32>
      %add3A_137 = arith.addi %add3A_136, %iota3A : vector<16xi32>
      %add3A_138 = arith.constant 48 : i32
      %add3A_139 = arith.addi %max3A_83, %add3A_138 : i32
      %get3A_140 = arith.index_cast %sub3A_65 : i32 to index
      %get3A_141 = arith.index_cast %add3A_139 : i32 to index
      %get3A_142 = tpu.vector_load %arg8[%get3A_140, %get3A_141] {strides = array<i32>} : memref<128x136xf32, #tpu.memory_space<vmem>>, vector<16xf32>,
      %gt3A_143 = vector.broadcast %sub3A_65 : i32 to vector<16xi32>
      %gt3A_144 = arith.cmpi sgt, %add3A_137, %gt3A_143 : vector<16xi32>
      %select_n3A_145 = arith.select %gt3A_144, %get3A_142, %broadcast_in_dim3A_88 : vector<16xi1>, vector<16xf32>
      %swap3A_146 = arith.index_cast %sub3A_65 : i32 to index
      %swap3A_147 = arith.constant 48 : index
      %swap3A_148 = tpu.vector_load %arg12[%swap3A_146, %swap3A_147] {strides = array<i32>} : memref<128x136xf32, #tpu.memory_space<vmem>>, vector<16xf32>,
      tpu.vector_store %arg12[%swap3A_146, %swap3A_147], %select_n3A_145 {strides = array<i32>} : memref<128x136xf32, #tpu.memory_space<vmem>>, vector<16xf32>,
      %neg3A_149 = arith.constant 0.000000e+00 : f32
      %neg3A_150 = vector.broadcast %neg3A_149 : f32 to vector<16xf32>
      %neg3A_151 = arith.subf %neg3A_150, %get3A_142 : vector<16xf32>
      tpu.vector_store_idx %arg12[%add3A_137, %add3A_86], %neg3A_151 masked %gt3A_144 : memref<128x136xf32, #tpu.memory_space<vmem>>[vector<16xi32>, vector<16xi32>], vector<16xf32>, vector<16xi1>
      %add3A_152 = arith.constant 64 : i32
      %add3A_153 = vector.broadcast %add3A_152 : i32 to vector<16xi32>
      %add3A_154 = arith.addi %add3A_153, %iota3A : vector<16xi32>
      %add3A_155 = arith.constant 64 : i32
      %add3A_156 = arith.addi %max3A_83, %add3A_155 : i32
      %get3A_157 = arith.index_cast %sub3A_65 : i32 to index
      %get3A_158 = arith.index_cast %add3A_156 : i32 to index
      %get3A_159 = tpu.vector_load %arg8[%get3A_157, %get3A_158] {strides = array<i32>} : memref<128x136xf32, #tpu.memory_space<vmem>>, vector<16xf32>,
      %gt3A_160 = vector.broadcast %sub3A_65 : i32 to vector<16xi32>
      %gt3A_161 = arith.cmpi sgt, %add3A_154, %gt3A_160 : vector<16xi32>
      %select_n3A_162 = arith.select %gt3A_161, %get3A_159, %broadcast_in_dim3A_88 : vector<16xi1>, vector<16xf32>
      %swap3A_163 = arith.index_cast %sub3A_65 : i32 to index
      %swap3A_164 = arith.constant 64 : index
      %swap3A_165 = tpu.vector_load %arg12[%swap3A_163, %swap3A_164] {strides = array<i32>} : memref<128x136xf32, #tpu.memory_space<vmem>>, vector<16xf32>,
      tpu.vector_store %arg12[%swap3A_163, %swap3A_164], %select_n3A_162 {strides = array<i32>} : memref<128x136xf32, #tpu.memory_space<vmem>>, vector<16xf32>,
      %neg3A_166 = arith.constant 0.000000e+00 : f32
      %neg3A_167 = vector.broadcast %neg3A_166 : f32 to vector<16xf32>
      %neg3A_168 = arith.subf %neg3A_167, %get3A_159 : vector<16xf32>
      tpu.vector_store_idx %arg12[%add3A_154, %add3A_86], %neg3A_168 masked %gt3A_161 : memref<128x136xf32, #tpu.memory_space<vmem>>[vector<16xi32>, vector<16xi32>], vector<16xf32>, vector<16xi1>
      %add3A_169 = arith.constant 80 : i32
      %add3A_170 = vector.broadcast %add3A_169 : i32 to vector<16xi32>
      %add3A_171 = arith.addi %add3A_170, %iota3A : vector<16xi32>
      %add3A_172 = arith.constant 80 : i32
      %add3A_173 = arith.addi %max3A_83, %add3A_172 : i32
      %get3A_174 = arith.index_cast %sub3A_65 : i32 to index
      %get3A_175 = arith.index_cast %add3A_173 : i32 to index
      %get3A_176 = tpu.vector_load %arg8[%get3A_174, %get3A_175] {strides = array<i32>} : memref<128x136xf32, #tpu.memory_space<vmem>>, vector<16xf32>,
      %gt3A_177 = vector.broadcast %sub3A_65 : i32 to vector<16xi32>
      %gt3A_178 = arith.cmpi sgt, %add3A_171, %gt3A_177 : vector<16xi32>
      %select_n3A_179 = arith.select %gt3A_178, %get3A_176, %broadcast_in_dim3A_88 : vector<16xi1>, vector<16xf32>
      %swap3A_180 = arith.index_cast %sub3A_65 : i32 to index
      %swap3A_181 = arith.constant 80 : index
      %swap3A_182 = tpu.vector_load %arg12[%swap3A_180, %swap3A_181] {strides = array<i32>} : memref<128x136xf32, #tpu.memory_space<vmem>>, vector<16xf32>,
      tpu.vector_store %arg12[%swap3A_180, %swap3A_181], %select_n3A_179 {strides = array<i32>} : memref<128x136xf32, #tpu.memory_space<vmem>>, vector<16xf32>,
      %neg3A_183 = arith.constant 0.000000e+00 : f32
      %neg3A_184 = vector.broadcast %neg3A_183 : f32 to vector<16xf32>
      %neg3A_185 = arith.subf %neg3A_184, %get3A_176 : vector<16xf32>
      tpu.vector_store_idx %arg12[%add3A_171, %add3A_86], %neg3A_185 masked %gt3A_178 : memref<128x136xf32, #tpu.memory_space<vmem>>[vector<16xi32>, vector<16xi32>], vector<16xf32>, vector<16xi1>
      %add3A_186 = arith.constant 96 : i32
      %add3A_187 = vector.broadcast %add3A_186 : i32 to vector<16xi32>
      %add3A_188 = arith.addi %add3A_187, %iota3A : vector<16xi32>
      %add3A_189 = arith.constant 96 : i32
      %add3A_190 = arith.addi %max3A_83, %add3A_189 : i32
      %get3A_191 = arith.index_cast %sub3A_65 : i32 to index
      %get3A_192 = arith.index_cast %add3A_190 : i32 to index
      %get3A_193 = tpu.vector_load %arg8[%get3A_191, %get3A_192] {strides = array<i32>} : memref<128x136xf32, #tpu.memory_space<vmem>>, vector<16xf32>,
      %gt3A_194 = vector.broadcast %sub3A_65 : i32 to vector<16xi32>
      %gt3A_195 = arith.cmpi sgt, %add3A_188, %gt3A_194 : vector<16xi32>
      %select_n3A_196 = arith.select %gt3A_195, %get3A_193, %broadcast_in_dim3A_88 : vector<16xi1>, vector<16xf32>
      %swap3A_197 = arith.index_cast %sub3A_65 : i32 to index
      %swap3A_198 = arith.constant 96 : index
      %swap3A_199 = tpu.vector_load %arg12[%swap3A_197, %swap3A_198] {strides = array<i32>} : memref<128x136xf32, #tpu.memory_space<vmem>>, vector<16xf32>,
      tpu.vector_store %arg12[%swap3A_197, %swap3A_198], %select_n3A_196 {strides = array<i32>} : memref<128x136xf32, #tpu.memory_space<vmem>>, vector<16xf32>,
      %neg3A_200 = arith.constant 0.000000e+00 : f32
      %neg3A_201 = vector.broadcast %neg3A_200 : f32 to vector<16xf32>
      %neg3A_202 = arith.subf %neg3A_201, %get3A_193 : vector<16xf32>
      tpu.vector_store_idx %arg12[%add3A_188, %add3A_86], %neg3A_202 masked %gt3A_195 : memref<128x136xf32, #tpu.memory_space<vmem>>[vector<16xi32>, vector<16xi32>], vector<16xf32>, vector<16xi1>
      %add3A_203 = arith.constant 112 : i32
      %add3A_204 = vector.broadcast %add3A_203 : i32 to vector<16xi32>
      %add3A_205 = arith.addi %add3A_204, %iota3A : vector<16xi32>
      %add3A_206 = arith.constant 112 : i32
      %add3A_207 = arith.addi %max3A_83, %add3A_206 : i32
      %get3A_208 = arith.index_cast %sub3A_65 : i32 to index
      %get3A_209 = arith.index_cast %add3A_207 : i32 to index
      %get3A_210 = tpu.vector_load %arg8[%get3A_208, %get3A_209] {strides = array<i32>} : memref<128x136xf32, #tpu.memory_space<vmem>>, vector<16xf32>,
      %gt3A_211 = vector.broadcast %sub3A_65 : i32 to vector<16xi32>
      %gt3A_212 = arith.cmpi sgt, %add3A_205, %gt3A_211 : vector<16xi32>
      %select_n3A_213 = arith.select %gt3A_212, %get3A_210, %broadcast_in_dim3A_88 : vector<16xi1>, vector<16xf32>
      %swap3A_214 = arith.index_cast %sub3A_65 : i32 to index
      %swap3A_215 = arith.constant 112 : index
      %swap3A_216 = tpu.vector_load %arg12[%swap3A_214, %swap3A_215] {strides = array<i32>} : memref<128x136xf32, #tpu.memory_space<vmem>>, vector<16xf32>,
      tpu.vector_store %arg12[%swap3A_214, %swap3A_215], %select_n3A_213 {strides = array<i32>} : memref<128x136xf32, #tpu.memory_space<vmem>>, vector<16xf32>,
      %neg3A_217 = arith.constant 0.000000e+00 : f32
      %neg3A_218 = vector.broadcast %neg3A_217 : f32 to vector<16xf32>
      %neg3A_219 = arith.subf %neg3A_218, %get3A_210 : vector<16xf32>
      tpu.vector_store_idx %arg12[%add3A_205, %add3A_86], %neg3A_219 masked %gt3A_212 : memref<128x136xf32, #tpu.memory_space<vmem>>[vector<16xi32>, vector<16xi32>], vector<16xf32>, vector<16xi1>
      %scan3A_220 = arith.constant 1 : i32
      %scan3A_221 = arith.addi %scan3A_64, %scan3A_220 : i32
      %sub3A_222 = arith.constant 127 : i32
      %sub3A_223 = arith.subi %sub3A_222, %scan3A_221 : i32
      %mul3A_224 = arith.constant 128 : i32
      %mul3A_225 = arith.muli %add3A, %mul3A_224 : i32
      %add3A_226 = arith.addi %mul3A_225, %sub3A_223 : i32
      %mul3A_227 = arith.constant 4095 : i32
      %mul3A_228 = arith.muli %add3A_226, %mul3A_227 : i32
      %sub3A_229 = arith.constant 1 : i32
      %sub3A_230 = arith.subi %add3A_226, %sub3A_229 : i32
      %mul3A_231 = arith.muli %add3A_226, %sub3A_230 : i32
      %shift_right_arithmetic3A_232 = arith.constant 1 : i32
      %shift_right_arithmetic3A_233 = arith.shrsi %mul3A_231, %shift_right_arithmetic3A_232 : i32
      %sub3A_234 = arith.subi %mul3A_228, %shift_right_arithmetic3A_233 : i32
      %sub3A_235 = arith.subi %sub3A_234, %sub3A_223 : i32
      %sub3A_236 = arith.constant 1 : i32
      %sub3A_237 = arith.subi %sub3A_235, %sub3A_236 : i32
      %max3A_238 = arith.constant 0 : i32
      %max3A_239 = arith.maxsi %max3A_238, %sub3A_237 : i32
      %and3A_240 = arith.constant 7 : i32
      %and3A_241 = arith.andi %max3A_239, %and3A_240 : i32
      %sub3A_242 = arith.constant 8386424 : i32
      %sub3A_243 = arith.subi %max3A_239, %sub3A_242 : i32
      %max3A_244 = arith.maxsi %and3A_241, %sub3A_243 : i32
      %broadcast_in_dim3A_245 = arith.constant 0 : i32
      %broadcast_in_dim3A_246 = vector.broadcast %broadcast_in_dim3A_245 : i32 to vector<16xi32>
      %add3A_247 = vector.broadcast %sub3A_223 : i32 to vector<16xi32>
      %add3A_248 = arith.addi %broadcast_in_dim3A_246, %add3A_247 : vector<16xi32>
      %broadcast_in_dim3A_249 = arith.constant 0.000000e+00 : f32
      %broadcast_in_dim3A_250 = vector.broadcast %broadcast_in_dim3A_249 : f32 to vector<16xf32>
      %add3A_251 = arith.constant 0 : i32
      %add3A_252 = vector.broadcast %add3A_251 : i32 to vector<16xi32>
      %add3A_253 = arith.addi %add3A_252, %iota3A : vector<16xi32>
      %add3A_254 = arith.constant 0 : i32
      %add3A_255 = arith.addi %max3A_244, %add3A_254 : i32
      %get3A_256 = arith.index_cast %sub3A_223 : i32 to index
      %get3A_257 = arith.index_cast %add3A_255 : i32 to index
      %get3A_258 = tpu.vector_load %arg8[%get3A_256, %get3A_257] {strides = array<i32>} : memref<128x136xf32, #tpu.memory_space<vmem>>, vector<16xf32>,
      %gt3A_259 = vector.broadcast %sub3A_223 : i32 to vector<16xi32>
      %gt3A_260 = arith.cmpi sgt, %add3A_253, %gt3A_259 : vector<16xi32>
      %select_n3A_261 = arith.select %gt3A_260, %get3A_258, %broadcast_in_dim3A_250 : vector<16xi1>, vector<16xf32>
      %swap3A_262 = arith.index_cast %sub3A_223 : i32 to index
      %swap3A_263 = arith.constant 0 : index
      %swap3A_264 = tpu.vector_load %arg12[%swap3A_262, %swap3A_263] {strides = array<i32>} : memref<128x136xf32, #tpu.memory_space<vmem>>, vector<16xf32>,
      tpu.vector_store %arg12[%swap3A_262, %swap3A_263], %select_n3A_261 {strides = array<i32>} : memref<128x136xf32, #tpu.memory_space<vmem>>, vector<16xf32>,
      %neg3A_265 = arith.constant 0.000000e+00 : f32
      %neg3A_266 = vector.broadcast %neg3A_265 : f32 to vector<16xf32>
      %neg3A_267 = arith.subf %neg3A_266, %get3A_258 : vector<16xf32>
      tpu.vector_store_idx %arg12[%add3A_253, %add3A_248], %neg3A_267 masked %gt3A_260 : memref<128x136xf32, #tpu.memory_space<vmem>>[vector<16xi32>, vector<16xi32>], vector<16xf32>, vector<16xi1>
      %add3A_268 = arith.constant 16 : i32
      %add3A_269 = vector.broadcast %add3A_268 : i32 to vector<16xi32>
      %add3A_270 = arith.addi %add3A_269, %iota3A : vector<16xi32>
      %add3A_271 = arith.constant 16 : i32
      %add3A_272 = arith.addi %max3A_244, %add3A_271 : i32
      %get3A_273 = arith.index_cast %sub3A_223 : i32 to index
      %get3A_274 = arith.index_cast %add3A_272 : i32 to index
      %get3A_275 = tpu.vector_load %arg8[%get3A_273, %get3A_274] {strides = array<i32>} : memref<128x136xf32, #tpu.memory_space<vmem>>, vector<16xf32>,
      %gt3A_276 = vector.broadcast %sub3A_223 : i32 to vector<16xi32>
      %gt3A_277 = arith.cmpi sgt, %add3A_270, %gt3A_276 : vector<16xi32>
      %select_n3A_278 = arith.select %gt3A_277, %get3A_275, %broadcast_in_dim3A_250 : vector<16xi1>, vector<16xf32>
      %swap3A_279 = arith.index_cast %sub3A_223 : i32 to index
      %swap3A_280 = arith.constant 16 : index
      %swap3A_281 = tpu.vector_load %arg12[%swap3A_279, %swap3A_280] {strides = array<i32>} : memref<128x136xf32, #tpu.memory_space<vmem>>, vector<16xf32>,
      tpu.vector_store %arg12[%swap3A_279, %swap3A_280], %select_n3A_278 {strides = array<i32>} : memref<128x136xf32, #tpu.memory_space<vmem>>, vector<16xf32>,
      %neg3A_282 = arith.constant 0.000000e+00 : f32
      %neg3A_283 = vector.broadcast %neg3A_282 : f32 to vector<16xf32>
      %neg3A_284 = arith.subf %neg3A_283, %get3A_275 : vector<16xf32>
      tpu.vector_store_idx %arg12[%add3A_270, %add3A_248], %neg3A_284 masked %gt3A_277 : memref<128x136xf32, #tpu.memory_space<vmem>>[vector<16xi32>, vector<16xi32>], vector<16xf32>, vector<16xi1>
      %add3A_285 = arith.constant 32 : i32
      %add3A_286 = vector.broadcast %add3A_285 : i32 to vector<16xi32>
      %add3A_287 = arith.addi %add3A_286, %iota3A : vector<16xi32>
      %add3A_288 = arith.constant 32 : i32
      %add3A_289 = arith.addi %max3A_244, %add3A_288 : i32
      %get3A_290 = arith.index_cast %sub3A_223 : i32 to index
      %get3A_291 = arith.index_cast %add3A_289 : i32 to index
      %get3A_292 = tpu.vector_load %arg8[%get3A_290, %get3A_291] {strides = array<i32>} : memref<128x136xf32, #tpu.memory_space<vmem>>, vector<16xf32>,
      %gt3A_293 = vector.broadcast %sub3A_223 : i32 to vector<16xi32>
      %gt3A_294 = arith.cmpi sgt, %add3A_287, %gt3A_293 : vector<16xi32>
      %select_n3A_295 = arith.select %gt3A_294, %get3A_292, %broadcast_in_dim3A_250 : vector<16xi1>, vector<16xf32>
      %swap3A_296 = arith.index_cast %sub3A_223 : i32 to index
      %swap3A_297 = arith.constant 32 : index
      %swap3A_298 = tpu.vector_load %arg12[%swap3A_296, %swap3A_297] {strides = array<i32>} : memref<128x136xf32, #tpu.memory_space<vmem>>, vector<16xf32>,
      tpu.vector_store %arg12[%swap3A_296, %swap3A_297], %select_n3A_295 {strides = array<i32>} : memref<128x136xf32, #tpu.memory_space<vmem>>, vector<16xf32>,
      %neg3A_299 = arith.constant 0.000000e+00 : f32
      %neg3A_300 = vector.broadcast %neg3A_299 : f32 to vector<16xf32>
      %neg3A_301 = arith.subf %neg3A_300, %get3A_292 : vector<16xf32>
      tpu.vector_store_idx %arg12[%add3A_287, %add3A_248], %neg3A_301 masked %gt3A_294 : memref<128x136xf32, #tpu.memory_space<vmem>>[vector<16xi32>, vector<16xi32>], vector<16xf32>, vector<16xi1>
      %add3A_302 = arith.constant 48 : i32
      %add3A_303 = vector.broadcast %add3A_302 : i32 to vector<16xi32>
      %add3A_304 = arith.addi %add3A_303, %iota3A : vector<16xi32>
      %add3A_305 = arith.constant 48 : i32
      %add3A_306 = arith.addi %max3A_244, %add3A_305 : i32
      %get3A_307 = arith.index_cast %sub3A_223 : i32 to index
      %get3A_308 = arith.index_cast %add3A_306 : i32 to index
      %get3A_309 = tpu.vector_load %arg8[%get3A_307, %get3A_308] {strides = array<i32>} : memref<128x136xf32, #tpu.memory_space<vmem>>, vector<16xf32>,
      %gt3A_310 = vector.broadcast %sub3A_223 : i32 to vector<16xi32>
      %gt3A_311 = arith.cmpi sgt, %add3A_304, %gt3A_310 : vector<16xi32>
      %select_n3A_312 = arith.select %gt3A_311, %get3A_309, %broadcast_in_dim3A_250 : vector<16xi1>, vector<16xf32>
      %swap3A_313 = arith.index_cast %sub3A_223 : i32 to index
      %swap3A_314 = arith.constant 48 : index
      %swap3A_315 = tpu.vector_load %arg12[%swap3A_313, %swap3A_314] {strides = array<i32>} : memref<128x136xf32, #tpu.memory_space<vmem>>, vector<16xf32>,
      tpu.vector_store %arg12[%swap3A_313, %swap3A_314], %select_n3A_312 {strides = array<i32>} : memref<128x136xf32, #tpu.memory_space<vmem>>, vector<16xf32>,
      %neg3A_316 = arith.constant 0.000000e+00 : f32
      %neg3A_317 = vector.broadcast %neg3A_316 : f32 to vector<16xf32>
      %neg3A_318 = arith.subf %neg3A_317, %get3A_309 : vector<16xf32>
      tpu.vector_store_idx %arg12[%add3A_304, %add3A_248], %neg3A_318 masked %gt3A_311 : memref<128x136xf32, #tpu.memory_space<vmem>>[vector<16xi32>, vector<16xi32>], vector<16xf32>, vector<16xi1>
      %add3A_319 = arith.constant 64 : i32
      %add3A_320 = vector.broadcast %add3A_319 : i32 to vector<16xi32>
      %add3A_321 = arith.addi %add3A_320, %iota3A : vector<16xi32>
      %add3A_322 = arith.constant 64 : i32
      %add3A_323 = arith.addi %max3A_244, %add3A_322 : i32
      %get3A_324 = arith.index_cast %sub3A_223 : i32 to index
      %get3A_325 = arith.index_cast %add3A_323 : i32 to index
      %get3A_326 = tpu.vector_load %arg8[%get3A_324, %get3A_325] {strides = array<i32>} : memref<128x136xf32, #tpu.memory_space<vmem>>, vector<16xf32>,
      %gt3A_327 = vector.broadcast %sub3A_223 : i32 to vector<16xi32>
      %gt3A_328 = arith.cmpi sgt, %add3A_321, %gt3A_327 : vector<16xi32>
      %select_n3A_329 = arith.select %gt3A_328, %get3A_326, %broadcast_in_dim3A_250 : vector<16xi1>, vector<16xf32>
      %swap3A_330 = arith.index_cast %sub3A_223 : i32 to index
      %swap3A_331 = arith.constant 64 : index
      %swap3A_332 = tpu.vector_load %arg12[%swap3A_330, %swap3A_331] {strides = array<i32>} : memref<128x136xf32, #tpu.memory_space<vmem>>, vector<16xf32>,
      tpu.vector_store %arg12[%swap3A_330, %swap3A_331], %select_n3A_329 {strides = array<i32>} : memref<128x136xf32, #tpu.memory_space<vmem>>, vector<16xf32>,
      %neg3A_333 = arith.constant 0.000000e+00 : f32
      %neg3A_334 = vector.broadcast %neg3A_333 : f32 to vector<16xf32>
      %neg3A_335 = arith.subf %neg3A_334, %get3A_326 : vector<16xf32>
      tpu.vector_store_idx %arg12[%add3A_321, %add3A_248], %neg3A_335 masked %gt3A_328 : memref<128x136xf32, #tpu.memory_space<vmem>>[vector<16xi32>, vector<16xi32>], vector<16xf32>, vector<16xi1>
      %add3A_336 = arith.constant 80 : i32
      %add3A_337 = vector.broadcast %add3A_336 : i32 to vector<16xi32>
      %add3A_338 = arith.addi %add3A_337, %iota3A : vector<16xi32>
      %add3A_339 = arith.constant 80 : i32
      %add3A_340 = arith.addi %max3A_244, %add3A_339 : i32
      %get3A_341 = arith.index_cast %sub3A_223 : i32 to index
      %get3A_342 = arith.index_cast %add3A_340 : i32 to index
      %get3A_343 = tpu.vector_load %arg8[%get3A_341, %get3A_342] {strides = array<i32>} : memref<128x136xf32, #tpu.memory_space<vmem>>, vector<16xf32>,
      %gt3A_344 = vector.broadcast %sub3A_223 : i32 to vector<16xi32>
      %gt3A_345 = arith.cmpi sgt, %add3A_338, %gt3A_344 : vector<16xi32>
      %select_n3A_346 = arith.select %gt3A_345, %get3A_343, %broadcast_in_dim3A_250 : vector<16xi1>, vector<16xf32>
      %swap3A_347 = arith.index_cast %sub3A_223 : i32 to index
      %swap3A_348 = arith.constant 80 : index
      %swap3A_349 = tpu.vector_load %arg12[%swap3A_347, %swap3A_348] {strides = array<i32>} : memref<128x136xf32, #tpu.memory_space<vmem>>, vector<16xf32>,
      tpu.vector_store %arg12[%swap3A_347, %swap3A_348], %select_n3A_346 {strides = array<i32>} : memref<128x136xf32, #tpu.memory_space<vmem>>, vector<16xf32>,
      %neg3A_350 = arith.constant 0.000000e+00 : f32
      %neg3A_351 = vector.broadcast %neg3A_350 : f32 to vector<16xf32>
      %neg3A_352 = arith.subf %neg3A_351, %get3A_343 : vector<16xf32>
      tpu.vector_store_idx %arg12[%add3A_338, %add3A_248], %neg3A_352 masked %gt3A_345 : memref<128x136xf32, #tpu.memory_space<vmem>>[vector<16xi32>, vector<16xi32>], vector<16xf32>, vector<16xi1>
      %add3A_353 = arith.constant 96 : i32
      %add3A_354 = vector.broadcast %add3A_353 : i32 to vector<16xi32>
      %add3A_355 = arith.addi %add3A_354, %iota3A : vector<16xi32>
      %add3A_356 = arith.constant 96 : i32
      %add3A_357 = arith.addi %max3A_244, %add3A_356 : i32
      %get3A_358 = arith.index_cast %sub3A_223 : i32 to index
      %get3A_359 = arith.index_cast %add3A_357 : i32 to index
      %get3A_360 = tpu.vector_load %arg8[%get3A_358, %get3A_359] {strides = array<i32>} : memref<128x136xf32, #tpu.memory_space<vmem>>, vector<16xf32>,
      %gt3A_361 = vector.broadcast %sub3A_223 : i32 to vector<16xi32>
      %gt3A_362 = arith.cmpi sgt, %add3A_355, %gt3A_361 : vector<16xi32>
      %select_n3A_363 = arith.select %gt3A_362, %get3A_360, %broadcast_in_dim3A_250 : vector<16xi1>, vector<16xf32>
      %swap3A_364 = arith.index_cast %sub3A_223 : i32 to index
      %swap3A_365 = arith.constant 96 : index
      %swap3A_366 = tpu.vector_load %arg12[%swap3A_364, %swap3A_365] {strides = array<i32>} : memref<128x136xf32, #tpu.memory_space<vmem>>, vector<16xf32>,
      tpu.vector_store %arg12[%swap3A_364, %swap3A_365], %select_n3A_363 {strides = array<i32>} : memref<128x136xf32, #tpu.memory_space<vmem>>, vector<16xf32>,
      %neg3A_367 = arith.constant 0.000000e+00 : f32
      %neg3A_368 = vector.broadcast %neg3A_367 : f32 to vector<16xf32>
      %neg3A_369 = arith.subf %neg3A_368, %get3A_360 : vector<16xf32>
      tpu.vector_store_idx %arg12[%add3A_355, %add3A_248], %neg3A_369 masked %gt3A_362 : memref<128x136xf32, #tpu.memory_space<vmem>>[vector<16xi32>, vector<16xi32>], vector<16xf32>, vector<16xi1>
      %add3A_370 = arith.constant 112 : i32
      %add3A_371 = vector.broadcast %add3A_370 : i32 to vector<16xi32>
      %add3A_372 = arith.addi %add3A_371, %iota3A : vector<16xi32>
      %add3A_373 = arith.constant 112 : i32
      %add3A_374 = arith.addi %max3A_244, %add3A_373 : i32
      %get3A_375 = arith.index_cast %sub3A_223 : i32 to index
      %get3A_376 = arith.index_cast %add3A_374 : i32 to index
      %get3A_377 = tpu.vector_load %arg8[%get3A_375, %get3A_376] {strides = array<i32>} : memref<128x136xf32, #tpu.memory_space<vmem>>, vector<16xf32>,
      %gt3A_378 = vector.broadcast %sub3A_223 : i32 to vector<16xi32>
      %gt3A_379 = arith.cmpi sgt, %add3A_372, %gt3A_378 : vector<16xi32>
      %select_n3A_380 = arith.select %gt3A_379, %get3A_377, %broadcast_in_dim3A_250 : vector<16xi1>, vector<16xf32>
      %swap3A_381 = arith.index_cast %sub3A_223 : i32 to index
      %swap3A_382 = arith.constant 112 : index
      %swap3A_383 = tpu.vector_load %arg12[%swap3A_381, %swap3A_382] {strides = array<i32>} : memref<128x136xf32, #tpu.memory_space<vmem>>, vector<16xf32>,
      tpu.vector_store %arg12[%swap3A_381, %swap3A_382], %select_n3A_380 {strides = array<i32>} : memref<128x136xf32, #tpu.memory_space<vmem>>, vector<16xf32>,
      %neg3A_384 = arith.constant 0.000000e+00 : f32
      %neg3A_385 = vector.broadcast %neg3A_384 : f32 to vector<16xf32>
      %neg3A_386 = arith.subf %neg3A_385, %get3A_377 : vector<16xf32>
      tpu.vector_store_idx %arg12[%add3A_372, %add3A_248], %neg3A_386 masked %gt3A_379 : memref<128x136xf32, #tpu.memory_space<vmem>>[vector<16xi32>, vector<16xi32>], vector<16xf32>, vector<16xi1>
    }
    %scan3A_34 = arith.constant 128 : i32
    %eq3A = arith.constant 0 : i32
    %eq3A_35 = arith.cmpi eq, %add3A, %eq3A : i32
    %convert_element_type3A_36 = arith.extui %eq3A_35 : i1 to i32
    %cond3A_37 = arith.constant 0 : i32
    %cond3A_38 = arith.cmpi ne, %convert_element_type3A_36, %cond3A_37 : i32
    scf.if %cond3A_38 {
      %broadcast_in_dim3A = arith.constant 0 : i32
      %broadcast_in_dim3A_64 = vector.broadcast %broadcast_in_dim3A : i32 to vector<16xi32>
      %add3A_65 = arith.constant 0 : i32
      %add3A_66 = vector.broadcast %add3A_65 : i32 to vector<16xi32>
      %add3A_67 = arith.addi %add3A_66, %iota3A : vector<16xi32>
      %sub3A = arith.constant 1 : i32
      %sub3A_68 = vector.broadcast %sub3A : i32 to vector<16xi32>
      %sub3A_69 = arith.subi %add3A_67, %sub3A_68 : vector<16xi32>
      %max3A = arith.constant 0 : i32
      %max3A_70 = vector.broadcast %max3A : i32 to vector<16xi32>
      %max3A_71 = arith.maxsi %sub3A_69, %max3A_70 : vector<16xi32>
      %gather3A = tpu.vector_load_idx %arg8[%broadcast_in_dim3A_64, %max3A_71] : memref<128x136xf32, #tpu.memory_space<vmem>>[vector<16xi32>, vector<16xi32>], vector<16xf32>,
      %gt3A = arith.constant 0 : i32
      %gt3A_72 = vector.broadcast %gt3A : i32 to vector<16xi32>
      %gt3A_73 = arith.cmpi sgt, %add3A_67, %gt3A_72 : vector<16xi32>
      %broadcast_in_dim3A_74 = arith.constant 0.000000e+00 : f32
      %broadcast_in_dim3A_75 = vector.broadcast %broadcast_in_dim3A_74 : f32 to vector<16xf32>
      %select_n3A = arith.select %gt3A_73, %gather3A, %broadcast_in_dim3A_75 : vector<16xi1>, vector<16xf32>
      %swap3A = arith.constant 0 : i32
      %swap3A_76 = arith.index_cast %swap3A : i32 to index
      %swap3A_77 = arith.constant 0 : index
      %swap3A_78 = tpu.vector_load %arg12[%swap3A_76, %swap3A_77] {strides = array<i32>} : memref<128x136xf32, #tpu.memory_space<vmem>>, vector<16xf32>,
      tpu.vector_store %arg12[%swap3A_76, %swap3A_77], %select_n3A {strides = array<i32>} : memref<128x136xf32, #tpu.memory_space<vmem>>, vector<16xf32>,
      %neg3A = arith.constant 0.000000e+00 : f32
      %neg3A_79 = vector.broadcast %neg3A : f32 to vector<16xf32>
      %neg3A_80 = arith.subf %neg3A_79, %gather3A : vector<16xf32>
      %gt3A_81 = arith.constant 0 : i32
      %gt3A_82 = vector.broadcast %gt3A_81 : i32 to vector<16xi32>
      %gt3A_83 = arith.cmpi sgt, %add3A_67, %gt3A_82 : vector<16xi32>
      tpu.vector_store_idx %arg12[%add3A_67, %broadcast_in_dim3A_64], %neg3A_80 masked %gt3A_83 : memref<128x136xf32, #tpu.memory_space<vmem>>[vector<16xi32>, vector<16xi32>], vector<16xf32>, vector<16xi1>
      %add3A_84 = arith.constant 16 : i32
      %add3A_85 = vector.broadcast %add3A_84 : i32 to vector<16xi32>
      %add3A_86 = arith.addi %add3A_85, %iota3A : vector<16xi32>
      %sub3A_87 = arith.constant 1 : i32
      %sub3A_88 = vector.broadcast %sub3A_87 : i32 to vector<16xi32>
      %sub3A_89 = arith.subi %add3A_86, %sub3A_88 : vector<16xi32>
      %max3A_90 = arith.constant 0 : i32
      %max3A_91 = vector.broadcast %max3A_90 : i32 to vector<16xi32>
      %max3A_92 = arith.maxsi %sub3A_89, %max3A_91 : vector<16xi32>
      %gather3A_93 = tpu.vector_load_idx %arg8[%broadcast_in_dim3A_64, %max3A_92] : memref<128x136xf32, #tpu.memory_space<vmem>>[vector<16xi32>, vector<16xi32>], vector<16xf32>,
      %gt3A_94 = arith.constant 0 : i32
      %gt3A_95 = vector.broadcast %gt3A_94 : i32 to vector<16xi32>
      %gt3A_96 = arith.cmpi sgt, %add3A_86, %gt3A_95 : vector<16xi32>
      %broadcast_in_dim3A_97 = arith.constant 0.000000e+00 : f32
      %broadcast_in_dim3A_98 = vector.broadcast %broadcast_in_dim3A_97 : f32 to vector<16xf32>
      %select_n3A_99 = arith.select %gt3A_96, %gather3A_93, %broadcast_in_dim3A_98 : vector<16xi1>, vector<16xf32>
      %swap3A_100 = arith.constant 0 : i32
      %swap3A_101 = arith.index_cast %swap3A_100 : i32 to index
      %swap3A_102 = arith.constant 16 : index
      %swap3A_103 = tpu.vector_load %arg12[%swap3A_101, %swap3A_102] {strides = array<i32>} : memref<128x136xf32, #tpu.memory_space<vmem>>, vector<16xf32>,
      tpu.vector_store %arg12[%swap3A_101, %swap3A_102], %select_n3A_99 {strides = array<i32>} : memref<128x136xf32, #tpu.memory_space<vmem>>, vector<16xf32>,
      %neg3A_104 = arith.constant 0.000000e+00 : f32
      %neg3A_105 = vector.broadcast %neg3A_104 : f32 to vector<16xf32>
      %neg3A_106 = arith.subf %neg3A_105, %gather3A_93 : vector<16xf32>
      %gt3A_107 = arith.constant 0 : i32
      %gt3A_108 = vector.broadcast %gt3A_107 : i32 to vector<16xi32>
      %gt3A_109 = arith.cmpi sgt, %add3A_86, %gt3A_108 : vector<16xi32>
      tpu.vector_store_idx %arg12[%add3A_86, %broadcast_in_dim3A_64], %neg3A_106 masked %gt3A_109 : memref<128x136xf32, #tpu.memory_space<vmem>>[vector<16xi32>, vector<16xi32>], vector<16xf32>, vector<16xi1>
      %add3A_110 = arith.constant 32 : i32
      %add3A_111 = vector.broadcast %add3A_110 : i32 to vector<16xi32>
      %add3A_112 = arith.addi %add3A_111, %iota3A : vector<16xi32>
      %sub3A_113 = arith.constant 1 : i32
      %sub3A_114 = vector.broadcast %sub3A_113 : i32 to vector<16xi32>
      %sub3A_115 = arith.subi %add3A_112, %sub3A_114 : vector<16xi32>
      %max3A_116 = arith.constant 0 : i32
      %max3A_117 = vector.broadcast %max3A_116 : i32 to vector<16xi32>
      %max3A_118 = arith.maxsi %sub3A_115, %max3A_117 : vector<16xi32>
      %gather3A_119 = tpu.vector_load_idx %arg8[%broadcast_in_dim3A_64, %max3A_118] : memref<128x136xf32, #tpu.memory_space<vmem>>[vector<16xi32>, vector<16xi32>], vector<16xf32>,
      %gt3A_120 = arith.constant 0 : i32
      %gt3A_121 = vector.broadcast %gt3A_120 : i32 to vector<16xi32>
      %gt3A_122 = arith.cmpi sgt, %add3A_112, %gt3A_121 : vector<16xi32>
      %broadcast_in_dim3A_123 = arith.constant 0.000000e+00 : f32
      %broadcast_in_dim3A_124 = vector.broadcast %broadcast_in_dim3A_123 : f32 to vector<16xf32>
      %select_n3A_125 = arith.select %gt3A_122, %gather3A_119, %broadcast_in_dim3A_124 : vector<16xi1>, vector<16xf32>
      %swap3A_126 = arith.constant 0 : i32
      %swap3A_127 = arith.index_cast %swap3A_126 : i32 to index
      %swap3A_128 = arith.constant 32 : index
      %swap3A_129 = tpu.vector_load %arg12[%swap3A_127, %swap3A_128] {strides = array<i32>} : memref<128x136xf32, #tpu.memory_space<vmem>>, vector<16xf32>,
      tpu.vector_store %arg12[%swap3A_127, %swap3A_128], %select_n3A_125 {strides = array<i32>} : memref<128x136xf32, #tpu.memory_space<vmem>>, vector<16xf32>,
      %neg3A_130 = arith.constant 0.000000e+00 : f32
      %neg3A_131 = vector.broadcast %neg3A_130 : f32 to vector<16xf32>
      %neg3A_132 = arith.subf %neg3A_131, %gather3A_119 : vector<16xf32>
      %gt3A_133 = arith.constant 0 : i32
      %gt3A_134 = vector.broadcast %gt3A_133 : i32 to vector<16xi32>
      %gt3A_135 = arith.cmpi sgt, %add3A_112, %gt3A_134 : vector<16xi32>
      tpu.vector_store_idx %arg12[%add3A_112, %broadcast_in_dim3A_64], %neg3A_132 masked %gt3A_135 : memref<128x136xf32, #tpu.memory_space<vmem>>[vector<16xi32>, vector<16xi32>], vector<16xf32>, vector<16xi1>
      %add3A_136 = arith.constant 48 : i32
      %add3A_137 = vector.broadcast %add3A_136 : i32 to vector<16xi32>
      %add3A_138 = arith.addi %add3A_137, %iota3A : vector<16xi32>
      %sub3A_139 = arith.constant 1 : i32
      %sub3A_140 = vector.broadcast %sub3A_139 : i32 to vector<16xi32>
      %sub3A_141 = arith.subi %add3A_138, %sub3A_140 : vector<16xi32>
      %max3A_142 = arith.constant 0 : i32
      %max3A_143 = vector.broadcast %max3A_142 : i32 to vector<16xi32>
      %max3A_144 = arith.maxsi %sub3A_141, %max3A_143 : vector<16xi32>
      %gather3A_145 = tpu.vector_load_idx %arg8[%broadcast_in_dim3A_64, %max3A_144] : memref<128x136xf32, #tpu.memory_space<vmem>>[vector<16xi32>, vector<16xi32>], vector<16xf32>,
      %gt3A_146 = arith.constant 0 : i32
      %gt3A_147 = vector.broadcast %gt3A_146 : i32 to vector<16xi32>
      %gt3A_148 = arith.cmpi sgt, %add3A_138, %gt3A_147 : vector<16xi32>
      %broadcast_in_dim3A_149 = arith.constant 0.000000e+00 : f32
      %broadcast_in_dim3A_150 = vector.broadcast %broadcast_in_dim3A_149 : f32 to vector<16xf32>
      %select_n3A_151 = arith.select %gt3A_148, %gather3A_145, %broadcast_in_dim3A_150 : vector<16xi1>, vector<16xf32>
      %swap3A_152 = arith.constant 0 : i32
      %swap3A_153 = arith.index_cast %swap3A_152 : i32 to index
      %swap3A_154 = arith.constant 48 : index
      %swap3A_155 = tpu.vector_load %arg12[%swap3A_153, %swap3A_154] {strides = array<i32>} : memref<128x136xf32, #tpu.memory_space<vmem>>, vector<16xf32>,
      tpu.vector_store %arg12[%swap3A_153, %swap3A_154], %select_n3A_151 {strides = array<i32>} : memref<128x136xf32, #tpu.memory_space<vmem>>, vector<16xf32>,
      %neg3A_156 = arith.constant 0.000000e+00 : f32
      %neg3A_157 = vector.broadcast %neg3A_156 : f32 to vector<16xf32>
      %neg3A_158 = arith.subf %neg3A_157, %gather3A_145 : vector<16xf32>
      %gt3A_159 = arith.constant 0 : i32
      %gt3A_160 = vector.broadcast %gt3A_159 : i32 to vector<16xi32>
      %gt3A_161 = arith.cmpi sgt, %add3A_138, %gt3A_160 : vector<16xi32>
      tpu.vector_store_idx %arg12[%add3A_138, %broadcast_in_dim3A_64], %neg3A_158 masked %gt3A_161 : memref<128x136xf32, #tpu.memory_space<vmem>>[vector<16xi32>, vector<16xi32>], vector<16xf32>, vector<16xi1>
      %add3A_162 = arith.constant 64 : i32
      %add3A_163 = vector.broadcast %add3A_162 : i32 to vector<16xi32>
      %add3A_164 = arith.addi %add3A_163, %iota3A : vector<16xi32>
      %sub3A_165 = arith.constant 1 : i32
      %sub3A_166 = vector.broadcast %sub3A_165 : i32 to vector<16xi32>
      %sub3A_167 = arith.subi %add3A_164, %sub3A_166 : vector<16xi32>
      %max3A_168 = arith.constant 0 : i32
      %max3A_169 = vector.broadcast %max3A_168 : i32 to vector<16xi32>
      %max3A_170 = arith.maxsi %sub3A_167, %max3A_169 : vector<16xi32>
      %gather3A_171 = tpu.vector_load_idx %arg8[%broadcast_in_dim3A_64, %max3A_170] : memref<128x136xf32, #tpu.memory_space<vmem>>[vector<16xi32>, vector<16xi32>], vector<16xf32>,
      %gt3A_172 = arith.constant 0 : i32
      %gt3A_173 = vector.broadcast %gt3A_172 : i32 to vector<16xi32>
      %gt3A_174 = arith.cmpi sgt, %add3A_164, %gt3A_173 : vector<16xi32>
      %broadcast_in_dim3A_175 = arith.constant 0.000000e+00 : f32
      %broadcast_in_dim3A_176 = vector.broadcast %broadcast_in_dim3A_175 : f32 to vector<16xf32>
      %select_n3A_177 = arith.select %gt3A_174, %gather3A_171, %broadcast_in_dim3A_176 : vector<16xi1>, vector<16xf32>
      %swap3A_178 = arith.constant 0 : i32
      %swap3A_179 = arith.index_cast %swap3A_178 : i32 to index
      %swap3A_180 = arith.constant 64 : index
      %swap3A_181 = tpu.vector_load %arg12[%swap3A_179, %swap3A_180] {strides = array<i32>} : memref<128x136xf32, #tpu.memory_space<vmem>>, vector<16xf32>,
      tpu.vector_store %arg12[%swap3A_179, %swap3A_180], %select_n3A_177 {strides = array<i32>} : memref<128x136xf32, #tpu.memory_space<vmem>>, vector<16xf32>,
      %neg3A_182 = arith.constant 0.000000e+00 : f32
      %neg3A_183 = vector.broadcast %neg3A_182 : f32 to vector<16xf32>
      %neg3A_184 = arith.subf %neg3A_183, %gather3A_171 : vector<16xf32>
      %gt3A_185 = arith.constant 0 : i32
      %gt3A_186 = vector.broadcast %gt3A_185 : i32 to vector<16xi32>
      %gt3A_187 = arith.cmpi sgt, %add3A_164, %gt3A_186 : vector<16xi32>
      tpu.vector_store_idx %arg12[%add3A_164, %broadcast_in_dim3A_64], %neg3A_184 masked %gt3A_187 : memref<128x136xf32, #tpu.memory_space<vmem>>[vector<16xi32>, vector<16xi32>], vector<16xf32>, vector<16xi1>
      %add3A_188 = arith.constant 80 : i32
      %add3A_189 = vector.broadcast %add3A_188 : i32 to vector<16xi32>
      %add3A_190 = arith.addi %add3A_189, %iota3A : vector<16xi32>
      %sub3A_191 = arith.constant 1 : i32
      %sub3A_192 = vector.broadcast %sub3A_191 : i32 to vector<16xi32>
      %sub3A_193 = arith.subi %add3A_190, %sub3A_192 : vector<16xi32>
      %max3A_194 = arith.constant 0 : i32
      %max3A_195 = vector.broadcast %max3A_194 : i32 to vector<16xi32>
      %max3A_196 = arith.maxsi %sub3A_193, %max3A_195 : vector<16xi32>
      %gather3A_197 = tpu.vector_load_idx %arg8[%broadcast_in_dim3A_64, %max3A_196] : memref<128x136xf32, #tpu.memory_space<vmem>>[vector<16xi32>, vector<16xi32>], vector<16xf32>,
      %gt3A_198 = arith.constant 0 : i32
      %gt3A_199 = vector.broadcast %gt3A_198 : i32 to vector<16xi32>
      %gt3A_200 = arith.cmpi sgt, %add3A_190, %gt3A_199 : vector<16xi32>
      %broadcast_in_dim3A_201 = arith.constant 0.000000e+00 : f32
      %broadcast_in_dim3A_202 = vector.broadcast %broadcast_in_dim3A_201 : f32 to vector<16xf32>
      %select_n3A_203 = arith.select %gt3A_200, %gather3A_197, %broadcast_in_dim3A_202 : vector<16xi1>, vector<16xf32>
      %swap3A_204 = arith.constant 0 : i32
      %swap3A_205 = arith.index_cast %swap3A_204 : i32 to index
      %swap3A_206 = arith.constant 80 : index
      %swap3A_207 = tpu.vector_load %arg12[%swap3A_205, %swap3A_206] {strides = array<i32>} : memref<128x136xf32, #tpu.memory_space<vmem>>, vector<16xf32>,
      tpu.vector_store %arg12[%swap3A_205, %swap3A_206], %select_n3A_203 {strides = array<i32>} : memref<128x136xf32, #tpu.memory_space<vmem>>, vector<16xf32>,
      %neg3A_208 = arith.constant 0.000000e+00 : f32
      %neg3A_209 = vector.broadcast %neg3A_208 : f32 to vector<16xf32>
      %neg3A_210 = arith.subf %neg3A_209, %gather3A_197 : vector<16xf32>
      %gt3A_211 = arith.constant 0 : i32
      %gt3A_212 = vector.broadcast %gt3A_211 : i32 to vector<16xi32>
      %gt3A_213 = arith.cmpi sgt, %add3A_190, %gt3A_212 : vector<16xi32>
      tpu.vector_store_idx %arg12[%add3A_190, %broadcast_in_dim3A_64], %neg3A_210 masked %gt3A_213 : memref<128x136xf32, #tpu.memory_space<vmem>>[vector<16xi32>, vector<16xi32>], vector<16xf32>, vector<16xi1>
      %add3A_214 = arith.constant 96 : i32
      %add3A_215 = vector.broadcast %add3A_214 : i32 to vector<16xi32>
      %add3A_216 = arith.addi %add3A_215, %iota3A : vector<16xi32>
      %sub3A_217 = arith.constant 1 : i32
      %sub3A_218 = vector.broadcast %sub3A_217 : i32 to vector<16xi32>
      %sub3A_219 = arith.subi %add3A_216, %sub3A_218 : vector<16xi32>
      %max3A_220 = arith.constant 0 : i32
      %max3A_221 = vector.broadcast %max3A_220 : i32 to vector<16xi32>
      %max3A_222 = arith.maxsi %sub3A_219, %max3A_221 : vector<16xi32>
      %gather3A_223 = tpu.vector_load_idx %arg8[%broadcast_in_dim3A_64, %max3A_222] : memref<128x136xf32, #tpu.memory_space<vmem>>[vector<16xi32>, vector<16xi32>], vector<16xf32>,
      %gt3A_224 = arith.constant 0 : i32
      %gt3A_225 = vector.broadcast %gt3A_224 : i32 to vector<16xi32>
      %gt3A_226 = arith.cmpi sgt, %add3A_216, %gt3A_225 : vector<16xi32>
      %broadcast_in_dim3A_227 = arith.constant 0.000000e+00 : f32
      %broadcast_in_dim3A_228 = vector.broadcast %broadcast_in_dim3A_227 : f32 to vector<16xf32>
      %select_n3A_229 = arith.select %gt3A_226, %gather3A_223, %broadcast_in_dim3A_228 : vector<16xi1>, vector<16xf32>
      %swap3A_230 = arith.constant 0 : i32
      %swap3A_231 = arith.index_cast %swap3A_230 : i32 to index
      %swap3A_232 = arith.constant 96 : index
      %swap3A_233 = tpu.vector_load %arg12[%swap3A_231, %swap3A_232] {strides = array<i32>} : memref<128x136xf32, #tpu.memory_space<vmem>>, vector<16xf32>,
      tpu.vector_store %arg12[%swap3A_231, %swap3A_232], %select_n3A_229 {strides = array<i32>} : memref<128x136xf32, #tpu.memory_space<vmem>>, vector<16xf32>,
      %neg3A_234 = arith.constant 0.000000e+00 : f32
      %neg3A_235 = vector.broadcast %neg3A_234 : f32 to vector<16xf32>
      %neg3A_236 = arith.subf %neg3A_235, %gather3A_223 : vector<16xf32>
      %gt3A_237 = arith.constant 0 : i32
      %gt3A_238 = vector.broadcast %gt3A_237 : i32 to vector<16xi32>
      %gt3A_239 = arith.cmpi sgt, %add3A_216, %gt3A_238 : vector<16xi32>
      tpu.vector_store_idx %arg12[%add3A_216, %broadcast_in_dim3A_64], %neg3A_236 masked %gt3A_239 : memref<128x136xf32, #tpu.memory_space<vmem>>[vector<16xi32>, vector<16xi32>], vector<16xf32>, vector<16xi1>
      %add3A_240 = arith.constant 112 : i32
      %add3A_241 = vector.broadcast %add3A_240 : i32 to vector<16xi32>
      %add3A_242 = arith.addi %add3A_241, %iota3A : vector<16xi32>
      %sub3A_243 = arith.constant 1 : i32
      %sub3A_244 = vector.broadcast %sub3A_243 : i32 to vector<16xi32>
      %sub3A_245 = arith.subi %add3A_242, %sub3A_244 : vector<16xi32>
      %max3A_246 = arith.constant 0 : i32
      %max3A_247 = vector.broadcast %max3A_246 : i32 to vector<16xi32>
      %max3A_248 = arith.maxsi %sub3A_245, %max3A_247 : vector<16xi32>
      %gather3A_249 = tpu.vector_load_idx %arg8[%broadcast_in_dim3A_64, %max3A_248] : memref<128x136xf32, #tpu.memory_space<vmem>>[vector<16xi32>, vector<16xi32>], vector<16xf32>,
      %gt3A_250 = arith.constant 0 : i32
      %gt3A_251 = vector.broadcast %gt3A_250 : i32 to vector<16xi32>
      %gt3A_252 = arith.cmpi sgt, %add3A_242, %gt3A_251 : vector<16xi32>
      %broadcast_in_dim3A_253 = arith.constant 0.000000e+00 : f32
      %broadcast_in_dim3A_254 = vector.broadcast %broadcast_in_dim3A_253 : f32 to vector<16xf32>
      %select_n3A_255 = arith.select %gt3A_252, %gather3A_249, %broadcast_in_dim3A_254 : vector<16xi1>, vector<16xf32>
      %swap3A_256 = arith.constant 0 : i32
      %swap3A_257 = arith.index_cast %swap3A_256 : i32 to index
      %swap3A_258 = arith.constant 112 : index
      %swap3A_259 = tpu.vector_load %arg12[%swap3A_257, %swap3A_258] {strides = array<i32>} : memref<128x136xf32, #tpu.memory_space<vmem>>, vector<16xf32>,
      tpu.vector_store %arg12[%swap3A_257, %swap3A_258], %select_n3A_255 {strides = array<i32>} : memref<128x136xf32, #tpu.memory_space<vmem>>, vector<16xf32>,
      %neg3A_260 = arith.constant 0.000000e+00 : f32
      %neg3A_261 = vector.broadcast %neg3A_260 : f32 to vector<16xf32>
      %neg3A_262 = arith.subf %neg3A_261, %gather3A_249 : vector<16xf32>
      %gt3A_263 = arith.constant 0 : i32
      %gt3A_264 = vector.broadcast %gt3A_263 : i32 to vector<16xi32>
      %gt3A_265 = arith.cmpi sgt, %add3A_242, %gt3A_264 : vector<16xi32>
      tpu.vector_store_idx %arg12[%add3A_242, %broadcast_in_dim3A_64], %neg3A_262 masked %gt3A_265 : memref<128x136xf32, #tpu.memory_space<vmem>>[vector<16xi32>, vector<16xi32>], vector<16xf32>, vector<16xi1>
    } else {
    }
    %dma_start3A = arith.constant 0 : i32
    %dma_start3A_39 = arith.constant 0 : i32
    %dma_start3A_40 = tpu.memref_slice %arg12[%dma_start3A, %dma_start3A_39] : memref<128x136xf32, #tpu.memory_space<vmem>> -> memref<128x128xf32, #tpu.memory_space<vmem>>
    %dma_start3A_41 = tpu.memref_slice %arg5[%mul3A_11, %mul3A_11] : memref<4096x4096xf32, #tpu.memory_space<hbm>> -> memref<128x128xf32, #tpu.memory_space<hbm>>
    %dma_start3A_42 = tpu.memref_slice %arg5[%mul3A_11, %mul3A_11] : memref<4096x4096xf32, #tpu.memory_space<hbm>> -> memref<128x128xf32, #tpu.memory_space<hbm>>
    %dma_start3A_43 = arith.constant 0 : i32
    %dma_start3A_44 = arith.constant 0 : i32
    %dma_start3A_45 = tpu.memref_slice %arg12[%dma_start3A_43, %dma_start3A_44] : memref<128x136xf32, #tpu.memory_space<vmem>> -> memref<128x128xf32, #tpu.memory_space<vmem>>
    tpu.enqueue_dma source(%dma_start3A_45 : memref<128x128xf32, #tpu.memory_space<vmem>>) target(%dma_start3A_42 : memref<128x128xf32, #tpu.memory_space<hbm>>) target_semaphore(%arg16 : memref<!tpu.dma_semaphore, #tpu.memory_space<semaphore_mem>>)
    %dma_wait3A_46 = arith.constant 0 : i32
    %dma_wait3A_47 = arith.constant 0 : i32
    %dma_wait3A_48 = tpu.memref_slice %arg5[%dma_wait3A_46, %dma_wait3A_47] : memref<4096x4096xf32, #tpu.memory_space<hbm>> -> memref<128x128xf32, #tpu.memory_space<hbm>>
    %dma_wait3A_49 = arith.constant 0 : i32
    %dma_wait3A_50 = arith.constant 0 : i32
    %dma_wait3A_51 = tpu.memref_slice %arg5[%dma_wait3A_49, %dma_wait3A_50] : memref<4096x4096xf32, #tpu.memory_space<hbm>> -> memref<128x128xf32, #tpu.memory_space<hbm>>
    tpu.wait_dma2 semaphore(%arg17 : memref<!tpu.dma_semaphore, #tpu.memory_space<semaphore_mem>>) src(%dma_wait3A_51 : memref<128x128xf32, #tpu.memory_space<hbm>>) dst(%arg11 : memref<128x128xf32, #tpu.memory_space<vmem>>)
    %dma_wait3A_52 = arith.constant 0 : i32
    %dma_wait3A_53 = arith.constant 0 : i32
    %dma_wait3A_54 = tpu.memref_slice %arg5[%dma_wait3A_52, %dma_wait3A_53] : memref<4096x4096xf32, #tpu.memory_space<hbm>> -> memref<128x128xf32, #tpu.memory_space<hbm>>
    %dma_wait3A_55 = arith.constant 0 : i32
    %dma_wait3A_56 = arith.constant 0 : i32
    %dma_wait3A_57 = tpu.memref_slice %arg5[%dma_wait3A_55, %dma_wait3A_56] : memref<4096x4096xf32, #tpu.memory_space<hbm>> -> memref<128x128xf32, #tpu.memory_space<hbm>>
    tpu.wait_dma2 semaphore(%arg17 : memref<!tpu.dma_semaphore, #tpu.memory_space<semaphore_mem>>) src(%dma_wait3A_57 : memref<128x128xf32, #tpu.memory_space<hbm>>) dst(%arg11 : memref<128x128xf32, #tpu.memory_space<vmem>>)
    %dma_wait3A_58 = arith.constant 0 : i32
    %dma_wait3A_59 = arith.constant 0 : i32
    %dma_wait3A_60 = tpu.memref_slice %arg5[%dma_wait3A_58, %dma_wait3A_59] : memref<4096x4096xf32, #tpu.memory_space<hbm>> -> memref<128x128xf32, #tpu.memory_space<hbm>>
    %dma_wait3A_61 = arith.constant 0 : i32
    %dma_wait3A_62 = arith.constant 0 : i32
    %dma_wait3A_63 = tpu.memref_slice %arg5[%dma_wait3A_61, %dma_wait3A_62] : memref<4096x4096xf32, #tpu.memory_space<hbm>> -> memref<128x128xf32, #tpu.memory_space<hbm>>
    tpu.wait_dma2 semaphore(%arg16 : memref<!tpu.dma_semaphore, #tpu.memory_space<semaphore_mem>>) src(%dma_wait3A_63 : memref<128x128xf32, #tpu.memory_space<hbm>>) dst(%arg10 : memref<128x128xf32, #tpu.memory_space<vmem>>)
    return
  }
}

</mosaic_0001>

<sc_bundles>
// kernel: kernel.3.cloned.1.call-start
scs
__scs_entry_jumppad:
0x0: {  	(pc) =	sbr.rel $0x88, $3  }
0x1: {  	(tag) =	ssettag $0x0;
	lr =	simm.s32 $0x1  }
0x2: {  	[smem:$0x3FA0] =	sst lr;
	_ =	strace $0xD0000000  }
0x3: {  	_ = 	snop  }
0x4: {  	_ = 	snop  }
0x5: {  	_ = 	snop  }
0x6: {  	_ = 	snop  }
0x7: {  	_ = 	snop  }
__scs_overlays_trampoline_lowered:
0x8: {  	[smem:$0x3FAF] =	sst s0  }
0x9: {  	[smem:$0x3FB0] =	sst s1  }
0xa: {  	[smem:$0x3FB1] =	sst s2  }
0xb: {  	[smem:$0x3FB2] =	sst s3  }
0xc: {  	[smem:$0x3FB3] =	sst s4  }
0xd: {  	[smem:$0x3FB4] =	sst s5  }
0xe: {  	[smem:$0x3FB5] =	sst s6  }
0xf: {  	[smem:$0x3FB6] =	sst s7  }
0x10: {  	[smem:$0x3FB7] =	sst s8  }
0x11: {  	[smem:$0x3FB8] =	sst s9;
	s0 =	simm.s32 @!p0 $0x0  }
0x12: {  	s1 =	sld [smem:$0x3F9E];
	s0 =	simm.s32 @p0 $0x1  }
0x13: {  	[smem:$0x3FB9] =	sst s0;
	s0 =	simm.s32 @!p1 $0x0  }
0x14: {  	s2 =	sld [smem:$0x3F9D];
	s0 =	simm.s32 @p1 $0x1  }
0x15: {  	[smem:$0x3FBA] =	sst s0;
	s0 =	simm.s32 @!p2 $0x0  }
0x16: {  	s3 =	sld [smem:$0x3FDB];
	s0 =	simm.s32 @p2 $0x1  }
0x17: {  	s4 =	simm.s32 $0x1BF5;
	[smem:$0x3FBC] =	sst s0  }
0x18: {  	s0 =	sld [smem:$0x3F9F];
	_ =	swait.ge [sflag:s4], $0x0  }
0x19: {  	s7 =	sld [smem:$0x3FA0]  }
0x1a: {  	s8 =	sadd.s32 $0xFFFFE003, lr  }
0x1b: {  	s9 =	sadd.s32 $0xFFFFFEF7, lr;
	s5 =	simm.s32 $0xFFFFFFFF;
	p2 =	slt.u32 s8, $0xFFFFF086  }
0x1c: {  	p1 =	slt.u32 s9, $0xF7A;
	s5 =	simm.s32 @!p2 $0x0  }
0x1d: {  	s5 =	simm.s32 @p1 $0x1;
	p0 =	seq.s32 s7, s2  }
0x1e: {  	s7 =	smul.u32 @!p0 $0xF7A, s2;
	p2 =	seq.s32 @!p0 s5, $0x0  }
0x1f: {  	s9 =	smul.u32 $0xF7A, s1;
	s8 =	simm.s32 @!p0 $0x1BF5;
	p2 =	por !p2, p0  }
0x20: {  	[sflag:s8] =	ssyncset.s32 @!p0 $0xFFFFF086;
	s6 =	sadd.s32 @!p0 s3, s7;
	s7 =	simm.s32 @!p0 $0x108  }
0x21: {  	s3 =	sadd.s32 s3, s9;
	s6 =	sadd.s32 @!p0 $0x88, s6;
	s7 =	simm.s32 @p2 $0x1082  }
0x22: {  	[simem:s7], [sflag:s8] =	dma.local @!p0 [hbm:s6], $0xF7A  }
0x23: {  	s9 =	sor.u32 $0xD0000000, s2;
	s6 =	simm.s32 $0x108;
	_ =	swait.ge @!p0 [sflag:s8], $0x0  }
0x24: {  	s3 =	sadd.s32 $0x88, s3;
	s6 =	simm.s32 @!p1 $0x1082;
	[sflag:s4] =	ssyncset.s32 $0xFFFFF086  }
0x25: {  	[simem:s6], [sflag:s4] =	dma.local [hbm:s3], $0xF7A  }
0x26: {  	[smem:$0x3FA0] =	sst s1;
	(tag) =	ssettag s2;
	_ =	strace s9  }
0x27: {  	s1 =	sld [smem:$0x3FB0]  }
0x28: {  	s2 =	sld [smem:$0x3FB1]  }
0x29: {  	s4 =	sld [smem:$0x3FB3]  }
0x2a: {  	p0 =	seq.s32 s5, $0x0;
	s5 =	sld [smem:$0x3FB4]  }
0x2b: {  	s6 =	sld [smem:$0x3FB5]  }
0x2c: {  	s7 =	sld [smem:$0x3FB6]  }
0x2d: {  	s3 =	simm.s32 $0x108;
	s8 =	sld [smem:$0x3FB7]  }
0x2e: {  	s3 =	simm.s32 @!p0 $0x1082;
	s9 =	sld [smem:$0x3FB8]  }
0x2f: {  	lr =	sadd.s32 s0, s3;
	s0 =	sld [smem:$0x3FAF]  }
0x30: {  	s3 =	sld [smem:$0x3FB2]  }
0x31: {  	[smem:$0x3FBB] =	sst s10  }
0x32: {  	s10 =	sld [smem:$0x3FB9];
	_ =	sdelay $0x3  }
0x33: {  	p0 =	seq.s32 s10, $0x1;
	s10 =	sld [smem:$0x3FBB];
	_ =	sdelay $0x3  }
0x34: {  	[smem:$0x3FBB] =	sst s10  }
0x35: {  	s10 =	sld [smem:$0x3FBA];
	_ =	sdelay $0x3  }
0x36: {  	p1 =	seq.s32 s10, $0x1;
	s10 =	sld [smem:$0x3FBB];
	_ =	sdelay $0x3  }
0x37: {  	[smem:$0x3FBB] =	sst s10  }
0x38: {  	s10 =	sld [smem:$0x3FBC]  }
0x39: {  	_ = 	snop;
	(pc) =	sbr.ind lr, $3  }
0x3a: {  	_ = 	snop  }
0x3b: {  	_ = 	snop  }
0x3c: {  	p2 =	seq.s32 s10, $0x1;
	s10 =	sld [smem:$0x3FBB]  }
0x3d: {  	_ =	shalt  }
0x3e: {  	_ =	shalt  }
0x3f: {  	_ =	shalt  }
0x40: {  	_ =	shalt  }
0x41: {  	_ =	shalt  }
0x42: {  	_ =	shalt  }
0x43: {  	_ =	shalt  }
0x44: {  	_ =	shalt  }
0x45: {  	_ =	shalt  }
0x46: {  	_ =	shalt  }
0x47: {  	_ =	shalt  }
0x48: {  	_ =	shalt  }
0x49: {  	_ =	shalt  }
0x4a: {  	_ =	shalt  }
0x4b: {  	_ =	shalt  }
0x4c: {  	_ =	shalt  }
0x4d: {  	_ =	shalt  }
0x4e: {  	_ =	shalt  }
0x4f: {  	_ =	shalt  }
0x50: {  	_ =	shalt  }
0x51: {  	_ =	shalt  }
0x52: {  	_ =	shalt  }
0x53: {  	_ =	shalt  }
0x54: {  	_ =	shalt  }
0x55: {  	_ =	shalt  }
0x56: {  	_ =	shalt  }
0x57: {  	_ =	shalt  }
0x58: {  	_ =	shalt  }
0x59: {  	_ =	shalt  }
0x5a: {  	_ =	shalt  }
0x5b: {  	_ =	shalt  }
0x5c: {  	_ =	shalt  }
0x5d: {  	_ =	shalt  }
0x5e: {  	_ =	shalt  }
0x5f: {  	_ =	shalt  }
0x60: {  	_ =	shalt  }
0x61: {  	_ =	shalt  }
0x62: {  	_ =	shalt  }
0x63: {  	_ =	shalt  }
0x64: {  	_ =	shalt  }
0x65: {  	_ =	shalt  }
0x66: {  	_ =	shalt  }
0x67: {  	_ =	shalt  }
0x68: {  	_ =	shalt  }
0x69: {  	_ =	shalt  }
0x6a: {  	_ =	shalt  }
0x6b: {  	_ =	shalt  }
0x6c: {  	_ =	shalt  }
0x6d: {  	_ =	shalt  }
0x6e: {  	_ =	shalt  }
0x6f: {  	_ =	shalt  }
0x70: {  	_ =	shalt  }
0x71: {  	_ =	shalt  }
0x72: {  	_ =	shalt  }
0x73: {  	_ =	shalt  }
0x74: {  	_ =	shalt  }
0x75: {  	_ =	shalt  }
0x76: {  	_ =	shalt  }
0x77: {  	_ =	shalt  }
0x78: {  	_ =	shalt  }
0x79: {  	_ =	shalt  }
0x7a: {  	_ =	shalt  }
0x7b: {  	_ =	shalt  }
0x7c: {  	_ =	shalt  }
0x7d: {  	_ =	shalt  }
0x7e: {  	_ =	shalt  }
0x7f: {  	_ =	shalt  }
0x80: {  	_ =	shalt  }
0x81: {  	_ =	shalt  }
0x82: {  	_ =	shalt  }
0x83: {  	_ =	shalt  }
0x84: {  	_ =	shalt  }
0x85: {  	_ =	shalt  }
0x86: {  	_ =	shalt  }
0x87: {  	_ =	shalt  }
.Lfunc_end0:
.L_simem_size_0:
called_computation_lowered:
.L_overlay_start_0:
0x88: {  	s2 =	sld [smem:$0x3FD9]  }
0x89: {  	s3 =	sld [smem:$0x3FFE];
	_ =	sdelay $0x1  }
0x8a: {  	s1 =	srdreg.scid  }
0x8b: {  	s0 =	sand.u32 $0x1, s1  }
0x8c: {  	s17 =	sshll.u32 s0, $0xA;
	s2 =	sadd.s32 s3, s2  }
0x8d: {  	s2 =	sadd.s32 s2, s17  }
0x8e: {  	[smem:$0x3FC7] =	sst s2  }
0x8f: {  	_ = 	snop  }
0x90: {  	s2 =	sld [smem:$0x3FC9]  }
0x91: {  	s18 =	sld [smem:$0x3FD0];
	(tm) =	ssettm $0x1  }
0x92: {  	s4 =	sld [smem:$0x3FFB];
	_ =	sdelay $0x3  }
0x93: {  	_ =	strace s4  }
0x94: {  	s4 =	sld [smem:$0x3FFC];
	_ =	sdelay $0x3  }
0x95: {  	_ =	strace s4  }
0x96: {  	s4 =	sld [smem:$0x3FFD];
	_ =	sdelay $0x3  }
0x97: {  	_ =	strace s4  }
0x98: {  	_ =	strace $0x8FFFFFFF  }
0x99: {  	s19 =	sld [smem:$0x3FDB];
	_ =	sdelay $0x1  }
0x9a: {  	s5 =	simm.s32 $_scs_section_size  }
0x9b: {  	s6 =	simm.s32 $_size__tile_overlayer_lowered;
	s7 =	simm.s32 $_tile_overlayer_lowered  }
0x9c: {  	s22 =	simm.s32 $0x1BFF;
	s21 =	sshll.u32 s7, $0x1;
	s4 =	sadd.s32 s5, s19  }
0x9d: {  	s8 =	simm.s32 $0x0;
	s20 =	sshll.u32 s6, $0x1;
	s6 =	sadd.s32 s21, s4  }
0x9e: {  	[timem:s8], [sflag:s22] =	dma.local [hbm:s6], s20  }
0x9f: {  	_ =	swait.ge [sflag:s22], s20  }
0xa0: {  	s5 =	ssub.s32 $0x0, s20;
	[sflag:s22] =	ssyncset.done $0x0  }
0xa1: {  	[sflag:s22] =	ssyncadd.s32 s5;
	_ =	sdelay $0x1  }
0xa2: {  	s23 =	simm.s32 $0x1B8B  }
0xa3: {  	_ =	swait.ge [sflag:s23], $0x1  }
0xa4: {  	[sflag:s23] =	ssyncset.done $0x0  }
0xa5: {  	s25 =	simm.s32 $0x1B8E;
	s24 =	sld [smem:$0x3FFE];
	[sflag:s23] =	ssyncadd.s32 $0xFFFFFFFF  }
0xa6: {  	s26 =	simm.s32 $execute0_lowered;
	[smem:$0x3FD2] =	sst s25  }
0xa7: {  	s6 =	sshll.u32 s26, $0x1;
	_ =	strace $0x80000046;
	[dreg:$0x1] =	wrdreg $0xFFFFFFFF  }
0xa8: {  	s28 =	simm.s32 $_size_execute0_lowered;
	s4 =	sadd.s32 s4, s6;
	[dreg:$0x0] =	wrdreg $0x0  }
0xa9: {  	s6 =	sshll.u32 s28, $0x1;
	[dreg:$0x2] =	wrdreg s4  }
0xaa: {  	[dreg:$0x3] =	wrdreg s6  }
0xab: {  	[dreg:$0x4] =	wrdreg $0xC0  }
0xac: {  	_ =	task [dreg:s8], $0x5FFFF  }
0xad: {  	[dreg:$0x1] =	wrdreg $0xFFFFFFFF  }
0xae: {  	[dreg:$0x0] =	wrdreg $0x60  }
0xaf: {  	[dreg:$0x2] =	wrdreg s2  }
0xb0: {  	[dreg:$0x3] =	wrdreg s18  }
0xb1: {  	[dreg:$0x4] =	wrdreg s24  }
0xb2: {  	[dreg:$0x5] =	wrdreg $0x9  }
0xb3: {  	_ =	task.clear_ibuf [dreg:s8], $0x6FFFF;
	_ =	strace $0x90000046  }
0xb4: {  	s29 =	simm.s32 $0x9;
	_ =	strace $0x80000048  }
0xb5: {  	_ =	swait.ge [sflag:s29], $0x1  }
0xb6: {  	[sflag:s29] =	ssyncadd.s32 $0xFFFFFFFF  }
0xb7: {  	_ =	strace $0x90000048  }
0xb8: {  	_ =	sfence  }
0xb9: {  	s30 =	sld [smem:$0x0];
	_ =	sdelay $0x2  }
0xba: {  	s31 =	sshll.u32 s1, $0xD;
	s1 =	sshrl.u32 s1, $0x2  }
0xbb: {  	s3 =	sand.u32 $0x4000, s31;
	s1 =	sadd.s32 s1, s30  }
0xbc: {  	s0 =	sor.u32 s3, s0;
	s1 =	sshll.u32 s1, $0x11  }
0xbd: {  	s0 =	sor.u32 s1, s0  }
0xbe: {  	s0 =	sadd.s32 $0x8F2B, s0  }
0xbf: {  	[sflag:s0] =	ssyncadd.remote.s32 $0x1  }
0xc0: {  	_ =	sfence.sel $0xFFFF  }
0xc1: {  	[dreg:$0x0] =	wrdreg $0xFFFFFFFF;
	(pc) =	sbr.abs _section_cstart, $3  }
0xc2: {  	[dreg:$0x1] =	wrdreg $0xFFFFFFFF  }
0xc3: {  	_ =	task.clear_ibuf [dreg:s8], $0x2FFFF;
	_ =	strace $0x9FFFFFFF  }
0xc4: {  	(tm) =	ssettm $0x7FFFFFFF  }
0xc5: {  	_ =	shalt  }
tec
execute0_lowered:
.L_overlay_start_1:
0x0: {  	(tag) =	ssettag $0x1  }
0x1: {  	s1 =	rddreg [dreg:$0x0]  }
0x2: {  	s0 =	rddreg [dreg:$0x2];
	s4 =	simm.s32 $0x0;
	s2 =	srdreg.scid  }
0x3: {  	s6 =	stileid.u32;
	[smem:$0x7FF] =	sst s4;
	s2 =	sand.u32 $0x1, s2  }
0x4: {  	s3 =	sshll.u32 s6, $0x1;
	s5 =	sadd.s32 $0x400, s0;
	s29 =	sadd.s32 $0x600, s0  }
0x5: {  	s12 =	sshll.u32 s6, $0x8;
	s13 =	smul.u32 $0xFFF00, s6;
	s24 =	sshll.u32 s6, $0xA  }
0x6: {  	_ =	strace $0x80000047;
	[dreg:$0x7] =	wrdreg s5;
	s10 =	ssub.s32 $0x2, s2  }
0x7: {  	s21 =	sor.u32 s2, s3;
	s9 =	smul.u32 $0x7FF80, s2;
	[dreg:$0x9] =	wrdreg s29  }
0x8: {  	s11 =	sshrl.u32 s10, $0x1;
	s7 =	sadd.s32 $0x2FF9, s13;
	[dreg:$0x8] =	wrdreg s21  }
0x9: {  	s3 =	smul.u32 $0x10010, s21;
	s17 =	sadd.s32 $0x1FFB, s13;
	[dreg:$0xb] =	wrdreg s7  }
0xa: {  	s20 =	sadd.s32 $0xFFD, s13;
	s23 =	sadd.s32 $0xFFFFFFFF, s13;
	[dreg:$0xe] =	wrdreg s17  }
0xb: {  	s0 =	ssub.s32 s10, s11;
	s10 =	sshll.u32 s2, $0x7;
	[dreg:$0x11] =	wrdreg s20  }
0xc: {  	s11 =	sshll.u32 s6, $0xB;
	[dreg:$0x14] =	wrdreg s23;
	s8 =	sadd.s32 s29, s3  }
0xd: {  	s10 =	sor.u32 s10, s12;
	s0 =	smax.u32 s0, $0x1;
	s12 =	sshll.u32 s2, $0xA  }
0xe: {  	s2 =	sshll.u32 s2, $0x9;
	[dreg:$0xa] =	wrdreg s0;
	s15 =	sor.u32 s12, s11  }
0xf: {  	s14 =	sor.u32 $0x3, s10;
	s5 =	sor.u32 $0x2, s10;
	s16 =	sor.u32 $0x24, s15  }
0x10: {  	s0 =	sadd.s32 s9, s13;
	s19 =	sor.u32 $0x1C, s15;
	[dreg:$0xd] =	wrdreg s16  }
0x11: {  	s2 =	sor.u32 s24, s2;
	s31 =	sadd.s32 $0x7DF03, s0;
	[dreg:$0x10] =	wrdreg s19  }
0x12: {  	s18 =	sor.u32 $0x1, s10;
	s2 =	sxor.u32 $0xFFFFFE0A, s2;
	[dreg:$0x16] =	wrdreg s31  }
0x13: {  	v0 =	vlaneseq.u32;
	s3 =	smul.u32 s5, s14;
	s0 =	sadd.s32 $0x7EF01, s0;
	[dreg:$0x17] =	wrdreg s2  }
0x14: {  	v1 =	vmul.u32 $0x88, v0;
	s5 =	smul.u32 s18, s5;
	[dreg:$0x18] =	wrdreg s0  }
0x15: {  	v9 =	vor.u32 $0x10, v0;
	v10 =	vor.u32 $0x20, v0;
	v11 =	vor.u32 $0x30, v0;
	s25 =	sor.u32 $0x7F, s10;
	s26 =	sor.u32 $0x7E, s10;
	[dreg:$0xc] =	wrdreg s3  }
0x16: {  	v12 =	vor.u32 $0x40, v0;
	v13 =	vor.u32 $0x50, v0;
	v14 =	vor.u32 $0x60, v0;
	s22 =	smul.u32 s10, s18;
	[dreg:$0xf] =	wrdreg s5;
	s3 =	sor.u32 $0x14, s15  }
0x17: {  	v15 =	vor.u32 $0x70, v0;
	v2 =	vadd.s32 $0x880, v1;
	v3 =	vadd.s32 $0x1100, v1;
	[dreg:$0x13] =	wrdreg s3;
	s3 =	smul.u32 s26, s25  }
0x18: {  	s30 =	simm.s32 $0x10C20;
	v4 =	vadd.s32 $0x1980, v1;
	p0 =	sne.s32 s21, $0x0;
	v5 =	vadd.s32 $0x2200, v1;
	v6 =	vadd.s32 $0x2A80, v1;
	[dreg:$0x12] =	wrdreg s22  }
0x19: {  	s28 =	simm.s32 $0x15020;
	v7 =	vadd.s32 $0x3300, v1;
	v8 =	vadd.s32 $0x3B80, v1;
	vm0 =	vcmask @!p0 $0x3F04;
	s2 =	simm.s32 $0x0;
	[dreg:$0x15] =	wrdreg s3  }
.LBB2_1:
0x1a: {  	[dreg:$0x19] =	wrdreg s2  }
0x1b: {  	s0 =	rddreg [dreg:$0x1];
	s22 =	simm.s32 $0x5  }
0x1c: {  	[tilespmem:s4], [sflag:$0x5] =	stream.linear.gather [hbm4b:s0+s4], $0x210, $0x38;
	[tilespmem:$0x19420] =	vst v63  }
0x1d: {  	_ =	swait.ge [sflag:s22], $0x210  }
0x1e: {  	[sflag:s22] =	ssyncset.done $0x0  }
0x1f: {  	s3 =	simm.s32 $0x210;
	s23 =	rddreg [dreg:$0x7];
	[sflag:s22] =	ssyncadd.s32 $0xFFFFFDF0  }
0x20: {  	[tilespmem:s3], [sflag:$0x5] =	stream.linear.gather [hbm4b:s23+s4], $0x210, $0x38;
	[tilespmem:$0x19420] =	vst v63  }
0x21: {  	_ =	swait.ge [sflag:s22], $0x210  }
0x22: {  	[sflag:s22] =	ssyncset.done $0x0  }
0x23: {  	[sflag:s22] =	ssyncadd.s32 $0xFFFFFDF0  }
0x24: {  	v16 =	vld [tilespmem:s21+$0x0];
	_ =	sdelay $0x4  }
0x25: {  	(v2sf) =	vpush v16, $0x0;
	v16 =	vld [tilespmem:s21+$0x210];
	_ =	sdelay $0x4  }
0x26: {  	(v2sf) =	vpush v16, $0x0;
	_ =	sdelay $0x9  }
0x27: {  	s24 =	spop (v2sf)  }
0x28: {  	s25 =	sshll.u32 s24, $0x7  }
0x29: {  	[dreg:$0x4] =	wrdreg s25  }
0x2a: {  	s2 =	rddreg [dreg:$0x4]  }
0x2b: {  	s0 =	smul.u32 $0x7FF00, s24;
	s3 =	sadd.s32 $0xFFFFFFFC, s2  }
0x2c: {  	s11 =	spop (v2sf);
	s5 =	sadd.s32 $0x4, s3;
	s2 =	sadd.s32 $0x3, s3  }
0x2d: {  	s11 =	sshll.u32 s11, $0x7;
	s12 =	smul.u32 s5, s2  }
0x2e: {  	s0 =	sadd.s32 s11, s0  }
0x2f: {  	s2 =	sadd.s32 $0x2FF9, s0;
	s26 =	sshra.s32 s12, $0x1  }
0x30: {  	s0 =	ssub.s32 s2, s26  }
0x31: {  	s0 =	sadd.s32 $0xFFFFD006, s0  }
0x32: {  	s0 =	sand.u32 $0xFFFFFFF8, s0  }
0x33: {  	p1 =	slt.s32 s0, $0x7FF778  }
0x34: {  	s0 =	simm.s32 @!p1 $0x7FF778  }
0x35: {  	s0 =	sshrl.u32 s0, $0x3  }
0x36: {  	s31 =	simm.s32 $0x420;
	s0 =	sadd.s32 s1, s0  }
0x37: {  	[tilespmem:s31], [sflag:$0x1] =	stream.linear.gather [hbm4b:s0+s4], $0x88, $0x38;
	[tilespmem:$0x19420] =	vst v63  }
0x38: {  	s24 =	simm.s32 $0x0;
	s11 =	simm.s32 $0x0;
	s0 =	simm.s32 $0x5B8  }
.LBB2_2:
0x39: {  	s13 =	rddreg [dreg:$0x4];
	s14 =	smov.u32 s2  }
0x3a: {  	s15 =	sadd.s32 $0x6, s3;
	s16 =	sadd.s32 $0x7, s3;
	s17 =	sadd.s32 $0x5, s3  }
0x3b: {  	s2 =	sadd.s32 $0x3FF8, s2;
	s18 =	sadd.s32 $0xFFFFFEF0, s0;
	s20 =	smul.u32 s15, s17  }
0x3c: {  	s19 =	sadd.s32 $0xFFFFFF78, s0;
	s3 =	sadd.s32 s11, s13;
	s17 =	smul.u32 s17, s5  }
0x3d: {  	s16 =	smul.u32 s16, s15;
	s22 =	sadd.s32 $0x3, s3;
	s5 =	sadd.s32 $0x4, s3  }
0x3e: {  	s11 =	sadd.s32 $0x4, s11;
	s15 =	smul.u32 s5, s22;
	s17 =	sshra.s32 s17, $0x1  }
0x3f: {  	s13 =	sshra.s32 s20, $0x1;
	s16 =	sshra.s32 s16, $0x1;
	s17 =	ssub.s32 s14, s17  }
0x40: {  	s16 =	ssub.s32 s14, s16;
	s13 =	ssub.s32 s14, s13;
	s15 =	sshra.s32 s15, $0x1  }
0x41: {  	s17 =	sadd.s32 $0xFFFFE004, s17;
	s13 =	sadd.s32 $0xFFFFF002, s13;
	s16 =	sand.u32 $0xFFFFFFF8, s16  }
0x42: {  	s15 =	ssub.s32 s2, s15;
	s14 =	sand.u32 $0xFFFFFFF8, s17;
	s13 =	sand.u32 $0xFFFFFFF8, s13  }
0x43: {  	p2 =	slt.s32 s16, $0x7FF778;
	s15 =	sadd.s32 $0xFFFFD006, s15;
	p1 =	slt.s32 s14, $0x7FF778  }
0x44: {  	s16 =	simm.s32 @!p2 $0x7FF778;
	s14 =	simm.s32 @!p1 $0x7FF778;
	p1 =	slt.s32 s13, $0x7FF778  }
0x45: {  	s15 =	sand.u32 $0xFFFFFFF8, s15;
	s14 =	sshrl.u32 s14, $0x3;
	s13 =	simm.s32 @!p1 $0x7FF778  }
0x46: {  	p1 =	slt.s32 s15, $0x7FF778;
	s14 =	sadd.s32 s1, s14;
	s13 =	sshrl.u32 s13, $0x3  }
0x47: {  	[tilespmem:s18], [sflag:$0x1] =	stream.linear.gather [hbm4b:s14+s24], $0x88, $0x38;
	[tilespmem:$0x19420] =	vst v63  }
0x48: {  	s15 =	simm.s32 @!p1 $0x7FF778;
	p1 =	slt.u32 s11, $0x7C;
	s13 =	sadd.s32 s1, s13  }
0x49: {  	[tilespmem:s19], [sflag:$0x1] =	stream.linear.gather [hbm4b:s13+s24], $0x88, $0x38;
	[tilespmem:$0x19420] =	vst v63  }
.Ltmp0:
0x4a: {  	s12 =	smov.u32 s0;
	s23 =	sshrl.u32 s16, $0x3;
	(pc) =	sbr.rel @p1 .LBB2_2-.Ltmp0, $4  }
0x4b: {  	s0 =	sadd.s32 $0x220, s0;
	s25 =	sadd.s32 s1, s23;
	s26 =	sshrl.u32 s15, $0x3  }
0x4c: {  	[tilespmem:s12], [sflag:$0x1] =	stream.linear.gather [hbm4b:s25+s24], $0x88, $0x38;
	[tilespmem:$0x19420] =	vst v63  }
0x4d: {  	s31 =	sadd.s32 $0xFFFFFE68, s0;
	s24 =	simm.s32 $0x0;
	s12 =	sadd.s32 s1, s26  }
0x4e: {  	[tilespmem:s31], [sflag:$0x1] =	stream.linear.gather [hbm4b:s12+s24], $0x88, $0x38;
	[tilespmem:$0x19420] =	vst v63  }
0x4f: {  	s11 =	sadd.s32 $0x5, s3  }
0x50: {  	s5 =	smul.u32 s11, s5  }
0x51: {  	s12 =	sadd.s32 $0x6, s3  }
0x52: {  	s11 =	smul.u32 s12, s11;
	s5 =	sshra.s32 s5, $0x1  }
0x53: {  	s23 =	sadd.s32 $0x7, s3;
	s5 =	ssub.s32 s2, s5  }
0x54: {  	s3 =	smul.u32 s23, s12;
	s11 =	sshra.s32 s11, $0x1;
	s5 =	sadd.s32 $0xFFFFE004, s5  }
0x55: {  	s25 =	sadd.s32 $0xFFFFFEF0, s0;
	s11 =	ssub.s32 s2, s11;
	s5 =	sand.u32 $0xFFFFFFF8, s5  }
0x56: {  	s3 =	sshra.s32 s3, $0x1;
	s11 =	sadd.s32 $0xFFFFF002, s11;
	p1 =	slt.s32 s5, $0x7FF778  }
0x57: {  	s26 =	ssub.s32 s2, s3;
	s3 =	sand.u32 $0xFFFFFFF8, s11;
	s5 =	simm.s32 @!p1 $0x7FF778  }
0x58: {  	s2 =	sand.u32 $0xFFFFFFF8, s26;
	p1 =	slt.s32 s3, $0x7FF778;
	s5 =	sshrl.u32 s5, $0x3  }
0x59: {  	p2 =	slt.s32 s2, $0x7FF778;
	s3 =	simm.s32 @!p1 $0x7FF778;
	s5 =	sadd.s32 s1, s5  }
0x5a: {  	[tilespmem:s25], [sflag:$0x1] =	stream.linear.gather [hbm4b:s5+s24], $0x88, $0x38;
	[tilespmem:$0x19420] =	vst v63  }
.Ltmp1:
0x5b: {  	s2 =	simm.s32 @!p2 $0x7FF778;
	s3 =	sshrl.u32 s3, $0x3;
	(pc) =	sbr.rel .LBB2_4-.Ltmp1, $4  }
0x5c: {  	s31 =	sadd.s32 $0xFFFFFF78, s0;
	s2 =	sshrl.u32 s2, $0x3;
	s3 =	sadd.s32 s1, s3  }
0x5d: {  	[tilespmem:s31], [sflag:$0x1] =	stream.linear.gather [hbm4b:s3+s24], $0x88, $0x38;
	[tilespmem:$0x19420] =	vst v63  }
0x5e: {  	s2 =	sadd.s32 s1, s2  }
0x5f: {  	[tilespmem:s0], [sflag:$0x1] =	stream.linear.gather [hbm4b:s2+s24], $0x88, $0x38;
	[tilespmem:$0x19420] =	vst v63  }
.LBB2_26:
0x60: {  	s24 =	sadd.s32 $0x1, s24  }
0x61: {  	p1 =	sne.s32 s24, $0x8  }
.Ltmp2:
0x62: {  	_ = 	snop;
	(pc) =	sbr.rel @!p1 .LBB2_27-.Ltmp2, $1  }
0x63: {  	_ =	sdelay $0x3  }
.LBB2_4:
0x64: {  	s0 =	sshll.u32 s24, $0x6  }
0x65: {  	s0 =	sor.u32 s0, s21  }
0x66: {  	s25 =	sor.u32 $0x20, s0  }
0x67: {  	p1 =	sgt.u32 s25, $0x1EF  }
.Ltmp3:
0x68: {  	_ = 	snop;
	(pc) =	sbr.rel @p1 .LBB2_8-.Ltmp3, $1  }
0x69: {  	_ =	sdelay $0x3  }
0x6a: {  	v16 =	vld [tilespmem:s25+$0x0];
	_ =	sdelay $0x4  }
0x6b: {  	(v2sf) =	vpush v16, $0x0;
	v16 =	vld [tilespmem:s25+$0x210];
	_ =	sdelay $0x4  }
0x6c: {  	(v2sf) =	vpush v16, $0x0;
	_ =	sdelay $0x9  }
0x6d: {  	s2 =	spop (v2sf)  }
0x6e: {  	s3 =	sshll.u32 s2, $0x7  }
0x6f: {  	[dreg:$0x5] =	wrdreg s3  }
0x70: {  	s3 =	rddreg [dreg:$0x5]  }
0x71: {  	s2 =	smul.u32 $0x7FF00, s2;
	s5 =	sadd.s32 $0xFFFFFFFC, s3  }
0x72: {  	s12 =	spop (v2sf);
	s11 =	sadd.s32 $0x4, s5;
	s3 =	sadd.s32 $0x3, s5  }
0x73: {  	s12 =	sshll.u32 s12, $0x7;
	s13 =	smul.u32 s11, s3  }
0x74: {  	s2 =	sadd.s32 s12, s2  }
0x75: {  	s3 =	sadd.s32 $0x2FF9, s2;
	s26 =	sshra.s32 s13, $0x1  }
0x76: {  	s2 =	ssub.s32 s3, s26  }
0x77: {  	s2 =	sadd.s32 $0xFFFFD006, s2  }
0x78: {  	s2 =	sand.u32 $0xFFFFFFF8, s2  }
0x79: {  	p2 =	slt.s32 s2, $0x7FF778  }
0x7a: {  	s2 =	simm.s32 @!p2 $0x7FF778  }
0x7b: {  	s2 =	sshrl.u32 s2, $0x3  }
0x7c: {  	s31 =	simm.s32 $0x4820;
	s2 =	sadd.s32 s1, s2  }
0x7d: {  	[tilespmem:s31], [sflag:$0x2] =	stream.linear.gather [hbm4b:s2+s4], $0x88, $0x38;
	[tilespmem:$0x19420] =	vst v63  }
0x7e: {  	s12 =	simm.s32 $0x0;
	s2 =	simm.s32 $0x49B8  }
.LBB2_6:
0x7f: {  	s13 =	rddreg [dreg:$0x5];
	s15 =	sadd.s32 $0x6, s5;
	s16 =	sadd.s32 $0x7, s5  }
0x80: {  	s14 =	smov.u32 s3;
	s17 =	sadd.s32 $0x5, s5;
	s16 =	smul.u32 s16, s15  }
0x81: {  	s3 =	sadd.s32 $0x3FF8, s3;
	s18 =	sadd.s32 $0xFFFFFEF0, s2;
	s7 =	smul.u32 s15, s17  }
0x82: {  	s19 =	sadd.s32 $0xFFFFFF78, s2;
	s5 =	sadd.s32 s12, s13;
	s17 =	smul.u32 s17, s11  }
0x83: {  	s12 =	sadd.s32 $0x4, s12;
	s20 =	sadd.s32 $0x3, s5;
	s11 =	sadd.s32 $0x4, s5  }
0x84: {  	s15 =	smul.u32 s11, s20;
	s17 =	sshra.s32 s17, $0x1;
	s16 =	sshra.s32 s16, $0x1  }
0x85: {  	s13 =	sshra.s32 s7, $0x1;
	s17 =	ssub.s32 s14, s17;
	s16 =	ssub.s32 s14, s16  }
0x86: {  	s13 =	ssub.s32 s14, s13;
	s15 =	sshra.s32 s15, $0x1;
	s17 =	sadd.s32 $0xFFFFE004, s17  }
0x87: {  	s13 =	sadd.s32 $0xFFFFF002, s13;
	s16 =	sand.u32 $0xFFFFFFF8, s16;
	s15 =	ssub.s32 s3, s15  }
0x88: {  	s14 =	sand.u32 $0xFFFFFFF8, s17;
	s13 =	sand.u32 $0xFFFFFFF8, s13;
	p3 =	slt.s32 s16, $0x7FF778  }
0x89: {  	s15 =	sadd.s32 $0xFFFFD006, s15;
	p2 =	slt.s32 s14, $0x7FF778;
	s16 =	simm.s32 @!p3 $0x7FF778  }
0x8a: {  	s14 =	simm.s32 @!p2 $0x7FF778;
	p2 =	slt.s32 s13, $0x7FF778;
	s15 =	sand.u32 $0xFFFFFFF8, s15  }
0x8b: {  	s22 =	sshrl.u32 s16, $0x3;
	s14 =	sshrl.u32 s14, $0x3;
	s13 =	simm.s32 @!p2 $0x7FF778  }
0x8c: {  	p2 =	slt.s32 s15, $0x7FF778;
	s14 =	sadd.s32 s1, s14;
	s13 =	sshrl.u32 s13, $0x3  }
0x8d: {  	[tilespmem:s18], [sflag:$0x2] =	stream.linear.gather [hbm4b:s14+s4], $0x88, $0x38;
	[tilespmem:$0x19420] =	vst v63  }
0x8e: {  	s15 =	simm.s32 @!p2 $0x7FF778;
	p2 =	slt.u32 s12, $0x7C;
	s13 =	sadd.s32 s1, s13  }
0x8f: {  	[tilespmem:s19], [sflag:$0x2] =	stream.linear.gather [hbm4b:s13+s4], $0x88, $0x38;
	[tilespmem:$0x19420] =	vst v63  }
.Ltmp4:
0x90: {  	s23 =	sadd.s32 s1, s22;
	(pc) =	sbr.rel @p2 .LBB2_6-.Ltmp4, $4  }
0x91: {  	[tilespmem:s2], [sflag:$0x2] =	stream.linear.gather [hbm4b:s23+s4], $0x88, $0x38;
	[tilespmem:$0x19420] =	vst v63  }
0x92: {  	s26 =	sshrl.u32 s15, $0x3;
	s2 =	sadd.s32 $0x220, s2  }
0x93: {  	s13 =	sadd.s32 s1, s26;
	s31 =	sadd.s32 $0xFFFFFE68, s2  }
0x94: {  	[tilespmem:s31], [sflag:$0x2] =	stream.linear.gather [hbm4b:s13+s4], $0x88, $0x38;
	[tilespmem:$0x19420] =	vst v63  }
0x95: {  	s12 =	sadd.s32 $0x5, s5  }
0x96: {  	s13 =	sadd.s32 $0x6, s5;
	s11 =	smul.u32 s12, s11  }
0x97: {  	s12 =	smul.u32 s13, s12  }
0x98: {  	s22 =	sadd.s32 $0x7, s5;
	s11 =	sshra.s32 s11, $0x1  }
0x99: {  	s5 =	smul.u32 s22, s13;
	s12 =	sshra.s32 s12, $0x1;
	s11 =	ssub.s32 s3, s11  }
0x9a: {  	s23 =	sadd.s32 $0xFFFFFEF0, s2;
	s12 =	ssub.s32 s3, s12;
	s11 =	sadd.s32 $0xFFFFE004, s11  }
0x9b: {  	s5 =	sshra.s32 s5, $0x1;
	s12 =	sadd.s32 $0xFFFFF002, s12;
	s11 =	sand.u32 $0xFFFFFFF8, s11  }
0x9c: {  	s26 =	ssub.s32 s3, s5;
	s5 =	sand.u32 $0xFFFFFFF8, s12;
	p2 =	slt.s32 s11, $0x7FF778  }
0x9d: {  	s3 =	sand.u32 $0xFFFFFFF8, s26;
	s11 =	simm.s32 @!p2 $0x7FF778;
	p2 =	slt.s32 s5, $0x7FF778  }
0x9e: {  	p3 =	slt.s32 s3, $0x7FF778;
	s11 =	sshrl.u32 s11, $0x3;
	s5 =	simm.s32 @!p2 $0x7FF778  }
0x9f: {  	s3 =	simm.s32 @!p3 $0x7FF778;
	s11 =	sadd.s32 s1, s11;
	s5 =	sshrl.u32 s5, $0x3  }
0xa0: {  	[tilespmem:s23], [sflag:$0x2] =	stream.linear.gather [hbm4b:s11+s4], $0x88, $0x38;
	[tilespmem:$0x19420] =	vst v63  }
0xa1: {  	s31 =	sadd.s32 $0xFFFFFF78, s2;
	s3 =	sshrl.u32 s3, $0x3;
	s5 =	sadd.s32 s1, s5  }
0xa2: {  	[tilespmem:s31], [sflag:$0x2] =	stream.linear.gather [hbm4b:s5+s4], $0x88, $0x38;
	[tilespmem:$0x19420] =	vst v63  }
0xa3: {  	s3 =	sadd.s32 s1, s3  }
0xa4: {  	[tilespmem:s2], [sflag:$0x2] =	stream.linear.gather [hbm4b:s3+s4], $0x88, $0x38;
	[tilespmem:$0x19420] =	vst v63  }
.LBB2_8:
0xa5: {  	s2 =	simm.s32 $0x1  }
0xa6: {  	_ =	swait.ge [sflag:s2], $0x4400  }
0xa7: {  	p2 =	seq.s32 s24, $0x0;
	[sflag:s2] =	ssyncset.done $0x0  }
0xa8: {  	[sflag:s2] =	ssyncadd.s32 $0xFFFFBC00;
	s2 =	simm.s32 @!p2 $0x3  }
0xa9: {  	_ =	swait.ge @!p2 [sflag:s2], $0x4000  }
0xaa: {  	[sflag:s2] =	ssyncset.done @!p2 $0x0  }
0xab: {  	[sflag:s2] =	ssyncadd.s32 @!p2 $0xFFFFC000  }
0xac: {  	_ =	swait.ge @!p2 [sflag:s2], $0x4000  }
0xad: {  	[sflag:s2] =	ssyncset.done @!p2 $0x0  }
0xae: {  	[sflag:s2] =	ssyncadd.s32 @!p2 $0xFFFFC000  }
0xaf: {  	v16 =	vld [tilespmem:s0+$0x0];
	_ =	sdelay $0x3  }
0xb0: {  	v17 =	vld [tilespmem:s0+$0x210]  }
0xb1: {  	(v2sf) =	vpush v16, $0x0;
	_ =	sdelay $0x3  }
0xb2: {  	(v2sf) =	vpush v17, $0x0;
	_ =	sdelay $0xa  }
0xb3: {  	s11 =	spop (v2sf)  }
0xb4: {  	s26 =	sshll.u32 s11, $0x7  }
0xb5: {  	s18 =	sadd.s32 $0x0, s26  }
0xb6: {  	s19 =	smul.u32 $0x7FF00, s11;
	s3 =	sadd.s32 $0xFFFFFFFF, s18  }
0xb7: {  	s22 =	spop (v2sf);
	s3 =	smul.u32 s18, s3  }
0xb8: {  	s23 =	sshll.u32 s22, $0x7  }
0xb9: {  	s5 =	sadd.s32 s23, s19;
	s3 =	sshra.s32 s3, $0x1  }
0xba: {  	s0 =	sadd.s32 $0xFF800887, s5;
	s12 =	ssub.s32 $0x7, s3  }
0xbb: {  	s3 =	ssub.s32 s0, s3;
	s12 =	sand.u32 $0x7, s12  }
0xbc: {  	p3 =	sgt.s32 s3, s12  }
0xbd: {  	s12 =	smov.u32 @p3 s3  }
0xbe: {  	s3 =	sshll.u32 s12, $0x2;
	s12 =	sand.u32 $0x7, s12  }
0xbf: {  	s3 =	sand.u32 $0xFFFFFFE0, s3;
	s12 =	sshll.u32 s12, $0x2  }
0xc0: {  	s3 =	sor.u32 s12, s3  }
0xc1: {  	s3 =	sshra.s32 s3, $0x2  }
0xc2: {  	s20 =	simm.s32 $0x0;
	s13 =	sadd.s32 $0x420, s3  }
0xc3: {  	v16 =	vmov s20;
	v17 =	vld [tilespmem:s13+$0x0]  }
0xc4: {  	v16 =	vand.u32 $0x7E, v16  }
0xc5: {  	v18 =	vadd.s32 v1, v16;
	_ =	sdelay $0x2  }
0xc6: {  	s3 =	simm.s32 $0x8CA0;
	v19 =	vsub.f32 $0.0e+00, v17  }
0xc7: {  	[tilespmem:s3+$0xFFFFFF80] =	vst v17  }
0xc8: {  	[tilespmem:v18+s30+$0x0] =	vst.idx.msk $0xffff, v19  }
0xc9: {  	v17 =	vld [tilespmem:s13+$0x10];
	_ =	sdelay $0x1  }
0xca: {  	v18 =	vadd.s32 v2, v16;
	_ =	sdelay $0x2  }
0xcb: {  	v19 =	vsub.f32 $0.0e+00, v17  }
0xcc: {  	[tilespmem:s3+$0xFFFFFF90] =	vst v17  }
0xcd: {  	[tilespmem:v18+s30+$0x0] =	vst.idx.msk $0xffff, v19  }
0xce: {  	v17 =	vld [tilespmem:s13+$0x20];
	_ =	sdelay $0x1  }
0xcf: {  	v18 =	vadd.s32 v3, v16;
	_ =	sdelay $0x2  }
0xd0: {  	v19 =	vsub.f32 $0.0e+00, v17  }
0xd1: {  	[tilespmem:s3+$0xFFFFFFA0] =	vst v17  }
0xd2: {  	[tilespmem:v18+s30+$0x0] =	vst.idx.msk $0xffff, v19  }
0xd3: {  	v17 =	vld [tilespmem:s13+$0x30];
	_ =	sdelay $0x1  }
0xd4: {  	v18 =	vadd.s32 v4, v16;
	_ =	sdelay $0x2  }
0xd5: {  	v19 =	vsub.f32 $0.0e+00, v17  }
0xd6: {  	[tilespmem:s3+$0xFFFFFFB0] =	vst v17  }
0xd7: {  	[tilespmem:v18+s30+$0x0] =	vst.idx.msk $0xffff, v19  }
0xd8: {  	v17 =	vld [tilespmem:s13+$0x40];
	_ =	sdelay $0x1  }
0xd9: {  	v18 =	vadd.s32 v5, v16;
	_ =	sdelay $0x2  }
0xda: {  	v19 =	vsub.f32 $0.0e+00, v17  }
0xdb: {  	[tilespmem:s3+$0xFFFFFFC0] =	vst v17  }
0xdc: {  	[tilespmem:v18+s30+$0x0] =	vst.idx.msk $0xffff, v19  }
0xdd: {  	v17 =	vld [tilespmem:s13+$0x50];
	_ =	sdelay $0x1  }
0xde: {  	v18 =	vadd.s32 v6, v16;
	_ =	sdelay $0x2  }
0xdf: {  	v19 =	vsub.f32 $0.0e+00, v17  }
0xe0: {  	[tilespmem:s3+$0xFFFFFFD0] =	vst v17  }
0xe1: {  	[tilespmem:v18+s30+$0x0] =	vst.idx.msk $0xffff, v19  }
0xe2: {  	v17 =	vld [tilespmem:s13+$0x60];
	_ =	sdelay $0x1  }
0xe3: {  	v18 =	vadd.s32 v7, v16  }
0xe4: {  	s6 =	sadd.s32 $0x1, s18  }
0xe5: {  	s2 =	smul.u32 s6, s18  }
0xe6: {  	v19 =	vsub.f32 $0.0e+00, v17  }
0xe7: {  	s12 =	sshra.s32 s2, $0x1;
	[tilespmem:s3+$0xFFFFFFE0] =	vst v17  }
0xe8: {  	s7 =	sadd.s32 $0xFF801885, s5;
	s17 =	ssub.s32 $0x5, s12;
	[tilespmem:v18+s30+$0x0] =	vst.idx.msk $0xffff, v19  }
0xe9: {  	s12 =	ssub.s32 s7, s12;
	s5 =	sand.u32 $0x7, s17;
	v17 =	vld [tilespmem:s13+$0x70]  }
0xea: {  	p3 =	sgt.s32 s12, s5  }
0xeb: {  	s5 =	smov.u32 @p3 s12;
	v16 =	vadd.s32 v8, v16  }
0xec: {  	s12 =	sshll.u32 s5, $0x2;
	s5 =	sand.u32 $0x7, s5  }
0xed: {  	s5 =	sshll.u32 s5, $0x2;
	s12 =	sand.u32 $0xFFFFFFE0, s12  }
0xee: {  	s5 =	sor.u32 s5, s12;
	v18 =	vsub.f32 $0.0e+00, v17  }
0xef: {  	s5 =	sshra.s32 s5, $0x2;
	[tilespmem:s3+$0xFFFFFFF0] =	vst v17  }
0xf0: {  	s18 =	simm.s32 $0x1;
	s16 =	sadd.s32 $0x420, s5;
	[tilespmem:v16+s30+$0x0] =	vst.idx.msk $0xffff, v18  }
0xf1: {  	v16 =	vmov s18;
	v17 =	vld [tilespmem:s16+$0x88]  }
0xf2: {  	v16 =	vand.u32 $0x7F, v16  }
0xf3: {  	v18 =	vadd.s32 v1, v16;
	_ =	sdelay $0x2  }
0xf4: {  	v19 =	vsub.f32 $0.0e+00, v17  }
0xf5: {  	[tilespmem:s3+$0x0] =	vst v17  }
0xf6: {  	[tilespmem:v18+s30+$0x0] =	vst.idx.msk $0xffff, v19  }
0xf7: {  	v17 =	vld [tilespmem:s16+$0x98];
	_ =	sdelay $0x1  }
0xf8: {  	v18 =	vadd.s32 v2, v16;
	_ =	sdelay $0x2  }
0xf9: {  	v19 =	vsub.f32 $0.0e+00, v17  }
0xfa: {  	[tilespmem:s3+$0x10] =	vst v17  }
0xfb: {  	[tilespmem:v18+s30+$0x0] =	vst.idx.msk $0xffff, v19  }
0xfc: {  	v17 =	vld [tilespmem:s16+$0xA8];
	_ =	sdelay $0x1  }
0xfd: {  	v18 =	vadd.s32 v3, v16;
	_ =	sdelay $0x2  }
0xfe: {  	v19 =	vsub.f32 $0.0e+00, v17  }
0xff: {  	[tilespmem:s3+$0x20] =	vst v17  }
0x100: {  	[tilespmem:v18+s30+$0x0] =	vst.idx.msk $0xffff, v19  }
0x101: {  	v17 =	vld [tilespmem:s16+$0xB8];
	_ =	sdelay $0x1  }
0x102: {  	v18 =	vadd.s32 v4, v16;
	_ =	sdelay $0x2  }
0x103: {  	v19 =	vsub.f32 $0.0e+00, v17  }
0x104: {  	[tilespmem:s3+$0x30] =	vst v17  }
0x105: {  	[tilespmem:v18+s30+$0x0] =	vst.idx.msk $0xffff, v19  }
0x106: {  	v17 =	vld [tilespmem:s16+$0xC8];
	_ =	sdelay $0x1  }
0x107: {  	v18 =	vadd.s32 v5, v16;
	_ =	sdelay $0x2  }
0x108: {  	v19 =	vsub.f32 $0.0e+00, v17  }
0x109: {  	[tilespmem:s3+$0x40] =	vst v17  }
0x10a: {  	[tilespmem:v18+s30+$0x0] =	vst.idx.msk $0xffff, v19  }
0x10b: {  	v17 =	vld [tilespmem:s16+$0xD8];
	_ =	sdelay $0x1  }
0x10c: {  	v18 =	vadd.s32 v6, v16;
	_ =	sdelay $0x2  }
0x10d: {  	v19 =	vsub.f32 $0.0e+00, v17  }
0x10e: {  	[tilespmem:s3+$0x50] =	vst v17  }
0x10f: {  	[tilespmem:v18+s30+$0x0] =	vst.idx.msk $0xffff, v19  }
0x110: {  	s19 =	sadd.s32 $0x2, s26;
	v17 =	vld [tilespmem:s16+$0xE8]  }
0x111: {  	s14 =	sadd.s32 $0x1, s19  }
0x112: {  	s20 =	sadd.s32 $0xFFFFFFFF, s19;
	s14 =	smul.u32 s14, s19;
	v18 =	vadd.s32 v7, v16  }
0x113: {  	s13 =	smul.u32 s19, s20  }
0x114: {  	s31 =	simm.s32 $0x2;
	s15 =	simm.s32 $0x4  }
0x115: {  	s6 =	sshra.s32 s14, $0x1;
	s14 =	simm.s32 $0x9;
	s17 =	sshra.s32 s13, $0x1;
	v19 =	vsub.f32 $0.0e+00, v17  }
0x116: {  	s2 =	sadd.s32 $0x1FFC, s7;
	s13 =	sadd.s32 $0x1FFC, s0;
	s18 =	ssub.s32 $0xB, s17;
	[tilespmem:s3+$0x60] =	vst v17  }
0x117: {  	s19 =	ssub.s32 $0x9, s6;
	s17 =	ssub.s32 s13, s17;
	s18 =	sand.u32 $0x7, s18;
	[tilespmem:v18+s30+$0x0] =	vst.idx.msk $0xffff, v19  }
0x118: {  	s19 =	sand.u32 $0x7, s19;
	s0 =	ssub.s32 s2, s6;
	p3 =	sgt.s32 s17, s18;
	v17 =	vld [tilespmem:s16+$0xF8]  }
0x119: {  	s12 =	simm.s32 $0xB;
	s18 =	smov.u32 @p3 s17;
	p3 =	sgt.s32 s0, s19  }
0x11a: {  	s7 =	sshll.u32 s18, $0x2;
	s17 =	sand.u32 $0x7, s18;
	s19 =	smov.u32 @p3 s0;
	v16 =	vadd.s32 v8, v16  }
0x11b: {  	s18 =	sand.u32 $0xFFFFFFE0, s7;
	s17 =	sshll.u32 s17, $0x2;
	s20 =	sand.u32 $0x7, s19  }
0x11c: {  	s5 =	sshll.u32 s24, $0x1;
	s0 =	sor.u32 s17, s18;
	s17 =	sshll.u32 s20, $0x2  }
0x11d: {  	s18 =	sshra.s32 s0, $0x2;
	s0 =	simm.s32 $0x530;
	s16 =	sshll.u32 s19, $0x2;
	[tilespmem:s3+$0x70] =	vst v17;
	v17 =	vsub.f32 $0.0e+00, v17  }
.LBB2_9:
0x11e: {  	s19 =	sadd.s32 s18, s0  }
0x11f: {  	[tilespmem:v16+s30+$0x0] =	vst.idx.msk $0xffff, v17;
	s3 =	sadd.s32 $0x100, s3;
	s18 =	smov.u32 s15;
	s20 =	sadd.s32 $0x2, s15  }
0x120: {  	p3 =	slt.u32 s15, $0x7E;
	v16 =	vmov s31;
	v17 =	vld [tilespmem:s19+$0x0]  }
0x121: {  	v16 =	vand.u32 $0x7E, v16  }
0x122: {  	v18 =	vadd.s32 v1, v16;
	_ =	sdelay $0x2  }
0x123: {  	v19 =	vsub.f32 $0.0e+00, v17  }
0x124: {  	[tilespmem:s3+$0xFFFFFF80] =	vst v17  }
0x125: {  	[tilespmem:v18+s30+$0x0] =	vst.idx.msk $0xffff, v19  }
0x126: {  	v17 =	vld [tilespmem:s19+$0x10];
	_ =	sdelay $0x1  }
0x127: {  	v18 =	vadd.s32 v2, v16;
	_ =	sdelay $0x2  }
0x128: {  	v19 =	vsub.f32 $0.0e+00, v17  }
0x129: {  	[tilespmem:s3+$0xFFFFFF90] =	vst v17  }
0x12a: {  	[tilespmem:v18+s30+$0x0] =	vst.idx.msk $0xffff, v19  }
0x12b: {  	v17 =	vld [tilespmem:s19+$0x20];
	_ =	sdelay $0x1  }
0x12c: {  	v18 =	vadd.s32 v3, v16;
	_ =	sdelay $0x2  }
0x12d: {  	v19 =	vsub.f32 $0.0e+00, v17  }
0x12e: {  	[tilespmem:s3+$0xFFFFFFA0] =	vst v17  }
0x12f: {  	[tilespmem:v18+s30+$0x0] =	vst.idx.msk $0xffff, v19  }
0x130: {  	v17 =	vld [tilespmem:s19+$0x30];
	_ =	sdelay $0x1  }
0x131: {  	v18 =	vadd.s32 v4, v16;
	_ =	sdelay $0x2  }
0x132: {  	v19 =	vsub.f32 $0.0e+00, v17  }
0x133: {  	[tilespmem:s3+$0xFFFFFFB0] =	vst v17  }
0x134: {  	[tilespmem:v18+s30+$0x0] =	vst.idx.msk $0xffff, v19  }
0x135: {  	v17 =	vld [tilespmem:s19+$0x40];
	_ =	sdelay $0x1  }
0x136: {  	v18 =	vadd.s32 v5, v16;
	_ =	sdelay $0x2  }
0x137: {  	v19 =	vsub.f32 $0.0e+00, v17  }
0x138: {  	[tilespmem:s3+$0xFFFFFFC0] =	vst v17  }
0x139: {  	[tilespmem:v18+s30+$0x0] =	vst.idx.msk $0xffff, v19  }
0x13a: {  	v17 =	vld [tilespmem:s19+$0x50];
	_ =	sdelay $0x1  }
0x13b: {  	v18 =	vadd.s32 v6, v16;
	_ =	sdelay $0x2  }
0x13c: {  	v19 =	vsub.f32 $0.0e+00, v17  }
0x13d: {  	[tilespmem:s3+$0xFFFFFFD0] =	vst v17  }
0x13e: {  	[tilespmem:v18+s30+$0x0] =	vst.idx.msk $0xffff, v19  }
0x13f: {  	v17 =	vld [tilespmem:s19+$0x60];
	_ =	sdelay $0x1  }
0x140: {  	v18 =	vadd.s32 v7, v16;
	_ =	sdelay $0x2  }
0x141: {  	v19 =	vsub.f32 $0.0e+00, v17  }
0x142: {  	[tilespmem:s3+$0xFFFFFFE0] =	vst v17  }
0x143: {  	[tilespmem:v18+s30+$0x0] =	vst.idx.msk $0xffff, v19  }
0x144: {  	v17 =	vld [tilespmem:s19+$0x70];
	_ =	sdelay $0x1  }
0x145: {  	v16 =	vadd.s32 v8, v16;
	_ =	sdelay $0x1  }
0x146: {  	s15 =	sand.u32 $0xFFFFFFE0, s16  }
0x147: {  	s15 =	sor.u32 s17, s15;
	v18 =	vsub.f32 $0.0e+00, v17  }
0x148: {  	s15 =	sshra.s32 s15, $0x2;
	[tilespmem:s3+$0xFFFFFFF0] =	vst v17  }
0x149: {  	s17 =	sadd.s32 $0x1, s31;
	s31 =	smov.u32 s18;
	s16 =	sadd.s32 s15, s0;
	[tilespmem:v16+s30+$0x0] =	vst.idx.msk $0xffff, v18  }
0x14a: {  	v16 =	vmov s17;
	v17 =	vld [tilespmem:s16+$0x88]  }
0x14b: {  	v16 =	vand.u32 $0x7F, v16  }
0x14c: {  	v18 =	vadd.s32 v1, v16;
	_ =	sdelay $0x2  }
0x14d: {  	[tilespmem:s3+$0x0] =	vst v17;
	v17 =	vsub.f32 $0.0e+00, v17;
	_ =	sdelay $0x1  }
0x14e: {  	[tilespmem:v18+s30+$0x0] =	vst.idx.msk $0xffff, v17  }
0x14f: {  	v17 =	vld [tilespmem:s16+$0x98];
	_ =	sdelay $0x1  }
0x150: {  	v18 =	vadd.s32 v2, v16;
	_ =	sdelay $0x2  }
0x151: {  	[tilespmem:s3+$0x10] =	vst v17;
	v17 =	vsub.f32 $0.0e+00, v17;
	_ =	sdelay $0x1  }
0x152: {  	[tilespmem:v18+s30+$0x0] =	vst.idx.msk $0xffff, v17  }
0x153: {  	v17 =	vld [tilespmem:s16+$0xA8];
	_ =	sdelay $0x1  }
0x154: {  	v18 =	vadd.s32 v3, v16;
	_ =	sdelay $0x2  }
0x155: {  	[tilespmem:s3+$0x20] =	vst v17;
	v17 =	vsub.f32 $0.0e+00, v17;
	_ =	sdelay $0x1  }
0x156: {  	[tilespmem:v18+s30+$0x0] =	vst.idx.msk $0xffff, v17  }
0x157: {  	v17 =	vld [tilespmem:s16+$0xB8];
	_ =	sdelay $0x1  }
0x158: {  	v18 =	vadd.s32 v4, v16;
	_ =	sdelay $0x2  }
0x159: {  	[tilespmem:s3+$0x30] =	vst v17;
	v17 =	vsub.f32 $0.0e+00, v17;
	_ =	sdelay $0x1  }
0x15a: {  	[tilespmem:v18+s30+$0x0] =	vst.idx.msk $0xffff, v17  }
0x15b: {  	v17 =	vld [tilespmem:s16+$0xC8];
	_ =	sdelay $0x1  }
0x15c: {  	v18 =	vadd.s32 v5, v16;
	_ =	sdelay $0x2  }
0x15d: {  	[tilespmem:s3+$0x40] =	vst v17;
	v17 =	vsub.f32 $0.0e+00, v17;
	_ =	sdelay $0x1  }
0x15e: {  	[tilespmem:v18+s30+$0x0] =	vst.idx.msk $0xffff, v17  }
0x15f: {  	v17 =	vld [tilespmem:s16+$0xD8];
	_ =	sdelay $0x1  }
0x160: {  	v18 =	vadd.s32 v6, v16;
	_ =	sdelay $0x2  }
0x161: {  	[tilespmem:s3+$0x50] =	vst v17;
	v17 =	vsub.f32 $0.0e+00, v17;
	_ =	sdelay $0x1  }
0x162: {  	[tilespmem:v18+s30+$0x0] =	vst.idx.msk $0xffff, v17  }
0x163: {  	v17 =	vld [tilespmem:s16+$0xE8];
	_ =	sdelay $0x1  }
0x164: {  	s15 =	sadd.s32 s31, s26;
	v18 =	vadd.s32 v7, v16  }
0x165: {  	s18 =	sadd.s32 $0x1, s15;
	s17 =	sadd.s32 $0xFFFFFFFF, s15  }
0x166: {  	s17 =	smul.u32 s15, s17  }
0x167: {  	s2 =	sadd.s32 $0x1FFC, s2;
	s15 =	smul.u32 s18, s15;
	[tilespmem:s3+$0x60] =	vst v17;
	v17 =	vsub.f32 $0.0e+00, v17  }
0x168: {  	s12 =	sadd.s32 $0x4, s12;
	s14 =	sadd.s32 $0x4, s14;
	s17 =	sshra.s32 s17, $0x1  }
0x169: {  	s13 =	sadd.s32 $0x1FFC, s13;
	s15 =	sshra.s32 s15, $0x1;
	s18 =	ssub.s32 s12, s17;
	[tilespmem:v18+s30+$0x0] =	vst.idx.msk $0xffff, v17  }
0x16a: {  	s17 =	ssub.s32 s13, s17;
	s19 =	ssub.s32 s14, s15;
	s18 =	sand.u32 $0x7, s18;
	v17 =	vld [tilespmem:s16+$0xF8]  }
0x16b: {  	s15 =	ssub.s32 s2, s15;
	s19 =	sand.u32 $0x7, s19;
	p4 =	sgt.s32 s17, s18  }
.Ltmp5:
0x16c: {  	s18 =	smov.u32 @p4 s17;
	p4 =	sgt.s32 s15, s19;
	v16 =	vadd.s32 v8, v16;
	(pc) =	sbr.rel @p3 .LBB2_9-.Ltmp5, $4  }
0x16d: {  	s17 =	sand.u32 $0x7, s18;
	s19 =	smov.u32 @p4 s15;
	s16 =	sshll.u32 s18, $0x2  }
0x16e: {  	s17 =	sshll.u32 s17, $0x2;
	s15 =	sand.u32 $0xFFFFFFE0, s16;
	s16 =	sshll.u32 s19, $0x2  }
0x16f: {  	s0 =	sadd.s32 $0x110, s0;
	s15 =	sor.u32 s17, s15;
	s17 =	sand.u32 $0x7, s19;
	[tilespmem:s3+$0x70] =	vst v17;
	v17 =	vsub.f32 $0.0e+00, v17  }
0x170: {  	s18 =	sshra.s32 s15, $0x2;
	s17 =	sshll.u32 s17, $0x2;
	s15 =	smov.u32 s20  }
0x171: {  	_ =	sdelay $0x3  }
0x172: {  	s12 =	sadd.s32 s18, s0;
	[tilespmem:v16+s30+$0x0] =	vst.idx.msk $0xffff, v17  }
0x173: {  	v16 =	vmov s31;
	v17 =	vld [tilespmem:s12+$0x0]  }
0x174: {  	v16 =	vand.u32 $0x7E, v16  }
0x175: {  	v18 =	vadd.s32 v1, v16;
	_ =	sdelay $0x2  }
0x176: {  	s2 =	sadd.s32 $0x100, s3;
	v19 =	vsub.f32 $0.0e+00, v17  }
0x177: {  	[tilespmem:s2+$0xFFFFFF80] =	vst v17  }
0x178: {  	[tilespmem:v18+s30+$0x0] =	vst.idx.msk $0xffff, v19  }
0x179: {  	v17 =	vld [tilespmem:s12+$0x10];
	_ =	sdelay $0x1  }
0x17a: {  	v36 =	vadd.s32 v2, v16;
	_ =	sdelay $0x2  }
0x17b: {  	v37 =	vsub.f32 $0.0e+00, v17  }
0x17c: {  	[tilespmem:s2+$0xFFFFFF90] =	vst v17  }
0x17d: {  	[tilespmem:v36+s30+$0x0] =	vst.idx.msk $0xffff, v37  }
0x17e: {  	v17 =	vld [tilespmem:s12+$0x20];
	_ =	sdelay $0x1  }
0x17f: {  	v38 =	vadd.s32 v3, v16;
	_ =	sdelay $0x2  }
0x180: {  	v39 =	vsub.f32 $0.0e+00, v17  }
0x181: {  	[tilespmem:s2+$0xFFFFFFA0] =	vst v17  }
0x182: {  	[tilespmem:v38+s30+$0x0] =	vst.idx.msk $0xffff, v39  }
0x183: {  	v17 =	vld [tilespmem:s12+$0x30];
	_ =	sdelay $0x1  }
0x184: {  	v40 =	vadd.s32 v4, v16;
	_ =	sdelay $0x2  }
0x185: {  	v41 =	vsub.f32 $0.0e+00, v17  }
0x186: {  	[tilespmem:s2+$0xFFFFFFB0] =	vst v17  }
0x187: {  	[tilespmem:v40+s30+$0x0] =	vst.idx.msk $0xffff, v41  }
0x188: {  	v17 =	vld [tilespmem:s12+$0x40];
	_ =	sdelay $0x1  }
0x189: {  	v42 =	vadd.s32 v5, v16;
	_ =	sdelay $0x2  }
0x18a: {  	v43 =	vsub.f32 $0.0e+00, v17  }
0x18b: {  	[tilespmem:s2+$0xFFFFFFC0] =	vst v17  }
0x18c: {  	[tilespmem:v42+s30+$0x0] =	vst.idx.msk $0xffff, v43  }
0x18d: {  	v17 =	vld [tilespmem:s12+$0x50];
	_ =	sdelay $0x1  }
0x18e: {  	v44 =	vadd.s32 v6, v16;
	_ =	sdelay $0x2  }
0x18f: {  	v45 =	vsub.f32 $0.0e+00, v17  }
0x190: {  	[tilespmem:s2+$0xFFFFFFD0] =	vst v17  }
0x191: {  	[tilespmem:v44+s30+$0x0] =	vst.idx.msk $0xffff, v45  }
0x192: {  	v17 =	vld [tilespmem:s12+$0x60];
	_ =	sdelay $0x1  }
0x193: {  	v46 =	vadd.s32 v7, v16;
	_ =	sdelay $0x2  }
0x194: {  	v47 =	vsub.f32 $0.0e+00, v17  }
0x195: {  	[tilespmem:s2+$0xFFFFFFE0] =	vst v17  }
0x196: {  	[tilespmem:v46+s30+$0x0] =	vst.idx.msk $0xffff, v47  }
0x197: {  	v17 =	vld [tilespmem:s12+$0x70];
	_ =	sdelay $0x1  }
0x198: {  	v16 =	vadd.s32 v8, v16;
	_ =	sdelay $0x1  }
0x199: {  	s16 =	sand.u32 $0xFFFFFFE0, s16  }
0x19a: {  	s3 =	sor.u32 s17, s16;
	v48 =	vsub.f32 $0.0e+00, v17  }
0x19b: {  	s3 =	sshra.s32 s3, $0x2;
	[tilespmem:s2+$0xFFFFFFF0] =	vst v17  }
0x19c: {  	s17 =	sadd.s32 $0x1, s31;
	s18 =	sadd.s32 s3, s0;
	[tilespmem:v16+s30+$0x0] =	vst.idx.msk $0xffff, v48  }
0x19d: {  	v16 =	vmov s17;
	v17 =	vld [tilespmem:s18+$0x88]  }
0x19e: {  	v16 =	vand.u32 $0x7F, v16  }
0x19f: {  	v49 =	vadd.s32 v1, v16;
	_ =	sdelay $0x2  }
0x1a0: {  	v50 =	vsub.f32 $0.0e+00, v17  }
0x1a1: {  	[tilespmem:s2+$0x0] =	vst v17  }
0x1a2: {  	[tilespmem:v49+s30+$0x0] =	vst.idx.msk $0xffff, v50  }
0x1a3: {  	v17 =	vld [tilespmem:s18+$0x98];
	_ =	sdelay $0x1  }
0x1a4: {  	v51 =	vadd.s32 v2, v16;
	_ =	sdelay $0x2  }
0x1a5: {  	v52 =	vsub.f32 $0.0e+00, v17  }
0x1a6: {  	[tilespmem:s2+$0x10] =	vst v17  }
0x1a7: {  	[tilespmem:v51+s30+$0x0] =	vst.idx.msk $0xffff, v52  }
0x1a8: {  	v17 =	vld [tilespmem:s18+$0xA8];
	_ =	sdelay $0x1  }
0x1a9: {  	v53 =	vadd.s32 v3, v16;
	_ =	sdelay $0x2  }
0x1aa: {  	v54 =	vsub.f32 $0.0e+00, v17  }
0x1ab: {  	[tilespmem:s2+$0x20] =	vst v17  }
0x1ac: {  	[tilespmem:v53+s30+$0x0] =	vst.idx.msk $0xffff, v54  }
0x1ad: {  	v17 =	vld [tilespmem:s18+$0xB8];
	_ =	sdelay $0x1  }
0x1ae: {  	v55 =	vadd.s32 v4, v16;
	_ =	sdelay $0x2  }
0x1af: {  	v56 =	vsub.f32 $0.0e+00, v17  }
0x1b0: {  	[tilespmem:s2+$0x30] =	vst v17  }
0x1b1: {  	[tilespmem:v55+s30+$0x0] =	vst.idx.msk $0xffff, v56  }
0x1b2: {  	v17 =	vld [tilespmem:s18+$0xC8];
	_ =	sdelay $0x1  }
0x1b3: {  	v57 =	vadd.s32 v5, v16;
	_ =	sdelay $0x2  }
0x1b4: {  	v58 =	vsub.f32 $0.0e+00, v17  }
0x1b5: {  	[tilespmem:s2+$0x40] =	vst v17  }
0x1b6: {  	[tilespmem:v57+s30+$0x0] =	vst.idx.msk $0xffff, v58  }
0x1b7: {  	v17 =	vld [tilespmem:s18+$0xD8];
	_ =	sdelay $0x1  }
0x1b8: {  	v59 =	vadd.s32 v6, v16;
	_ =	sdelay $0x2  }
0x1b9: {  	v60 =	vsub.f32 $0.0e+00, v17  }
0x1ba: {  	[tilespmem:s2+$0x50] =	vst v17  }
0x1bb: {  	[tilespmem:v59+s30+$0x0] =	vst.idx.msk $0xffff, v60  }
0x1bc: {  	v17 =	vld [tilespmem:s18+$0xE8];
	_ =	sdelay $0x1  }
0x1bd: {  	v61 =	vadd.s32 v7, v16;
	_ =	sdelay $0x2  }
0x1be: {  	v62 =	vsub.f32 $0.0e+00, v17  }
0x1bf: {  	[tilespmem:s2+$0x60] =	vst v17  }
0x1c0: {  	[tilespmem:v61+s30+$0x0] =	vst.idx.msk $0xffff, v62  }
0x1c1: {  	v17 =	vld [tilespmem:s18+$0xF8];
	_ =	sdelay $0x1  }
0x1c2: {  	v16 =	vadd.s32 v8, v16;
	_ =	sdelay $0x1  }
0x1c3: {  	s19 =	sshll.u32 s11, $0x13  }
0x1c4: {  	s0 =	sadd.s32 s19, s23;
	v63 =	vsub.f32 $0.0e+00, v17  }
0x1c5: {  	s20 =	simm.s32 $0x80;
	s6 =	simm.s32 $0x8C20;
	s0 =	sshrl.u32 s0, $0x3;
	[tilespmem:s2+$0x70] =	vst v17  }
0x1c6: {  	s31 =	sshll.u32 s22, $0x13;
	s23 =	simm.s32 $0x1000;
	s0 =	sadd.s32 s29, s0;
	[tilespmem:v16+s30+$0x0] =	vst.idx.msk $0xffff, v63  }
0x1c7: {  	[hbm4b:s0+s20] =	stream.strided.scatter [tilespmem:s6], [sflag:$0x3], $0x4000, s23, s20, $0x38;
	[tilespmem:$0x19420] =	vst v63  }
0x1c8: {  	s0 =	sadd.s32 s26, s31  }
0x1c9: {  	s0 =	sshrl.u32 s0, $0x3  }
0x1ca: {  	s11 =	simm.s32 $0x10CA8;
	s0 =	sadd.s32 s29, s0  }
0x1cb: {  	s3 =	simm.s32 $0x200;
	s2 =	simm.s32 $0x10C20;
	s12 =	sadd.s32 $0x0, s0  }
.LBB2_11:
0x1cc: {  	[hbm4b:s12+s4] =	stream.linear.scatter [tilespmem:s2], [sflag:$0x3], $0x80, $0x38;
	[tilespmem:$0x19420] =	vst v63  }
0x1cd: {  	s12 =	smov.u32 s3;
	s2 =	smov.u32 s11;
	p3 =	sne.s32 s3, $0xFE00  }
.Ltmp6:
0x1ce: {  	s3 =	sadd.s32 $0x200, s3;
	(pc) =	sbr.rel @p3 .LBB2_11-.Ltmp6, $2  }
0x1cf: {  	_ =	sdelay $0x2  }
0x1d0: {  	s11 =	sadd.s32 $0x88, s11;
	s12 =	sadd.s32 s12, s0  }
0x1d1: {  	s0 =	sadd.s32 $0x2, s5  }
0x1d2: {  	p3 =	sne.s32 s0, $0x10  }
.Ltmp7:
0x1d3: {  	_ = 	snop;
	(pc) =	sbr.rel @p3 .LBB2_16-.Ltmp7, $2  }
0x1d4: {  	_ =	sdelay $0x2  }
0x1d5: {  	[hbm4b:s12+s4] =	stream.linear.scatter [tilespmem:s2], [sflag:$0x3], $0x80, $0x38;
	[tilespmem:$0x19420] =	vst v63  }
0x1d6: {  	[dreg:$0x1a] =	wrdreg s25  }
0x1d7: {  	s21 =	rddreg [dreg:$0x12]  }
0x1d8: {  	s6 =	rddreg [dreg:$0x13]  }
0x1d9: {  	s7 =	rddreg [dreg:$0x14]  }
0x1da: {  	s20 =	rddreg [dreg:$0xf]  }
0x1db: {  	s23 =	rddreg [dreg:$0x10]  }
0x1dc: {  	s2 =	simm.s32 $0x5B8;
	s26 =	rddreg [dreg:$0x11]  }
0x1dd: {  	s3 =	simm.s32 $0x530;
	s5 =	simm.s32 $0x0;
	s25 =	rddreg [dreg:$0xe]  }
0x1de: {  	s13 =	sadd.s32 $0xFFFFFFFC, s10;
	s16 =	simm.s32 $0x7D8;
	s29 =	rddreg [dreg:$0xc]  }
0x1df: {  	s31 =	simm.s32 $0x420;
	s11 =	sadd.s32 s6, s21;
	s12 =	sadd.s32 $0x3FF8, s7  }
0x1e0: {  	s14 =	sadd.s32 $0x4, s13;
	s15 =	sadd.s32 $0x3, s13;
	s13 =	sadd.s32 $0x20, s6  }
0x1e1: {  	s17 =	sadd.s32 $0x3FF8, s25;
	s22 =	sadd.s32 $0x20, s23;
	s19 =	sadd.s32 s7, s9  }
0x1e2: {  	s7 =	rddreg [dreg:$0xd];
	s21 =	sshrl.u32 s21, $0x1;
	s18 =	smul.u32 s14, s15  }
0x1e3: {  	s6 =	rddreg [dreg:$0xb];
	s14 =	sadd.s32 s23, s20;
	s15 =	sadd.s32 $0x3FF8, s26  }
0x1e4: {  	s23 =	sadd.s32 s7, s29;
	s20 =	sshrl.u32 s20, $0x1;
	s18 =	sshra.s32 s18, $0x1  }
0x1e5: {  	s29 =	sshrl.u32 s29, $0x1;
	s21 =	ssub.s32 s26, s21;
	s18 =	ssub.s32 s19, s18  }
0x1e6: {  	s21 =	sadd.s32 s21, s9;
	s20 =	ssub.s32 s25, s20;
	p3 =	sgt.s32 s18, $0x0  }
0x1e7: {  	s20 =	sadd.s32 s20, s9;
	s19 =	ssub.s32 s6, s29;
	s18 =	simm.s32 @!p3 $0x0  }
0x1e8: {  	s19 =	sadd.s32 s19, s9;
	p3 =	sgt.s32 s21, $0x0;
	s18 =	sand.u32 $0x7FFFFFF8, s18  }
0x1e9: {  	s21 =	simm.s32 @!p3 $0x0;
	p3 =	sgt.s32 s20, $0x0;
	s18 =	smin.u32 s18, $0x7FF778  }
0x1ea: {  	s21 =	sand.u32 $0x7FFFFFF8, s21;
	s20 =	simm.s32 @!p3 $0x0;
	p3 =	sgt.s32 s19, $0x0  }
0x1eb: {  	s18 =	sshrl.u32 s18, $0x3;
	s25 =	smin.u32 s21, $0x7FF778;
	s29 =	sand.u32 $0x7FFFFFF8, s20  }
0x1ec: {  	s19 =	simm.s32 @!p3 $0x0;
	s26 =	sadd.s32 s1, s18;
	s18 =	sshrl.u32 s25, $0x3  }
0x1ed: {  	s21 =	smin.u32 s29, $0x7FF778;
	s19 =	sand.u32 $0x7FFFFFF8, s19;
	s20 =	sadd.s32 s1, s18  }
0x1ee: {  	[tilespmem:s31], [sflag:$0x1] =	stream.linear.gather [hbm4b:s26+s4], $0x88, $0x38;
	[tilespmem:$0x19420] =	vst v63  }
0x1ef: {  	s18 =	sadd.s32 $0x20, s7;
	s31 =	simm.s32 $0x4A8;
	s21 =	sshrl.u32 s21, $0x3  }
0x1f0: {  	s26 =	sadd.s32 s1, s21;
	s21 =	smin.u32 s19, $0x7FF778;
	s19 =	sadd.s32 $0x3FF8, s6  }
.LBB2_14:
0x1f1: {  	[tilespmem:s31], [sflag:$0x1] =	stream.linear.gather [hbm4b:s20+s4], $0x88, $0x38;
	[tilespmem:$0x19420] =	vst v63  }
0x1f2: {  	s20 =	smov.u32 s5;
	s31 =	smov.u32 s11;
	s29 =	smov.u32 s12  }
0x1f3: {  	s6 =	sadd.s32 $0xFFFFFF78, s16;
	s5 =	sadd.s32 $0x4, s5;
	s21 =	sshrl.u32 s21, $0x3  }
0x1f4: {  	[tilespmem:s3], [sflag:$0x1] =	stream.linear.gather [hbm4b:s26+s4], $0x88, $0x38;
	[tilespmem:$0x19420] =	vst v63  }
0x1f5: {  	p3 =	slt.u32 s5, $0x7C;
	s21 =	sadd.s32 s1, s21;
	s3 =	smov.u32 s6  }
0x1f6: {  	[tilespmem:s2], [sflag:$0x1] =	stream.linear.gather [hbm4b:s21+s4], $0x88, $0x38;
	[tilespmem:$0x19420] =	vst v63  }
0x1f7: {  	s6 =	smov.u32 s14;
	s21 =	smov.u32 s15;
	s2 =	smov.u32 s16  }
0x1f8: {  	s7 =	smov.u32 s23;
	s11 =	sadd.s32 s13, s11;
	s26 =	smov.u32 s17  }
0x1f9: {  	s12 =	sadd.s32 $0x3FF8, s12;
	s13 =	sadd.s32 $0x20, s13;
	s20 =	sadd.s32 s20, s10  }
0x1fa: {  	s23 =	sadd.s32 s18, s23;
	s25 =	sadd.s32 $0x4, s20;
	s20 =	sadd.s32 $0x3, s20  }
0x1fb: {  	s14 =	sadd.s32 s22, s14;
	s20 =	smul.u32 s25, s20;
	s15 =	sadd.s32 $0x3FF8, s15  }
0x1fc: {  	s17 =	sadd.s32 $0x3FF8, s17;
	s22 =	sadd.s32 $0x20, s22;
	s16 =	sadd.s32 $0x220, s16  }
0x1fd: {  	s7 =	sshrl.u32 s7, $0x1;
	s25 =	sadd.s32 s29, s9;
	s20 =	sshra.s32 s20, $0x1  }
0x1fe: {  	s6 =	sshrl.u32 s6, $0x1;
	s29 =	sshrl.u32 s31, $0x1;
	s20 =	ssub.s32 s25, s20  }
0x1ff: {  	s7 =	ssub.s32 s19, s7;
	s21 =	ssub.s32 s21, s29;
	p4 =	sgt.s32 s20, $0x0  }
0x200: {  	s7 =	sadd.s32 s7, s9;
	s21 =	sadd.s32 s21, s9;
	s20 =	simm.s32 @!p4 $0x0  }
0x201: {  	s6 =	ssub.s32 s26, s6;
	p4 =	sgt.s32 s21, $0x0;
	s20 =	sand.u32 $0x7FFFFFF8, s20  }
0x202: {  	s6 =	sadd.s32 s6, s9;
	s21 =	simm.s32 @!p4 $0x0;
	s20 =	smin.u32 s20, $0x7FF778  }
0x203: {  	p4 =	sgt.s32 s6, $0x0;
	s21 =	sand.u32 $0x7FFFFFF8, s21;
	s20 =	sshrl.u32 s20, $0x3  }
0x204: {  	s6 =	simm.s32 @!p4 $0x0;
	s25 =	sadd.s32 s1, s20;
	s20 =	smin.u32 s21, $0x7FF778  }
0x205: {  	p4 =	sgt.s32 s7, $0x0;
	s6 =	sand.u32 $0x7FFFFFF8, s6;
	s20 =	sshrl.u32 s20, $0x3  }
.Ltmp8:
0x206: {  	s6 =	smin.u32 s6, $0x7FF778;
	s20 =	sadd.s32 s1, s20;
	(pc) =	sbr.rel @p3 .LBB2_14-.Ltmp8, $4  }
0x207: {  	s18 =	sadd.s32 $0x20, s18;
	s7 =	simm.s32 @!p4 $0x0;
	s21 =	sadd.s32 $0xFFFFFE68, s2  }
0x208: {  	s31 =	sadd.s32 $0xFFFFFEF0, s2;
	s7 =	sand.u32 $0x7FFFFFF8, s7;
	s6 =	sshrl.u32 s6, $0x3  }
0x209: {  	[tilespmem:s21], [sflag:$0x1] =	stream.linear.gather [hbm4b:s25+s4], $0x88, $0x38;
	[tilespmem:$0x19420] =	vst v63  }
0x20a: {  	s19 =	sadd.s32 $0x3FF8, s19;
	s26 =	sadd.s32 s1, s6;
	s21 =	smin.u32 s7, $0x7FF778  }
0x20b: {  	[tilespmem:s31], [sflag:$0x1] =	stream.linear.gather [hbm4b:s20+s4], $0x88, $0x38;
	[tilespmem:$0x19420] =	vst v63  }
0x20c: {  	s5 =	sshrl.u32 s21, $0x3;
	s21 =	rddreg [dreg:$0x8]  }
0x20d: {  	s29 =	rddreg [dreg:$0x9]  }
0x20e: {  	[tilespmem:s3], [sflag:$0x1] =	stream.linear.gather [hbm4b:s26+s4], $0x88, $0x38;
	[tilespmem:$0x19420] =	vst v63  }
0x20f: {  	s25 =	rddreg [dreg:$0x1a];
	s31 =	sadd.s32 s1, s5  }
0x210: {  	[tilespmem:s2], [sflag:$0x1] =	stream.linear.gather [hbm4b:s31+s4], $0x88, $0x38;
	[tilespmem:$0x19420] =	vst v63  }
.LBB2_16:
0x211: {  	p3 =	seq.s32 s24, $0x7  }
0x212: {  	s0 =	sshll.u32 @!p3 s0, $0x5  }
0x213: {  	s0 =	sor.u32 @!p3 s21, s0  }
0x214: {  	p4 =	sgt.u32 @!p3 s0, $0x1EF  }
0x215: {  	p3 =	por p3, p4  }
.Ltmp9:
0x216: {  	_ = 	snop;
	(pc) =	sbr.rel @p3 .LBB2_20-.Ltmp9, $1  }
0x217: {  	_ =	sdelay $0x3  }
0x218: {  	v16 =	vld [tilespmem:s0+$0x0];
	_ =	sdelay $0x4  }
0x219: {  	(v2sf) =	vpush v16, $0x0;
	v16 =	vld [tilespmem:s0+$0x210];
	_ =	sdelay $0x4  }
0x21a: {  	(v2sf) =	vpush v16, $0x0;
	_ =	sdelay $0x9  }
0x21b: {  	s23 =	spop (v2sf)  }
0x21c: {  	s2 =	sshll.u32 s23, $0x7  }
0x21d: {  	[dreg:$0x6] =	wrdreg s2  }
0x21e: {  	s2 =	rddreg [dreg:$0x6]  }
0x21f: {  	s0 =	smul.u32 $0x7FF00, s23;
	s3 =	sadd.s32 $0xFFFFFFFC, s2  }
0x220: {  	s6 =	spop (v2sf);
	s5 =	sadd.s32 $0x4, s3;
	s2 =	sadd.s32 $0x3, s3  }
0x221: {  	s6 =	sshll.u32 s6, $0x7;
	s7 =	smul.u32 s5, s2  }
0x222: {  	s0 =	sadd.s32 s6, s0  }
0x223: {  	s2 =	sadd.s32 $0x2FF9, s0;
	s26 =	sshra.s32 s7, $0x1  }
0x224: {  	s0 =	ssub.s32 s2, s26  }
0x225: {  	s0 =	sadd.s32 $0xFFFFD006, s0  }
0x226: {  	s0 =	sand.u32 $0xFFFFFFF8, s0  }
0x227: {  	p3 =	slt.s32 s0, $0x7FF778  }
0x228: {  	s0 =	simm.s32 @!p3 $0x7FF778  }
0x229: {  	s0 =	sshrl.u32 s0, $0x3  }
0x22a: {  	s31 =	simm.s32 $0x420;
	s0 =	sadd.s32 s1, s0  }
0x22b: {  	[tilespmem:s31], [sflag:$0x1] =	stream.linear.gather [hbm4b:s0+s4], $0x88, $0x38;
	[tilespmem:$0x19420] =	vst v63  }
0x22c: {  	s11 =	simm.s32 $0x0;
	s0 =	simm.s32 $0x5B8  }
.LBB2_18:
0x22d: {  	s6 =	rddreg [dreg:$0x6];
	s12 =	sadd.s32 $0x6, s3;
	s13 =	sadd.s32 $0x7, s3  }
0x22e: {  	s7 =	smov.u32 s2;
	s14 =	sadd.s32 $0x5, s3;
	s13 =	smul.u32 s13, s12  }
0x22f: {  	s2 =	sadd.s32 $0x3FF8, s2;
	s15 =	sadd.s32 $0xFFFFFEF0, s0;
	s19 =	smul.u32 s12, s14  }
0x230: {  	s16 =	sadd.s32 $0xFFFFFF78, s0;
	s3 =	sadd.s32 s11, s6;
	s14 =	smul.u32 s14, s5  }
0x231: {  	s11 =	sadd.s32 $0x4, s11;
	s20 =	sadd.s32 $0x3, s3;
	s5 =	sadd.s32 $0x4, s3  }
0x232: {  	s12 =	smul.u32 s5, s20;
	s14 =	sshra.s32 s14, $0x1;
	s13 =	sshra.s32 s13, $0x1  }
0x233: {  	s6 =	sshra.s32 s19, $0x1;
	s14 =	ssub.s32 s7, s14;
	s13 =	ssub.s32 s7, s13  }
0x234: {  	s6 =	ssub.s32 s7, s6;
	s12 =	sshra.s32 s12, $0x1;
	s14 =	sadd.s32 $0xFFFFE004, s14  }
0x235: {  	s6 =	sadd.s32 $0xFFFFF002, s6;
	s13 =	sand.u32 $0xFFFFFFF8, s13;
	s12 =	ssub.s32 s2, s12  }
0x236: {  	s7 =	sand.u32 $0xFFFFFFF8, s14;
	s6 =	sand.u32 $0xFFFFFFF8, s6;
	p4 =	slt.s32 s13, $0x7FF778  }
0x237: {  	s12 =	sadd.s32 $0xFFFFD006, s12;
	p3 =	slt.s32 s7, $0x7FF778;
	s13 =	simm.s32 @!p4 $0x7FF778  }
0x238: {  	s7 =	simm.s32 @!p3 $0x7FF778;
	p3 =	slt.s32 s6, $0x7FF778;
	s12 =	sand.u32 $0xFFFFFFF8, s12  }
0x239: {  	s22 =	sshrl.u32 s13, $0x3;
	s7 =	sshrl.u32 s7, $0x3;
	s6 =	simm.s32 @!p3 $0x7FF778  }
0x23a: {  	p3 =	slt.s32 s12, $0x7FF778;
	s7 =	sadd.s32 s1, s7;
	s6 =	sshrl.u32 s6, $0x3  }
0x23b: {  	[tilespmem:s15], [sflag:$0x1] =	stream.linear.gather [hbm4b:s7+s4], $0x88, $0x38;
	[tilespmem:$0x19420] =	vst v63  }
0x23c: {  	s12 =	simm.s32 @!p3 $0x7FF778;
	p3 =	slt.u32 s11, $0x7C;
	s6 =	sadd.s32 s1, s6  }
0x23d: {  	[tilespmem:s16], [sflag:$0x1] =	stream.linear.gather [hbm4b:s6+s4], $0x88, $0x38;
	[tilespmem:$0x19420] =	vst v63  }
.Ltmp10:
0x23e: {  	s23 =	sadd.s32 s1, s22;
	(pc) =	sbr.rel @p3 .LBB2_18-.Ltmp10, $4  }
0x23f: {  	[tilespmem:s0], [sflag:$0x1] =	stream.linear.gather [hbm4b:s23+s4], $0x88, $0x38;
	[tilespmem:$0x19420] =	vst v63  }
0x240: {  	s26 =	sshrl.u32 s12, $0x3;
	s0 =	sadd.s32 $0x220, s0  }
0x241: {  	s6 =	sadd.s32 s1, s26;
	s31 =	sadd.s32 $0xFFFFFE68, s0  }
0x242: {  	[tilespmem:s31], [sflag:$0x1] =	stream.linear.gather [hbm4b:s6+s4], $0x88, $0x38;
	[tilespmem:$0x19420] =	vst v63  }
0x243: {  	s6 =	sadd.s32 $0x5, s3  }
0x244: {  	s7 =	sadd.s32 $0x6, s3;
	s5 =	smul.u32 s6, s5  }
0x245: {  	s6 =	smul.u32 s7, s6  }
0x246: {  	s22 =	sadd.s32 $0x7, s3;
	s5 =	sshra.s32 s5, $0x1  }
0x247: {  	s3 =	smul.u32 s22, s7;
	s6 =	sshra.s32 s6, $0x1;
	s5 =	ssub.s32 s2, s5  }
0x248: {  	s23 =	sadd.s32 $0xFFFFFEF0, s0;
	s6 =	ssub.s32 s2, s6;
	s5 =	sadd.s32 $0xFFFFE004, s5  }
0x249: {  	s3 =	sshra.s32 s3, $0x1;
	s6 =	sadd.s32 $0xFFFFF002, s6;
	s5 =	sand.u32 $0xFFFFFFF8, s5  }
0x24a: {  	s26 =	ssub.s32 s2, s3;
	s3 =	sand.u32 $0xFFFFFFF8, s6;
	p3 =	slt.s32 s5, $0x7FF778  }
0x24b: {  	s2 =	sand.u32 $0xFFFFFFF8, s26;
	s5 =	simm.s32 @!p3 $0x7FF778;
	p3 =	slt.s32 s3, $0x7FF778  }
0x24c: {  	p4 =	slt.s32 s2, $0x7FF778;
	s5 =	sshrl.u32 s5, $0x3;
	s3 =	simm.s32 @!p3 $0x7FF778  }
0x24d: {  	s2 =	simm.s32 @!p4 $0x7FF778;
	s5 =	sadd.s32 s1, s5;
	s3 =	sshrl.u32 s3, $0x3  }
0x24e: {  	[tilespmem:s23], [sflag:$0x1] =	stream.linear.gather [hbm4b:s5+s4], $0x88, $0x38;
	[tilespmem:$0x19420] =	vst v63  }
0x24f: {  	s31 =	sadd.s32 $0xFFFFFF78, s0;
	s2 =	sshrl.u32 s2, $0x3;
	s3 =	sadd.s32 s1, s3  }
0x250: {  	[tilespmem:s31], [sflag:$0x1] =	stream.linear.gather [hbm4b:s3+s4], $0x88, $0x38;
	[tilespmem:$0x19420] =	vst v63  }
0x251: {  	s2 =	sadd.s32 s1, s2  }
0x252: {  	[tilespmem:s0], [sflag:$0x1] =	stream.linear.gather [hbm4b:s2+s4], $0x88, $0x38;
	[tilespmem:$0x19420] =	vst v63  }
.LBB2_20:
.Ltmp11:
0x253: {  	(pc) =	sbr.rel @p1 .LBB2_26-.Ltmp11, $1  }
0x254: {  	_ =	sdelay $0x3  }
0x255: {  	s0 =	simm.s32 $0x2  }
0x256: {  	_ =	swait.ge [sflag:s0], $0x4400  }
0x257: {  	[sflag:s0] =	ssyncset.done $0x0  }
0x258: {  	[sflag:s0] =	ssyncadd.s32 $0xFFFFBC00;
	s0 =	simm.s32 @!p2 $0x4  }
0x259: {  	_ =	swait.ge @!p2 [sflag:s0], $0x4000  }
0x25a: {  	[sflag:s0] =	ssyncset.done @!p2 $0x0  }
0x25b: {  	[sflag:s0] =	ssyncadd.s32 @!p2 $0xFFFFC000  }
0x25c: {  	_ =	swait.ge @!p2 [sflag:s0], $0x4000  }
0x25d: {  	[sflag:s0] =	ssyncset.done @!p2 $0x0  }
0x25e: {  	[sflag:s0] =	ssyncadd.s32 @!p2 $0xFFFFC000  }
0x25f: {  	v16 =	vld [tilespmem:s25+$0x0];
	_ =	sdelay $0x3  }
0x260: {  	v17 =	vld [tilespmem:s25+$0x210]  }
0x261: {  	(v2sf) =	vpush v16, $0x0;
	_ =	sdelay $0x3  }
0x262: {  	(v2sf) =	vpush v17, $0x0;
	_ =	sdelay $0xa  }
0x263: {  	s11 =	spop (v2sf)  }
0x264: {  	s25 =	sshll.u32 s11, $0x7  }
0x265: {  	s2 =	sadd.s32 $0x0, s25  }
0x266: {  	s16 =	smul.u32 $0x7FF00, s11;
	s3 =	sadd.s32 $0xFFFFFFFF, s2  }
0x267: {  	s22 =	spop (v2sf);
	s3 =	smul.u32 s2, s3  }
0x268: {  	s23 =	sshll.u32 s22, $0x7  }
0x269: {  	s5 =	sadd.s32 s23, s16;
	s3 =	sshra.s32 s3, $0x1  }
0x26a: {  	s0 =	sadd.s32 $0xFF800887, s5;
	s6 =	ssub.s32 $0x7, s3  }
0x26b: {  	s3 =	ssub.s32 s0, s3;
	s6 =	sand.u32 $0x7, s6  }
0x26c: {  	p1 =	sgt.s32 s3, s6  }
0x26d: {  	s6 =	smov.u32 @p1 s3  }
0x26e: {  	s3 =	sshll.u32 s6, $0x2;
	s6 =	sand.u32 $0x7, s6  }
0x26f: {  	s3 =	sand.u32 $0xFFFFFFE0, s3;
	s6 =	sshll.u32 s6, $0x2  }
0x270: {  	s3 =	sor.u32 s6, s3  }
0x271: {  	s3 =	sshra.s32 s3, $0x2  }
0x272: {  	s17 =	simm.s32 $0x0;
	s7 =	sadd.s32 $0x4820, s3  }
0x273: {  	v16 =	vmov s17;
	v17 =	vld [tilespmem:s7+$0x0]  }
0x274: {  	v16 =	vand.u32 $0x7E, v16  }
0x275: {  	v18 =	vadd.s32 v1, v16;
	_ =	sdelay $0x2  }
0x276: {  	s3 =	simm.s32 $0xCCA0;
	v19 =	vsub.f32 $0.0e+00, v17  }
0x277: {  	[tilespmem:s3+$0xFFFFFF80] =	vst v17  }
0x278: {  	[tilespmem:v18+s28+$0x0] =	vst.idx.msk $0xffff, v19  }
0x279: {  	v17 =	vld [tilespmem:s7+$0x10];
	_ =	sdelay $0x1  }
0x27a: {  	v18 =	vadd.s32 v2, v16;
	_ =	sdelay $0x2  }
0x27b: {  	v19 =	vsub.f32 $0.0e+00, v17  }
0x27c: {  	[tilespmem:s3+$0xFFFFFF90] =	vst v17  }
0x27d: {  	[tilespmem:v18+s28+$0x0] =	vst.idx.msk $0xffff, v19  }
0x27e: {  	v17 =	vld [tilespmem:s7+$0x20];
	_ =	sdelay $0x1  }
0x27f: {  	v18 =	vadd.s32 v3, v16;
	_ =	sdelay $0x2  }
0x280: {  	v19 =	vsub.f32 $0.0e+00, v17  }
0x281: {  	[tilespmem:s3+$0xFFFFFFA0] =	vst v17  }
0x282: {  	[tilespmem:v18+s28+$0x0] =	vst.idx.msk $0xffff, v19  }
0x283: {  	v17 =	vld [tilespmem:s7+$0x30];
	_ =	sdelay $0x1  }
0x284: {  	v18 =	vadd.s32 v4, v16;
	_ =	sdelay $0x2  }
0x285: {  	v19 =	vsub.f32 $0.0e+00, v17  }
0x286: {  	[tilespmem:s3+$0xFFFFFFB0] =	vst v17  }
0x287: {  	[tilespmem:v18+s28+$0x0] =	vst.idx.msk $0xffff, v19  }
0x288: {  	v17 =	vld [tilespmem:s7+$0x40];
	_ =	sdelay $0x1  }
0x289: {  	v18 =	vadd.s32 v5, v16;
	_ =	sdelay $0x2  }
0x28a: {  	v19 =	vsub.f32 $0.0e+00, v17  }
0x28b: {  	[tilespmem:s3+$0xFFFFFFC0] =	vst v17  }
0x28c: {  	[tilespmem:v18+s28+$0x0] =	vst.idx.msk $0xffff, v19  }
0x28d: {  	v17 =	vld [tilespmem:s7+$0x50];
	_ =	sdelay $0x1  }
0x28e: {  	v18 =	vadd.s32 v6, v16;
	_ =	sdelay $0x2  }
0x28f: {  	v19 =	vsub.f32 $0.0e+00, v17  }
0x290: {  	[tilespmem:s3+$0xFFFFFFD0] =	vst v17  }
0x291: {  	[tilespmem:v18+s28+$0x0] =	vst.idx.msk $0xffff, v19  }
0x292: {  	v17 =	vld [tilespmem:s7+$0x60];
	_ =	sdelay $0x1  }
0x293: {  	v18 =	vadd.s32 v7, v16  }
0x294: {  	s18 =	sadd.s32 $0x1, s2  }
0x295: {  	s2 =	smul.u32 s18, s2  }
0x296: {  	v19 =	vsub.f32 $0.0e+00, v17  }
0x297: {  	s2 =	sshra.s32 s2, $0x1;
	[tilespmem:s3+$0xFFFFFFE0] =	vst v17  }
0x298: {  	s19 =	sadd.s32 $0xFF801885, s5;
	s20 =	ssub.s32 $0x5, s2;
	[tilespmem:v18+s28+$0x0] =	vst.idx.msk $0xffff, v19  }
0x299: {  	s2 =	ssub.s32 s19, s2;
	s5 =	sand.u32 $0x7, s20;
	v17 =	vld [tilespmem:s7+$0x70]  }
0x29a: {  	p1 =	sgt.s32 s2, s5  }
0x29b: {  	s5 =	smov.u32 @p1 s2;
	v16 =	vadd.s32 v8, v16  }
0x29c: {  	s2 =	sshll.u32 s5, $0x2;
	s5 =	sand.u32 $0x7, s5  }
0x29d: {  	s5 =	sshll.u32 s5, $0x2;
	s2 =	sand.u32 $0xFFFFFFE0, s2  }
0x29e: {  	s2 =	sor.u32 s5, s2;
	v18 =	vsub.f32 $0.0e+00, v17  }
0x29f: {  	s2 =	sshra.s32 s2, $0x2;
	[tilespmem:s3+$0xFFFFFFF0] =	vst v17  }
0x2a0: {  	s26 =	simm.s32 $0x1;
	s31 =	sadd.s32 $0x4820, s2;
	[tilespmem:v16+s28+$0x0] =	vst.idx.msk $0xffff, v18  }
0x2a1: {  	v16 =	vmov s26;
	v17 =	vld [tilespmem:s31+$0x88]  }
0x2a2: {  	v16 =	vand.u32 $0x7F, v16  }
0x2a3: {  	v18 =	vadd.s32 v1, v16;
	_ =	sdelay $0x2  }
0x2a4: {  	v19 =	vsub.f32 $0.0e+00, v17  }
0x2a5: {  	[tilespmem:s3+$0x0] =	vst v17  }
0x2a6: {  	[tilespmem:v18+s28+$0x0] =	vst.idx.msk $0xffff, v19  }
0x2a7: {  	v17 =	vld [tilespmem:s31+$0x98];
	_ =	sdelay $0x1  }
0x2a8: {  	v18 =	vadd.s32 v2, v16;
	_ =	sdelay $0x2  }
0x2a9: {  	v19 =	vsub.f32 $0.0e+00, v17  }
0x2aa: {  	[tilespmem:s3+$0x10] =	vst v17  }
0x2ab: {  	[tilespmem:v18+s28+$0x0] =	vst.idx.msk $0xffff, v19  }
0x2ac: {  	v17 =	vld [tilespmem:s31+$0xA8];
	_ =	sdelay $0x1  }
0x2ad: {  	v18 =	vadd.s32 v3, v16;
	_ =	sdelay $0x2  }
0x2ae: {  	v19 =	vsub.f32 $0.0e+00, v17  }
0x2af: {  	[tilespmem:s3+$0x20] =	vst v17  }
0x2b0: {  	[tilespmem:v18+s28+$0x0] =	vst.idx.msk $0xffff, v19  }
0x2b1: {  	v17 =	vld [tilespmem:s31+$0xB8];
	_ =	sdelay $0x1  }
0x2b2: {  	v18 =	vadd.s32 v4, v16;
	_ =	sdelay $0x2  }
0x2b3: {  	v19 =	vsub.f32 $0.0e+00, v17  }
0x2b4: {  	[tilespmem:s3+$0x30] =	vst v17  }
0x2b5: {  	[tilespmem:v18+s28+$0x0] =	vst.idx.msk $0xffff, v19  }
0x2b6: {  	v17 =	vld [tilespmem:s31+$0xC8];
	_ =	sdelay $0x1  }
0x2b7: {  	v18 =	vadd.s32 v5, v16;
	_ =	sdelay $0x2  }
0x2b8: {  	v19 =	vsub.f32 $0.0e+00, v17  }
0x2b9: {  	[tilespmem:s3+$0x40] =	vst v17  }
0x2ba: {  	[tilespmem:v18+s28+$0x0] =	vst.idx.msk $0xffff, v19  }
0x2bb: {  	v17 =	vld [tilespmem:s31+$0xD8];
	_ =	sdelay $0x1  }
0x2bc: {  	v18 =	vadd.s32 v6, v16;
	_ =	sdelay $0x2  }
0x2bd: {  	v19 =	vsub.f32 $0.0e+00, v17  }
0x2be: {  	[tilespmem:s3+$0x50] =	vst v17  }
0x2bf: {  	[tilespmem:v18+s28+$0x0] =	vst.idx.msk $0xffff, v19  }
0x2c0: {  	s15 =	sadd.s32 $0x2, s25;
	v17 =	vld [tilespmem:s31+$0xE8]  }
0x2c1: {  	s16 =	sadd.s32 $0xFFFFFFFF, s15  }
0x2c2: {  	s13 =	sadd.s32 $0x1, s15;
	s12 =	smul.u32 s15, s16;
	v18 =	vadd.s32 v7, v16  }
0x2c3: {  	s14 =	smul.u32 s13, s15  }
0x2c4: {  	s13 =	sadd.s32 $0x1FFC, s0  }
0x2c5: {  	s17 =	sshra.s32 s12, $0x1;
	s12 =	simm.s32 $0xB;
	s18 =	sshra.s32 s14, $0x1;
	v19 =	vsub.f32 $0.0e+00, v17  }
0x2c6: {  	s14 =	simm.s32 $0x9;
	s15 =	ssub.s32 $0xB, s17;
	s16 =	ssub.s32 $0x9, s18;
	[tilespmem:s3+$0x60] =	vst v17  }
0x2c7: {  	s20 =	simm.s32 $0x4;
	s15 =	sand.u32 $0x7, s15;
	s6 =	ssub.s32 s13, s17;
	[tilespmem:v18+s28+$0x0] =	vst.idx.msk $0xffff, v19  }
0x2c8: {  	s5 =	simm.s32 $0x2;
	p1 =	sgt.s32 s6, s15;
	s2 =	sadd.s32 $0x1FFC, s19;
	v17 =	vld [tilespmem:s31+$0xF8]  }
0x2c9: {  	s15 =	smov.u32 @p1 s6;
	s0 =	ssub.s32 s2, s18;
	s7 =	sand.u32 $0x7, s16  }
0x2ca: {  	s6 =	sshll.u32 s15, $0x2;
	s15 =	sand.u32 $0x7, s15;
	p1 =	sgt.s32 s0, s7;
	v16 =	vadd.s32 v8, v16  }
0x2cb: {  	s19 =	sand.u32 $0xFFFFFFE0, s6;
	s7 =	smov.u32 @p1 s0;
	s26 =	sshll.u32 s15, $0x2  }
0x2cc: {  	s16 =	sshll.u32 s7, $0x2;
	s0 =	sor.u32 s26, s19;
	s31 =	sand.u32 $0x7, s7  }
0x2cd: {  	s18 =	sshra.s32 s0, $0x2;
	s0 =	simm.s32 $0x4930;
	s17 =	sshll.u32 s31, $0x2;
	[tilespmem:s3+$0x70] =	vst v17;
	v17 =	vsub.f32 $0.0e+00, v17  }
.LBB2_22:
0x2ce: {  	s19 =	sadd.s32 s18, s0  }
0x2cf: {  	[tilespmem:v16+s28+$0x0] =	vst.idx.msk $0xffff, v17;
	s3 =	sadd.s32 $0x100, s3;
	s18 =	smov.u32 s20;
	s15 =	sadd.s32 $0x2, s20  }
0x2d0: {  	p1 =	slt.u32 s20, $0x7E;
	v16 =	vmov s5;
	v17 =	vld [tilespmem:s19+$0x0]  }
0x2d1: {  	v16 =	vand.u32 $0x7E, v16  }
0x2d2: {  	v18 =	vadd.s32 v1, v16;
	_ =	sdelay $0x2  }
0x2d3: {  	v19 =	vsub.f32 $0.0e+00, v17  }
0x2d4: {  	[tilespmem:s3+$0xFFFFFF80] =	vst v17  }
0x2d5: {  	[tilespmem:v18+s28+$0x0] =	vst.idx.msk $0xffff, v19  }
0x2d6: {  	v17 =	vld [tilespmem:s19+$0x10];
	_ =	sdelay $0x1  }
0x2d7: {  	v18 =	vadd.s32 v2, v16;
	_ =	sdelay $0x2  }
0x2d8: {  	v19 =	vsub.f32 $0.0e+00, v17  }
0x2d9: {  	[tilespmem:s3+$0xFFFFFF90] =	vst v17  }
0x2da: {  	[tilespmem:v18+s28+$0x0] =	vst.idx.msk $0xffff, v19  }
0x2db: {  	v17 =	vld [tilespmem:s19+$0x20];
	_ =	sdelay $0x1  }
0x2dc: {  	v18 =	vadd.s32 v3, v16;
	_ =	sdelay $0x2  }
0x2dd: {  	v19 =	vsub.f32 $0.0e+00, v17  }
0x2de: {  	[tilespmem:s3+$0xFFFFFFA0] =	vst v17  }
0x2df: {  	[tilespmem:v18+s28+$0x0] =	vst.idx.msk $0xffff, v19  }
0x2e0: {  	v17 =	vld [tilespmem:s19+$0x30];
	_ =	sdelay $0x1  }
0x2e1: {  	v18 =	vadd.s32 v4, v16;
	_ =	sdelay $0x2  }
0x2e2: {  	v19 =	vsub.f32 $0.0e+00, v17  }
0x2e3: {  	[tilespmem:s3+$0xFFFFFFB0] =	vst v17  }
0x2e4: {  	[tilespmem:v18+s28+$0x0] =	vst.idx.msk $0xffff, v19  }
0x2e5: {  	v17 =	vld [tilespmem:s19+$0x40];
	_ =	sdelay $0x1  }
0x2e6: {  	v18 =	vadd.s32 v5, v16;
	_ =	sdelay $0x2  }
0x2e7: {  	v19 =	vsub.f32 $0.0e+00, v17  }
0x2e8: {  	[tilespmem:s3+$0xFFFFFFC0] =	vst v17  }
0x2e9: {  	[tilespmem:v18+s28+$0x0] =	vst.idx.msk $0xffff, v19  }
0x2ea: {  	v17 =	vld [tilespmem:s19+$0x50];
	_ =	sdelay $0x1  }
0x2eb: {  	v18 =	vadd.s32 v6, v16;
	_ =	sdelay $0x2  }
0x2ec: {  	v19 =	vsub.f32 $0.0e+00, v17  }
0x2ed: {  	[tilespmem:s3+$0xFFFFFFD0] =	vst v17  }
0x2ee: {  	[tilespmem:v18+s28+$0x0] =	vst.idx.msk $0xffff, v19  }
0x2ef: {  	v17 =	vld [tilespmem:s19+$0x60];
	_ =	sdelay $0x1  }
0x2f0: {  	v18 =	vadd.s32 v7, v16;
	_ =	sdelay $0x2  }
0x2f1: {  	v19 =	vsub.f32 $0.0e+00, v17  }
0x2f2: {  	[tilespmem:s3+$0xFFFFFFE0] =	vst v17  }
0x2f3: {  	[tilespmem:v18+s28+$0x0] =	vst.idx.msk $0xffff, v19  }
0x2f4: {  	v17 =	vld [tilespmem:s19+$0x70];
	_ =	sdelay $0x1  }
0x2f5: {  	v16 =	vadd.s32 v8, v16;
	_ =	sdelay $0x1  }
0x2f6: {  	s6 =	sand.u32 $0xFFFFFFE0, s16  }
0x2f7: {  	s6 =	sor.u32 s17, s6;
	v18 =	vsub.f32 $0.0e+00, v17  }
0x2f8: {  	s6 =	sshra.s32 s6, $0x2;
	[tilespmem:s3+$0xFFFFFFF0] =	vst v17  }
0x2f9: {  	s7 =	sadd.s32 $0x1, s5;
	s5 =	smov.u32 s18;
	s16 =	sadd.s32 s6, s0;
	[tilespmem:v16+s28+$0x0] =	vst.idx.msk $0xffff, v18  }
0x2fa: {  	v16 =	vmov s7;
	v17 =	vld [tilespmem:s16+$0x88]  }
0x2fb: {  	v16 =	vand.u32 $0x7F, v16  }
0x2fc: {  	v18 =	vadd.s32 v1, v16;
	_ =	sdelay $0x2  }
0x2fd: {  	[tilespmem:s3+$0x0] =	vst v17;
	v17 =	vsub.f32 $0.0e+00, v17;
	_ =	sdelay $0x1  }
0x2fe: {  	[tilespmem:v18+s28+$0x0] =	vst.idx.msk $0xffff, v17  }
0x2ff: {  	v17 =	vld [tilespmem:s16+$0x98];
	_ =	sdelay $0x1  }
0x300: {  	v18 =	vadd.s32 v2, v16;
	_ =	sdelay $0x2  }
0x301: {  	[tilespmem:s3+$0x10] =	vst v17;
	v17 =	vsub.f32 $0.0e+00, v17;
	_ =	sdelay $0x1  }
0x302: {  	[tilespmem:v18+s28+$0x0] =	vst.idx.msk $0xffff, v17  }
0x303: {  	v17 =	vld [tilespmem:s16+$0xA8];
	_ =	sdelay $0x1  }
0x304: {  	v18 =	vadd.s32 v3, v16;
	_ =	sdelay $0x2  }
0x305: {  	[tilespmem:s3+$0x20] =	vst v17;
	v17 =	vsub.f32 $0.0e+00, v17;
	_ =	sdelay $0x1  }
0x306: {  	[tilespmem:v18+s28+$0x0] =	vst.idx.msk $0xffff, v17  }
0x307: {  	v17 =	vld [tilespmem:s16+$0xB8];
	_ =	sdelay $0x1  }
0x308: {  	v18 =	vadd.s32 v4, v16;
	_ =	sdelay $0x2  }
0x309: {  	[tilespmem:s3+$0x30] =	vst v17;
	v17 =	vsub.f32 $0.0e+00, v17;
	_ =	sdelay $0x1  }
0x30a: {  	[tilespmem:v18+s28+$0x0] =	vst.idx.msk $0xffff, v17  }
0x30b: {  	v17 =	vld [tilespmem:s16+$0xC8];
	_ =	sdelay $0x1  }
0x30c: {  	v18 =	vadd.s32 v5, v16;
	_ =	sdelay $0x2  }
0x30d: {  	[tilespmem:s3+$0x40] =	vst v17;
	v17 =	vsub.f32 $0.0e+00, v17;
	_ =	sdelay $0x1  }
0x30e: {  	[tilespmem:v18+s28+$0x0] =	vst.idx.msk $0xffff, v17  }
0x30f: {  	v17 =	vld [tilespmem:s16+$0xD8];
	_ =	sdelay $0x1  }
0x310: {  	v18 =	vadd.s32 v6, v16;
	_ =	sdelay $0x2  }
0x311: {  	[tilespmem:s3+$0x50] =	vst v17;
	v17 =	vsub.f32 $0.0e+00, v17;
	_ =	sdelay $0x1  }
0x312: {  	[tilespmem:v18+s28+$0x0] =	vst.idx.msk $0xffff, v17  }
0x313: {  	v17 =	vld [tilespmem:s16+$0xE8];
	_ =	sdelay $0x1  }
0x314: {  	s6 =	sadd.s32 s5, s25;
	v18 =	vadd.s32 v7, v16  }
0x315: {  	s17 =	sadd.s32 $0x1, s6;
	s7 =	sadd.s32 $0xFFFFFFFF, s6  }
0x316: {  	s7 =	smul.u32 s6, s7  }
0x317: {  	s2 =	sadd.s32 $0x1FFC, s2;
	s6 =	smul.u32 s17, s6;
	[tilespmem:s3+$0x60] =	vst v17;
	v17 =	vsub.f32 $0.0e+00, v17  }
0x318: {  	s12 =	sadd.s32 $0x4, s12;
	s14 =	sadd.s32 $0x4, s14;
	s7 =	sshra.s32 s7, $0x1  }
0x319: {  	s13 =	sadd.s32 $0x1FFC, s13;
	s6 =	sshra.s32 s6, $0x1;
	s17 =	ssub.s32 s12, s7;
	[tilespmem:v18+s28+$0x0] =	vst.idx.msk $0xffff, v17  }
0x31a: {  	s7 =	ssub.s32 s13, s7;
	s18 =	ssub.s32 s14, s6;
	s17 =	sand.u32 $0x7, s17;
	v17 =	vld [tilespmem:s16+$0xF8]  }
0x31b: {  	s6 =	ssub.s32 s2, s6;
	s18 =	sand.u32 $0x7, s18;
	p2 =	sgt.s32 s7, s17  }
.Ltmp12:
0x31c: {  	s17 =	smov.u32 @p2 s7;
	p2 =	sgt.s32 s6, s18;
	v16 =	vadd.s32 v8, v16;
	(pc) =	sbr.rel @p1 .LBB2_22-.Ltmp12, $4  }
0x31d: {  	s7 =	sshll.u32 s17, $0x2;
	s18 =	smov.u32 @p2 s6;
	s16 =	sand.u32 $0x7, s17  }
0x31e: {  	s6 =	sand.u32 $0xFFFFFFE0, s7;
	s7 =	sshll.u32 s16, $0x2;
	s16 =	sshll.u32 s18, $0x2  }
0x31f: {  	s20 =	smov.u32 s15;
	s6 =	sor.u32 s7, s6;
	s7 =	sand.u32 $0x7, s18;
	[tilespmem:s3+$0x70] =	vst v17;
	v17 =	vsub.f32 $0.0e+00, v17  }
0x320: {  	s0 =	sadd.s32 $0x110, s0;
	s18 =	sshra.s32 s6, $0x2;
	s17 =	sshll.u32 s7, $0x2  }
0x321: {  	_ =	sdelay $0x3  }
0x322: {  	s6 =	sadd.s32 s18, s0;
	[tilespmem:v16+s28+$0x0] =	vst.idx.msk $0xffff, v17  }
0x323: {  	v16 =	vmov s5;
	v17 =	vld [tilespmem:s6+$0x0]  }
0x324: {  	v16 =	vand.u32 $0x7E, v16  }
0x325: {  	v18 =	vadd.s32 v1, v16;
	_ =	sdelay $0x2  }
0x326: {  	s2 =	sadd.s32 $0x100, s3;
	v19 =	vsub.f32 $0.0e+00, v17  }
0x327: {  	[tilespmem:s2+$0xFFFFFF80] =	vst v17  }
0x328: {  	[tilespmem:v18+s28+$0x0] =	vst.idx.msk $0xffff, v19  }
0x329: {  	v17 =	vld [tilespmem:s6+$0x10];
	_ =	sdelay $0x1  }
0x32a: {  	v36 =	vadd.s32 v2, v16;
	_ =	sdelay $0x2  }
0x32b: {  	v37 =	vsub.f32 $0.0e+00, v17  }
0x32c: {  	[tilespmem:s2+$0xFFFFFF90] =	vst v17  }
0x32d: {  	[tilespmem:v36+s28+$0x0] =	vst.idx.msk $0xffff, v37  }
0x32e: {  	v17 =	vld [tilespmem:s6+$0x20];
	_ =	sdelay $0x1  }
0x32f: {  	v38 =	vadd.s32 v3, v16;
	_ =	sdelay $0x2  }
0x330: {  	v39 =	vsub.f32 $0.0e+00, v17  }
0x331: {  	[tilespmem:s2+$0xFFFFFFA0] =	vst v17  }
0x332: {  	[tilespmem:v38+s28+$0x0] =	vst.idx.msk $0xffff, v39  }
0x333: {  	v17 =	vld [tilespmem:s6+$0x30];
	_ =	sdelay $0x1  }
0x334: {  	v40 =	vadd.s32 v4, v16;
	_ =	sdelay $0x2  }
0x335: {  	v41 =	vsub.f32 $0.0e+00, v17  }
0x336: {  	[tilespmem:s2+$0xFFFFFFB0] =	vst v17  }
0x337: {  	[tilespmem:v40+s28+$0x0] =	vst.idx.msk $0xffff, v41  }
0x338: {  	v17 =	vld [tilespmem:s6+$0x40];
	_ =	sdelay $0x1  }
0x339: {  	v42 =	vadd.s32 v5, v16;
	_ =	sdelay $0x2  }
0x33a: {  	v43 =	vsub.f32 $0.0e+00, v17  }
0x33b: {  	[tilespmem:s2+$0xFFFFFFC0] =	vst v17  }
0x33c: {  	[tilespmem:v42+s28+$0x0] =	vst.idx.msk $0xffff, v43  }
0x33d: {  	v17 =	vld [tilespmem:s6+$0x50];
	_ =	sdelay $0x1  }
0x33e: {  	v44 =	vadd.s32 v6, v16;
	_ =	sdelay $0x2  }
0x33f: {  	v45 =	vsub.f32 $0.0e+00, v17  }
0x340: {  	[tilespmem:s2+$0xFFFFFFD0] =	vst v17  }
0x341: {  	[tilespmem:v44+s28+$0x0] =	vst.idx.msk $0xffff, v45  }
0x342: {  	v17 =	vld [tilespmem:s6+$0x60];
	_ =	sdelay $0x1  }
0x343: {  	v46 =	vadd.s32 v7, v16;
	_ =	sdelay $0x2  }
0x344: {  	v47 =	vsub.f32 $0.0e+00, v17  }
0x345: {  	[tilespmem:s2+$0xFFFFFFE0] =	vst v17  }
0x346: {  	[tilespmem:v46+s28+$0x0] =	vst.idx.msk $0xffff, v47  }
0x347: {  	v17 =	vld [tilespmem:s6+$0x70];
	_ =	sdelay $0x1  }
0x348: {  	v16 =	vadd.s32 v8, v16;
	_ =	sdelay $0x1  }
0x349: {  	s16 =	sand.u32 $0xFFFFFFE0, s16  }
0x34a: {  	s3 =	sor.u32 s17, s16;
	v48 =	vsub.f32 $0.0e+00, v17  }
0x34b: {  	s3 =	sshra.s32 s3, $0x2;
	[tilespmem:s2+$0xFFFFFFF0] =	vst v17  }
0x34c: {  	s17 =	sadd.s32 $0x1, s5;
	s18 =	sadd.s32 s3, s0;
	[tilespmem:v16+s28+$0x0] =	vst.idx.msk $0xffff, v48  }
0x34d: {  	v16 =	vmov s17;
	v17 =	vld [tilespmem:s18+$0x88]  }
0x34e: {  	v16 =	vand.u32 $0x7F, v16  }
0x34f: {  	v49 =	vadd.s32 v1, v16;
	_ =	sdelay $0x2  }
0x350: {  	v50 =	vsub.f32 $0.0e+00, v17  }
0x351: {  	[tilespmem:s2+$0x0] =	vst v17  }
0x352: {  	[tilespmem:v49+s28+$0x0] =	vst.idx.msk $0xffff, v50  }
0x353: {  	v17 =	vld [tilespmem:s18+$0x98];
	_ =	sdelay $0x1  }
0x354: {  	v51 =	vadd.s32 v2, v16;
	_ =	sdelay $0x2  }
0x355: {  	v52 =	vsub.f32 $0.0e+00, v17  }
0x356: {  	[tilespmem:s2+$0x10] =	vst v17  }
0x357: {  	[tilespmem:v51+s28+$0x0] =	vst.idx.msk $0xffff, v52  }
0x358: {  	v17 =	vld [tilespmem:s18+$0xA8];
	_ =	sdelay $0x1  }
0x359: {  	v53 =	vadd.s32 v3, v16;
	_ =	sdelay $0x2  }
0x35a: {  	v54 =	vsub.f32 $0.0e+00, v17  }
0x35b: {  	[tilespmem:s2+$0x20] =	vst v17  }
0x35c: {  	[tilespmem:v53+s28+$0x0] =	vst.idx.msk $0xffff, v54  }
0x35d: {  	v17 =	vld [tilespmem:s18+$0xB8];
	_ =	sdelay $0x1  }
0x35e: {  	v55 =	vadd.s32 v4, v16;
	_ =	sdelay $0x2  }
0x35f: {  	v56 =	vsub.f32 $0.0e+00, v17  }
0x360: {  	[tilespmem:s2+$0x30] =	vst v17  }
0x361: {  	[tilespmem:v55+s28+$0x0] =	vst.idx.msk $0xffff, v56  }
0x362: {  	v17 =	vld [tilespmem:s18+$0xC8];
	_ =	sdelay $0x1  }
0x363: {  	v57 =	vadd.s32 v5, v16;
	_ =	sdelay $0x2  }
0x364: {  	v58 =	vsub.f32 $0.0e+00, v17  }
0x365: {  	[tilespmem:s2+$0x40] =	vst v17  }
0x366: {  	[tilespmem:v57+s28+$0x0] =	vst.idx.msk $0xffff, v58  }
0x367: {  	v17 =	vld [tilespmem:s18+$0xD8];
	_ =	sdelay $0x1  }
0x368: {  	v59 =	vadd.s32 v6, v16;
	_ =	sdelay $0x2  }
0x369: {  	v60 =	vsub.f32 $0.0e+00, v17  }
0x36a: {  	[tilespmem:s2+$0x50] =	vst v17  }
0x36b: {  	[tilespmem:v59+s28+$0x0] =	vst.idx.msk $0xffff, v60  }
0x36c: {  	v17 =	vld [tilespmem:s18+$0xE8];
	_ =	sdelay $0x1  }
0x36d: {  	v61 =	vadd.s32 v7, v16;
	_ =	sdelay $0x2  }
0x36e: {  	v62 =	vsub.f32 $0.0e+00, v17  }
0x36f: {  	[tilespmem:s2+$0x60] =	vst v17  }
0x370: {  	[tilespmem:v61+s28+$0x0] =	vst.idx.msk $0xffff, v62  }
0x371: {  	v17 =	vld [tilespmem:s18+$0xF8];
	_ =	sdelay $0x1  }
0x372: {  	v16 =	vadd.s32 v8, v16;
	_ =	sdelay $0x1  }
0x373: {  	s19 =	sshll.u32 s11, $0x13  }
0x374: {  	s0 =	sadd.s32 s19, s23;
	v63 =	vsub.f32 $0.0e+00, v17  }
0x375: {  	s20 =	simm.s32 $0x80;
	s26 =	simm.s32 $0xCC20;
	s0 =	sshrl.u32 s0, $0x3;
	[tilespmem:s2+$0x70] =	vst v17  }
0x376: {  	s31 =	sshll.u32 s22, $0x13;
	s23 =	simm.s32 $0x1000;
	s0 =	sadd.s32 s29, s0;
	[tilespmem:v16+s28+$0x0] =	vst.idx.msk $0xffff, v63  }
0x377: {  	[hbm4b:s0+s20] =	stream.strided.scatter [tilespmem:s26], [sflag:$0x4], $0x4000, s23, s20, $0x38;
	[tilespmem:$0x19420] =	vst v63  }
0x378: {  	s0 =	sadd.s32 s25, s31  }
0x379: {  	s0 =	sshrl.u32 s0, $0x3  }
0x37a: {  	s5 =	simm.s32 $0x150A8;
	s0 =	sadd.s32 s29, s0  }
0x37b: {  	s3 =	simm.s32 $0x200;
	s2 =	simm.s32 $0x15020;
	s11 =	sadd.s32 $0x0, s0  }
.LBB2_24:
0x37c: {  	[hbm4b:s11+s4] =	stream.linear.scatter [tilespmem:s2], [sflag:$0x4], $0x80, $0x38;
	[tilespmem:$0x19420] =	vst v63  }
0x37d: {  	s6 =	smov.u32 s3;
	s2 =	smov.u32 s5;
	p1 =	sne.s32 s3, $0xFE00  }
.Ltmp13:
0x37e: {  	s3 =	sadd.s32 $0x200, s3;
	(pc) =	sbr.rel @p1 .LBB2_24-.Ltmp13, $2  }
0x37f: {  	_ =	sdelay $0x2  }
0x380: {  	s5 =	sadd.s32 $0x88, s5;
	s11 =	sadd.s32 s6, s0  }
.Ltmp14:
0x381: {  	(pc) =	sbr.rel .LBB2_26-.Ltmp14, $2  }
0x382: {  	_ =	sdelay $0x2  }
0x383: {  	[hbm4b:s11+s4] =	stream.linear.scatter [tilespmem:s2], [sflag:$0x4], $0x80, $0x38;
	[tilespmem:$0x19420] =	vst v63  }
.LBB2_27:
0x384: {  	s2 =	simm.s32 $0x1  }
0x385: {  	_ =	swait.ge [sflag:s2], $0x4400  }
0x386: {  	s6 =	rddreg [dreg:$0x15]  }
0x387: {  	s7 =	rddreg [dreg:$0x18];
	s0 =	sshrl.u32 s6, $0x1  }
0x388: {  	[sflag:s2] =	ssyncset.done $0x0;
	s0 =	ssub.s32 s7, s0  }
0x389: {  	s14 =	simm.s32 $0x3;
	[sflag:s2] =	ssyncadd.s32 $0xFFFFBC00;
	p1 =	sgt.s32 s0, $0x0  }
0x38a: {  	_ =	swait.ge [sflag:s14], $0x4000;
	s0 =	simm.s32 @!p1 $0x0  }
0x38b: {  	[sflag:s14] =	ssyncset.done $0x0;
	s2 =	sadd.s32 $0xFF800888, s0;
	s0 =	sand.u32 $0x7, s0  }
0x38c: {  	[sflag:s14] =	ssyncadd.s32 $0xFFFFC000;
	p1 =	sgt.s32 s2, s0  }
0x38d: {  	_ =	swait.ge [sflag:s14], $0x4000;
	s0 =	smov.u32 @p1 s2  }
0x38e: {  	[sflag:s14] =	ssyncset.done $0x0;
	s0 =	sand.u32 $0x3FFFFFFF, s0  }
0x38f: {  	s20 =	simm.s32 $0x7F;
	[sflag:s14] =	ssyncadd.s32 $0xFFFFC000;
	s0 =	sadd.s32 $0x0, s0  }
0x390: {  	v16 =	vmov s20;
	v17 =	vld [tilespmem:s0+$0x4798]  }
0x391: {  	vm1 =	vlt.u32 v16, v0;
	v18 =	vand.u32 $0x7F, v16  }
0x392: {  	v19 =	vadd.s32 v1, v18;
	_ =	sdelay $0x2  }
0x393: {  	s22 =	simm.s32 $0x0;
	v20 =	vnsel vm1, $0x0, v17;
	v17 =	vsub.f32 $0.0e+00, v17  }
0x394: {  	[tilespmem:s22+$0x14F98] =	vst v20  }
0x395: {  	[tilespmem:v19+s30+$0x0] =	vst.idx.msk vm1, v17  }
0x396: {  	v17 =	vld [tilespmem:s0+$0x47A8]  }
0x397: {  	vm1 =	vlt.u32 v16, v9  }
0x398: {  	v19 =	vadd.s32 v2, v18;
	_ =	sdelay $0x2  }
0x399: {  	v51 =	vnsel vm1, $0x0, v17;
	v17 =	vsub.f32 $0.0e+00, v17  }
0x39a: {  	[tilespmem:s22+$0x14FA8] =	vst v51  }
0x39b: {  	[tilespmem:v19+s30+$0x0] =	vst.idx.msk vm1, v17  }
0x39c: {  	v17 =	vld [tilespmem:s0+$0x47B8]  }
0x39d: {  	vm1 =	vlt.u32 v16, v10  }
0x39e: {  	v19 =	vadd.s32 v3, v18;
	_ =	sdelay $0x2  }
0x39f: {  	v52 =	vnsel vm1, $0x0, v17;
	v17 =	vsub.f32 $0.0e+00, v17  }
0x3a0: {  	[tilespmem:s22+$0x14FB8] =	vst v52  }
0x3a1: {  	[tilespmem:v19+s30+$0x0] =	vst.idx.msk vm1, v17  }
0x3a2: {  	v17 =	vld [tilespmem:s0+$0x47C8]  }
0x3a3: {  	vm1 =	vlt.u32 v16, v11  }
0x3a4: {  	v19 =	vadd.s32 v4, v18;
	_ =	sdelay $0x2  }
0x3a5: {  	v53 =	vnsel vm1, $0x0, v17;
	v17 =	vsub.f32 $0.0e+00, v17  }
0x3a6: {  	[tilespmem:s22+$0x14FC8] =	vst v53  }
0x3a7: {  	[tilespmem:v19+s30+$0x0] =	vst.idx.msk vm1, v17  }
0x3a8: {  	v17 =	vld [tilespmem:s0+$0x47D8]  }
0x3a9: {  	vm1 =	vlt.u32 v16, v12  }
0x3aa: {  	v19 =	vadd.s32 v5, v18;
	_ =	sdelay $0x2  }
0x3ab: {  	v54 =	vnsel vm1, $0x0, v17;
	v17 =	vsub.f32 $0.0e+00, v17  }
0x3ac: {  	[tilespmem:s22+$0x14FD8] =	vst v54  }
0x3ad: {  	[tilespmem:v19+s30+$0x0] =	vst.idx.msk vm1, v17  }
0x3ae: {  	v17 =	vld [tilespmem:s0+$0x47E8]  }
0x3af: {  	vm1 =	vlt.u32 v16, v13  }
0x3b0: {  	v19 =	vadd.s32 v6, v18;
	_ =	sdelay $0x2  }
0x3b1: {  	v55 =	vnsel vm1, $0x0, v17;
	v17 =	vsub.f32 $0.0e+00, v17  }
0x3b2: {  	[tilespmem:s22+$0x14FE8] =	vst v55  }
0x3b3: {  	[tilespmem:v19+s30+$0x0] =	vst.idx.msk vm1, v17  }
0x3b4: {  	s3 =	sadd.s32 $0x0, s10;
	v17 =	vld [tilespmem:s0+$0x47F8]  }
0x3b5: {  	s5 =	sadd.s32 $0x7E, s3;
	s3 =	sadd.s32 $0x7D, s3;
	vm1 =	vlt.u32 v16, v14  }
0x3b6: {  	s3 =	smul.u32 s5, s3;
	v19 =	vadd.s32 v7, v18;
	_ =	sdelay $0x1  }
0x3b7: {  	s3 =	sshra.s32 s3, $0x1;
	s11 =	rddreg [dreg:$0x16]  }
0x3b8: {  	s3 =	ssub.s32 s11, s3;
	v56 =	vnsel vm1, $0x0, v17;
	v17 =	vsub.f32 $0.0e+00, v17  }
0x3b9: {  	p1 =	sgt.s32 s3, $0x0;
	[tilespmem:s22+$0x14FF8] =	vst v56  }
0x3ba: {  	s3 =	simm.s32 @!p1 $0x0;
	[tilespmem:v19+s30+$0x0] =	vst.idx.msk vm1, v17  }
0x3bb: {  	v17 =	vld [tilespmem:s0+$0x4808];
	s0 =	sadd.s32 $0xFF800888, s3;
	s3 =	sand.u32 $0x7, s3  }
0x3bc: {  	vm1 =	vlt.u32 v16, v15;
	p1 =	sgt.s32 s0, s3  }
0x3bd: {  	v16 =	vadd.s32 v8, v18;
	s3 =	smov.u32 @p1 s0  }
0x3be: {  	s0 =	sshll.u32 s3, $0x2;
	s3 =	sand.u32 $0x7, s3  }
0x3bf: {  	s0 =	sand.u32 $0xFFFFFFE0, s0;
	s3 =	sshll.u32 s3, $0x2  }
0x3c0: {  	v18 =	vnsel vm1, $0x0, v17;
	v17 =	vsub.f32 $0.0e+00, v17;
	s0 =	sor.u32 s3, s0  }
0x3c1: {  	[tilespmem:s22+$0x15008] =	vst v18;
	s0 =	sshra.s32 s0, $0x2  }
0x3c2: {  	s24 =	simm.s32 $0x7E;
	[tilespmem:v16+s30+$0x0] =	vst.idx.msk vm1, v17;
	s25 =	sadd.s32 $0x4710, s0  }
0x3c3: {  	v16 =	vmov s24;
	v17 =	vld [tilespmem:s25+$0x0]  }
0x3c4: {  	vm1 =	vlt.u32 v16, v0;
	v18 =	vand.u32 $0x7E, v16  }
0x3c5: {  	v19 =	vadd.s32 v1, v18;
	_ =	sdelay $0x2  }
0x3c6: {  	v57 =	vnsel vm1, $0x0, v17;
	v17 =	vsub.f32 $0.0e+00, v17  }
0x3c7: {  	[tilespmem:s22+$0x14F10] =	vst v57  }
0x3c8: {  	s0 =	sadd.s32 $0x420, s0;
	[tilespmem:v19+s30+$0x0] =	vst.idx.msk vm1, v17  }
0x3c9: {  	v17 =	vld [tilespmem:s0+$0x4300]  }
0x3ca: {  	vm1 =	vlt.u32 v16, v9  }
0x3cb: {  	v19 =	vadd.s32 v2, v18;
	_ =	sdelay $0x2  }
0x3cc: {  	v58 =	vnsel vm1, $0x0, v17;
	v17 =	vsub.f32 $0.0e+00, v17  }
0x3cd: {  	[tilespmem:s22+$0x14F20] =	vst v58  }
0x3ce: {  	[tilespmem:v19+s30+$0x0] =	vst.idx.msk vm1, v17  }
0x3cf: {  	v17 =	vld [tilespmem:s0+$0x4310]  }
0x3d0: {  	vm1 =	vlt.u32 v16, v10  }
0x3d1: {  	v19 =	vadd.s32 v3, v18;
	_ =	sdelay $0x2  }
0x3d2: {  	v59 =	vnsel vm1, $0x0, v17;
	v17 =	vsub.f32 $0.0e+00, v17  }
0x3d3: {  	[tilespmem:s22+$0x14F30] =	vst v59  }
0x3d4: {  	[tilespmem:v19+s30+$0x0] =	vst.idx.msk vm1, v17  }
0x3d5: {  	v17 =	vld [tilespmem:s0+$0x4320]  }
0x3d6: {  	vm1 =	vlt.u32 v16, v11  }
0x3d7: {  	v19 =	vadd.s32 v4, v18;
	_ =	sdelay $0x2  }
0x3d8: {  	v60 =	vnsel vm1, $0x0, v17;
	v17 =	vsub.f32 $0.0e+00, v17  }
0x3d9: {  	[tilespmem:s22+$0x14F40] =	vst v60  }
0x3da: {  	[tilespmem:v19+s30+$0x0] =	vst.idx.msk vm1, v17  }
0x3db: {  	v17 =	vld [tilespmem:s0+$0x4330]  }
0x3dc: {  	vm1 =	vlt.u32 v16, v12  }
0x3dd: {  	v19 =	vadd.s32 v5, v18;
	_ =	sdelay $0x2  }
0x3de: {  	v61 =	vnsel vm1, $0x0, v17;
	v17 =	vsub.f32 $0.0e+00, v17  }
0x3df: {  	[tilespmem:s22+$0x14F50] =	vst v61  }
0x3e0: {  	[tilespmem:v19+s30+$0x0] =	vst.idx.msk vm1, v17  }
0x3e1: {  	v17 =	vld [tilespmem:s0+$0x4340]  }
0x3e2: {  	vm1 =	vlt.u32 v16, v13  }
0x3e3: {  	v19 =	vadd.s32 v6, v18;
	_ =	sdelay $0x2  }
0x3e4: {  	v62 =	vnsel vm1, $0x0, v17;
	v17 =	vsub.f32 $0.0e+00, v17  }
0x3e5: {  	[tilespmem:s22+$0x14F60] =	vst v62  }
0x3e6: {  	[tilespmem:v19+s30+$0x0] =	vst.idx.msk vm1, v17  }
0x3e7: {  	v17 =	vld [tilespmem:s0+$0x4350]  }
0x3e8: {  	vm1 =	vlt.u32 v16, v14  }
0x3e9: {  	v19 =	vadd.s32 v7, v18;
	_ =	sdelay $0x1  }
0x3ea: {  	s26 =	rddreg [dreg:$0x17]  }
0x3eb: {  	s24 =	sadd.s32 s26, s6;
	v63 =	vnsel vm1, $0x0, v17;
	v17 =	vsub.f32 $0.0e+00, v17  }
0x3ec: {  	s31 =	sshrl.u32 s24, $0x1;
	s25 =	sadd.s32 $0xFFFFE004, s7;
	[tilespmem:s22+$0x14F70] =	vst v63  }
0x3ed: {  	s3 =	ssub.s32 s25, s31;
	[tilespmem:v19+s30+$0x0] =	vst.idx.msk vm1, v17  }
0x3ee: {  	p1 =	sgt.s32 s3, $0x0;
	v17 =	vld [tilespmem:s0+$0x4360]  }
0x3ef: {  	s3 =	simm.s32 @!p1 $0x0  }
0x3f0: {  	s6 =	sadd.s32 $0xFF800888, s3;
	s7 =	sand.u32 $0x7, s3;
	vm1 =	vlt.u32 v16, v15  }
0x3f1: {  	s13 =	simm.s32 $0x4;
	p1 =	sgt.s32 s6, s7;
	v16 =	vadd.s32 v8, v18  }
0x3f2: {  	s5 =	simm.s32 $0x4600;
	s23 =	sadd.s32 $0xFFFFE004, s11;
	s7 =	smov.u32 @p1 s6  }
0x3f3: {  	s11 =	simm.s32 $0xFFFFFEF0;
	s3 =	simm.s32 $0x310;
	s12 =	sand.u32 $0x3FFFFFFF, s7;
	v19 =	vnsel vm1, $0x0, v17  }
0x3f4: {  	s0 =	sadd.s32 $0x8, s26;
	s26 =	simm.s32 $0xFFFFFBC0;
	v17 =	vsub.f32 $0.0e+00, v17;
	[tilespmem:s22+$0x14F80] =	vst v19;
	s22 =	simm.s32 $0xFFFFFFFE  }
.LBB2_28:
0x3f5: {  	s2 =	smov.u32 s13  }
0x3f6: {  	s12 =	sadd.s32 s11, s12;
	s6 =	sadd.s32 $0x7F, s22;
	[tilespmem:v16+s30+$0x0] =	vst.idx.msk vm1, v17;
	s2 =	sadd.s32 $0x2, s13  }
0x3f7: {  	p1 =	slt.u32 s13, $0x7E;
	v16 =	vmov s6;
	v17 =	vld [tilespmem:s12+$0x4798]  }
0x3f8: {  	vm1 =	vlt.u32 v16, v0;
	v18 =	vand.u32 $0x7F, v16  }
0x3f9: {  	v19 =	vadd.s32 v1, v18;
	_ =	sdelay $0x2  }
0x3fa: {  	v20 =	vnsel vm1, $0x0, v17;
	v17 =	vsub.f32 $0.0e+00, v17  }
0x3fb: {  	[tilespmem:s11+$0x14F98] =	vst v20  }
0x3fc: {  	[tilespmem:v19+s30+$0x0] =	vst.idx.msk vm1, v17  }
0x3fd: {  	v17 =	vld [tilespmem:s12+$0x47A8]  }
0x3fe: {  	vm1 =	vlt.u32 v16, v9  }
0x3ff: {  	v19 =	vadd.s32 v2, v18;
	_ =	sdelay $0x2  }
0x400: {  	v20 =	vnsel vm1, $0x0, v17;
	v17 =	vsub.f32 $0.0e+00, v17  }
0x401: {  	[tilespmem:s11+$0x14FA8] =	vst v20  }
0x402: {  	[tilespmem:v19+s30+$0x0] =	vst.idx.msk vm1, v17  }
0x403: {  	v17 =	vld [tilespmem:s12+$0x47B8]  }
0x404: {  	vm1 =	vlt.u32 v16, v10  }
0x405: {  	v19 =	vadd.s32 v3, v18;
	_ =	sdelay $0x2  }
0x406: {  	v20 =	vnsel vm1, $0x0, v17;
	v17 =	vsub.f32 $0.0e+00, v17  }
0x407: {  	[tilespmem:s11+$0x14FB8] =	vst v20  }
0x408: {  	[tilespmem:v19+s30+$0x0] =	vst.idx.msk vm1, v17  }
0x409: {  	v17 =	vld [tilespmem:s12+$0x47C8]  }
0x40a: {  	vm1 =	vlt.u32 v16, v11  }
0x40b: {  	v19 =	vadd.s32 v4, v18;
	_ =	sdelay $0x2  }
0x40c: {  	v20 =	vnsel vm1, $0x0, v17;
	v17 =	vsub.f32 $0.0e+00, v17  }
0x40d: {  	[tilespmem:s11+$0x14FC8] =	vst v20  }
0x40e: {  	[tilespmem:v19+s30+$0x0] =	vst.idx.msk vm1, v17  }
0x40f: {  	v17 =	vld [tilespmem:s12+$0x47D8]  }
0x410: {  	vm1 =	vlt.u32 v16, v12  }
0x411: {  	v19 =	vadd.s32 v5, v18;
	_ =	sdelay $0x2  }
0x412: {  	v20 =	vnsel vm1, $0x0, v17;
	v17 =	vsub.f32 $0.0e+00, v17  }
0x413: {  	[tilespmem:s11+$0x14FD8] =	vst v20  }
0x414: {  	[tilespmem:v19+s30+$0x0] =	vst.idx.msk vm1, v17  }
0x415: {  	v17 =	vld [tilespmem:s12+$0x47E8]  }
0x416: {  	vm1 =	vlt.u32 v16, v13  }
0x417: {  	v19 =	vadd.s32 v6, v18;
	_ =	sdelay $0x2  }
0x418: {  	v20 =	vnsel vm1, $0x0, v17;
	v17 =	vsub.f32 $0.0e+00, v17  }
0x419: {  	[tilespmem:s11+$0x14FE8] =	vst v20  }
0x41a: {  	[tilespmem:v19+s30+$0x0] =	vst.idx.msk vm1, v17  }
0x41b: {  	s6 =	sadd.s32 s22, s10;
	v17 =	vld [tilespmem:s12+$0x47F8]  }
0x41c: {  	s7 =	sadd.s32 $0x7E, s6;
	s6 =	sadd.s32 $0x7D, s6;
	vm1 =	vlt.u32 v16, v14  }
0x41d: {  	s6 =	smul.u32 s7, s6;
	v19 =	vadd.s32 v7, v18;
	_ =	sdelay $0x1  }
0x41e: {  	s6 =	sshra.s32 s6, $0x1  }
0x41f: {  	s6 =	ssub.s32 s23, s6;
	v20 =	vnsel vm1, $0x0, v17;
	v17 =	vsub.f32 $0.0e+00, v17  }
0x420: {  	p2 =	sgt.s32 s6, $0x0;
	[tilespmem:s11+$0x14FF8] =	vst v20  }
0x421: {  	s6 =	simm.s32 @!p2 $0x0;
	[tilespmem:v19+s30+$0x0] =	vst.idx.msk vm1, v17  }
0x422: {  	s7 =	sadd.s32 $0xFF800888, s6;
	s6 =	sand.u32 $0x7, s6;
	v17 =	vld [tilespmem:s12+$0x4808]  }
0x423: {  	p2 =	sgt.s32 s7, s6;
	vm1 =	vlt.u32 v16, v15  }
0x424: {  	s6 =	smov.u32 @p2 s7;
	v16 =	vadd.s32 v8, v18  }
0x425: {  	s7 =	sshll.u32 s6, $0x2;
	s6 =	sand.u32 $0x7, s6  }
0x426: {  	s7 =	sand.u32 $0xFFFFFFE0, s7;
	s6 =	sshll.u32 s6, $0x2  }
0x427: {  	s6 =	sor.u32 s6, s7;
	v18 =	vnsel vm1, $0x0, v17;
	v17 =	vsub.f32 $0.0e+00, v17  }
0x428: {  	s6 =	sshra.s32 s6, $0x2;
	[tilespmem:s11+$0x15008] =	vst v18  }
0x429: {  	s7 =	sadd.s32 $0x7E, s22;
	s12 =	sadd.s32 s6, s5;
	[tilespmem:v16+s30+$0x0] =	vst.idx.msk vm1, v17  }
0x42a: {  	v16 =	vmov s7;
	v17 =	vld [tilespmem:s12+$0x0]  }
0x42b: {  	vm1 =	vlt.u32 v16, v0;
	v18 =	vand.u32 $0x7E, v16  }
0x42c: {  	v19 =	vadd.s32 v1, v18;
	_ =	sdelay $0x2  }
0x42d: {  	v20 =	vnsel vm1, $0x0, v17;
	v17 =	vsub.f32 $0.0e+00, v17  }
0x42e: {  	[tilespmem:s11+$0x14F10] =	vst v20  }
0x42f: {  	s12 =	sadd.s32 s6, s3;
	[tilespmem:v19+s30+$0x0] =	vst.idx.msk vm1, v17  }
0x430: {  	v17 =	vld [tilespmem:s12+$0x4300]  }
0x431: {  	vm1 =	vlt.u32 v16, v9  }
0x432: {  	v19 =	vadd.s32 v2, v18;
	_ =	sdelay $0x2  }
0x433: {  	v20 =	vnsel vm1, $0x0, v17;
	v17 =	vsub.f32 $0.0e+00, v17  }
0x434: {  	[tilespmem:s11+$0x14F20] =	vst v20  }
0x435: {  	[tilespmem:v19+s30+$0x0] =	vst.idx.msk vm1, v17  }
0x436: {  	v17 =	vld [tilespmem:s12+$0x4310]  }
0x437: {  	vm1 =	vlt.u32 v16, v10  }
0x438: {  	v19 =	vadd.s32 v3, v18;
	_ =	sdelay $0x2  }
0x439: {  	v20 =	vnsel vm1, $0x0, v17;
	v17 =	vsub.f32 $0.0e+00, v17  }
0x43a: {  	[tilespmem:s11+$0x14F30] =	vst v20  }
0x43b: {  	[tilespmem:v19+s30+$0x0] =	vst.idx.msk vm1, v17  }
0x43c: {  	v17 =	vld [tilespmem:s12+$0x4320]  }
0x43d: {  	vm1 =	vlt.u32 v16, v11  }
0x43e: {  	v19 =	vadd.s32 v4, v18;
	_ =	sdelay $0x2  }
0x43f: {  	v20 =	vnsel vm1, $0x0, v17;
	v17 =	vsub.f32 $0.0e+00, v17  }
0x440: {  	[tilespmem:s11+$0x14F40] =	vst v20  }
0x441: {  	[tilespmem:v19+s30+$0x0] =	vst.idx.msk vm1, v17  }
0x442: {  	v17 =	vld [tilespmem:s12+$0x4330]  }
0x443: {  	vm1 =	vlt.u32 v16, v12  }
0x444: {  	v19 =	vadd.s32 v5, v18;
	_ =	sdelay $0x2  }
0x445: {  	v20 =	vnsel vm1, $0x0, v17;
	v17 =	vsub.f32 $0.0e+00, v17  }
0x446: {  	[tilespmem:s11+$0x14F50] =	vst v20  }
0x447: {  	[tilespmem:v19+s30+$0x0] =	vst.idx.msk vm1, v17  }
0x448: {  	v17 =	vld [tilespmem:s12+$0x4340]  }
0x449: {  	vm1 =	vlt.u32 v16, v13  }
0x44a: {  	v19 =	vadd.s32 v6, v18;
	_ =	sdelay $0x2  }
0x44b: {  	v20 =	vnsel vm1, $0x0, v17;
	v17 =	vsub.f32 $0.0e+00, v17  }
0x44c: {  	[tilespmem:s11+$0x14F60] =	vst v20  }
0x44d: {  	[tilespmem:v19+s30+$0x0] =	vst.idx.msk vm1, v17  }
0x44e: {  	v17 =	vld [tilespmem:s12+$0x4350]  }
0x44f: {  	vm1 =	vlt.u32 v16, v14  }
0x450: {  	v19 =	vadd.s32 v7, v18;
	_ =	sdelay $0x2  }
0x451: {  	v20 =	vnsel vm1, $0x0, v17;
	v17 =	vsub.f32 $0.0e+00, v17  }
0x452: {  	s24 =	sadd.s32 s0, s24;
	[tilespmem:s11+$0x14F70] =	vst v20  }
0x453: {  	s25 =	sadd.s32 $0xFFFFE004, s25;
	s6 =	sshrl.u32 s24, $0x1;
	[tilespmem:v19+s30+$0x0] =	vst.idx.msk vm1, v17  }
0x454: {  	s6 =	ssub.s32 s25, s6;
	v17 =	vld [tilespmem:s12+$0x4360]  }
0x455: {  	p2 =	sgt.s32 s6, $0x0;
	vm1 =	vlt.u32 v16, v15  }
.Ltmp15:
0x456: {  	s0 =	sadd.s32 $0x8, s0;
	s6 =	simm.s32 @!p2 $0x0;
	v16 =	vadd.s32 v8, v18;
	(pc) =	sbr.rel @p1 .LBB2_28-.Ltmp15, $4  }
0x457: {  	s26 =	sadd.s32 $0xFFFFFBC0, s26;
	s7 =	sadd.s32 $0xFF800888, s6;
	s6 =	sand.u32 $0x7, s6  }
0x458: {  	s23 =	sadd.s32 $0xFFFFE004, s23;
	s5 =	sadd.s32 $0xFFFFFEF0, s5;
	p2 =	sgt.s32 s7, s6  }
0x459: {  	s13 =	smov.u32 s2;
	s3 =	sadd.s32 $0xFFFFFEF0, s3;
	s6 =	smov.u32 @p2 s7;
	v18 =	vnsel vm1, $0x0, v17;
	v17 =	vsub.f32 $0.0e+00, v17  }
0x45a: {  	s22 =	sadd.s32 $0xFFFFFFFE, s22;
	s12 =	sand.u32 $0x3FFFFFFF, s6;
	[tilespmem:s11+$0x14F80] =	vst v18;
	s11 =	sshra.s32 s26, $0x2  }
0x45b: {  	_ =	sdelay $0x4  }
0x45c: {  	s0 =	sadd.s32 s11, s12;
	s2 =	sadd.s32 $0x7F, s22;
	[tilespmem:v16+s30+$0x0] =	vst.idx.msk vm1, v17  }
0x45d: {  	v16 =	vmov s2;
	v17 =	vld [tilespmem:s0+$0x4798]  }
0x45e: {  	vm1 =	vlt.u32 v16, v0;
	v18 =	vand.u32 $0x7F, v16  }
0x45f: {  	v19 =	vadd.s32 v1, v18;
	_ =	sdelay $0x2  }
0x460: {  	v20 =	vnsel vm1, $0x0, v17;
	v17 =	vsub.f32 $0.0e+00, v17  }
0x461: {  	[tilespmem:s11+$0x14F98] =	vst v20  }
0x462: {  	[tilespmem:v19+s30+$0x0] =	vst.idx.msk vm1, v17  }
0x463: {  	v17 =	vld [tilespmem:s0+$0x47A8]  }
0x464: {  	vm1 =	vlt.u32 v16, v9  }
0x465: {  	v35 =	vadd.s32 v2, v18;
	_ =	sdelay $0x2  }
0x466: {  	v36 =	vnsel vm1, $0x0, v17;
	v17 =	vsub.f32 $0.0e+00, v17  }
0x467: {  	[tilespmem:s11+$0x14FA8] =	vst v36  }
0x468: {  	[tilespmem:v35+s30+$0x0] =	vst.idx.msk vm1, v17  }
0x469: {  	v17 =	vld [tilespmem:s0+$0x47B8]  }
0x46a: {  	vm1 =	vlt.u32 v16, v10  }
0x46b: {  	v37 =	vadd.s32 v3, v18;
	_ =	sdelay $0x2  }
0x46c: {  	v38 =	vnsel vm1, $0x0, v17;
	v17 =	vsub.f32 $0.0e+00, v17  }
0x46d: {  	[tilespmem:s11+$0x14FB8] =	vst v38  }
0x46e: {  	[tilespmem:v37+s30+$0x0] =	vst.idx.msk vm1, v17  }
0x46f: {  	v17 =	vld [tilespmem:s0+$0x47C8]  }
0x470: {  	vm1 =	vlt.u32 v16, v11  }
0x471: {  	v39 =	vadd.s32 v4, v18;
	_ =	sdelay $0x2  }
0x472: {  	v40 =	vnsel vm1, $0x0, v17;
	v17 =	vsub.f32 $0.0e+00, v17  }
0x473: {  	[tilespmem:s11+$0x14FC8] =	vst v40  }
0x474: {  	[tilespmem:v39+s30+$0x0] =	vst.idx.msk vm1, v17  }
0x475: {  	v17 =	vld [tilespmem:s0+$0x47D8]  }
0x476: {  	vm1 =	vlt.u32 v16, v12  }
0x477: {  	v41 =	vadd.s32 v5, v18;
	_ =	sdelay $0x2  }
0x478: {  	v42 =	vnsel vm1, $0x0, v17;
	v17 =	vsub.f32 $0.0e+00, v17  }
0x479: {  	[tilespmem:s11+$0x14FD8] =	vst v42  }
0x47a: {  	[tilespmem:v41+s30+$0x0] =	vst.idx.msk vm1, v17  }
0x47b: {  	v17 =	vld [tilespmem:s0+$0x47E8]  }
0x47c: {  	vm1 =	vlt.u32 v16, v13  }
0x47d: {  	v43 =	vadd.s32 v6, v18;
	_ =	sdelay $0x2  }
0x47e: {  	v44 =	vnsel vm1, $0x0, v17;
	v17 =	vsub.f32 $0.0e+00, v17  }
0x47f: {  	[tilespmem:s11+$0x14FE8] =	vst v44  }
0x480: {  	[tilespmem:v43+s30+$0x0] =	vst.idx.msk vm1, v17  }
0x481: {  	s26 =	sadd.s32 s22, s10;
	v17 =	vld [tilespmem:s0+$0x47F8]  }
0x482: {  	s6 =	sadd.s32 $0x7E, s26;
	s2 =	sadd.s32 $0x7D, s26;
	vm1 =	vlt.u32 v16, v14  }
0x483: {  	s2 =	smul.u32 s6, s2;
	v45 =	vadd.s32 v7, v18;
	_ =	sdelay $0x1  }
0x484: {  	s2 =	sshra.s32 s2, $0x1  }
0x485: {  	s2 =	ssub.s32 s23, s2;
	v46 =	vnsel vm1, $0x0, v17;
	v17 =	vsub.f32 $0.0e+00, v17  }
0x486: {  	p1 =	sgt.s32 s2, $0x0;
	[tilespmem:s11+$0x14FF8] =	vst v46  }
0x487: {  	s2 =	simm.s32 @!p1 $0x0;
	[tilespmem:v45+s30+$0x0] =	vst.idx.msk vm1, v17  }
0x488: {  	v17 =	vld [tilespmem:s0+$0x4808];
	s0 =	sadd.s32 $0xFF800888, s2;
	s2 =	sand.u32 $0x7, s2  }
0x489: {  	vm1 =	vlt.u32 v16, v15;
	p1 =	sgt.s32 s0, s2  }
0x48a: {  	v16 =	vadd.s32 v8, v18;
	s2 =	smov.u32 @p1 s0  }
0x48b: {  	s0 =	sshll.u32 s2, $0x2;
	s2 =	sand.u32 $0x7, s2  }
0x48c: {  	s0 =	sand.u32 $0xFFFFFFE0, s0;
	s2 =	sshll.u32 s2, $0x2  }
0x48d: {  	v47 =	vnsel vm1, $0x0, v17;
	v17 =	vsub.f32 $0.0e+00, v17;
	s0 =	sor.u32 s2, s0  }
0x48e: {  	[tilespmem:s11+$0x15008] =	vst v47;
	s0 =	sshra.s32 s0, $0x2  }
0x48f: {  	s31 =	sadd.s32 $0x7E, s22;
	[tilespmem:v16+s30+$0x0] =	vst.idx.msk vm1, v17;
	s5 =	sadd.s32 s0, s5  }
0x490: {  	v16 =	vmov s31;
	v17 =	vld [tilespmem:s5+$0x0]  }
0x491: {  	vm1 =	vlt.u32 v16, v0;
	v48 =	vand.u32 $0x7E, v16  }
0x492: {  	v49 =	vadd.s32 v1, v48;
	_ =	sdelay $0x2  }
0x493: {  	v50 =	vnsel vm1, $0x0, v17;
	v17 =	vsub.f32 $0.0e+00, v17  }
0x494: {  	[tilespmem:s11+$0x14F10] =	vst v50  }
0x495: {  	s0 =	sadd.s32 s0, s3;
	[tilespmem:v49+s30+$0x0] =	vst.idx.msk vm1, v17  }
0x496: {  	v17 =	vld [tilespmem:s0+$0x4300]  }
0x497: {  	vm1 =	vlt.u32 v16, v9  }
0x498: {  	v51 =	vadd.s32 v2, v48;
	_ =	sdelay $0x2  }
0x499: {  	v52 =	vnsel vm1, $0x0, v17;
	v17 =	vsub.f32 $0.0e+00, v17  }
0x49a: {  	[tilespmem:s11+$0x14F20] =	vst v52  }
0x49b: {  	[tilespmem:v51+s30+$0x0] =	vst.idx.msk vm1, v17  }
0x49c: {  	v17 =	vld [tilespmem:s0+$0x4310]  }
0x49d: {  	vm1 =	vlt.u32 v16, v10  }
0x49e: {  	v53 =	vadd.s32 v3, v48;
	_ =	sdelay $0x2  }
0x49f: {  	v54 =	vnsel vm1, $0x0, v17;
	v17 =	vsub.f32 $0.0e+00, v17  }
0x4a0: {  	[tilespmem:s11+$0x14F30] =	vst v54  }
0x4a1: {  	[tilespmem:v53+s30+$0x0] =	vst.idx.msk vm1, v17  }
0x4a2: {  	v17 =	vld [tilespmem:s0+$0x4320]  }
0x4a3: {  	vm1 =	vlt.u32 v16, v11  }
0x4a4: {  	v55 =	vadd.s32 v4, v48;
	_ =	sdelay $0x2  }
0x4a5: {  	v56 =	vnsel vm1, $0x0, v17;
	v17 =	vsub.f32 $0.0e+00, v17  }
0x4a6: {  	[tilespmem:s11+$0x14F40] =	vst v56  }
0x4a7: {  	[tilespmem:v55+s30+$0x0] =	vst.idx.msk vm1, v17  }
0x4a8: {  	v17 =	vld [tilespmem:s0+$0x4330]  }
0x4a9: {  	vm1 =	vlt.u32 v16, v12  }
0x4aa: {  	v57 =	vadd.s32 v5, v48;
	_ =	sdelay $0x2  }
0x4ab: {  	v58 =	vnsel vm1, $0x0, v17;
	v17 =	vsub.f32 $0.0e+00, v17  }
0x4ac: {  	[tilespmem:s11+$0x14F50] =	vst v58  }
0x4ad: {  	[tilespmem:v57+s30+$0x0] =	vst.idx.msk vm1, v17  }
0x4ae: {  	v17 =	vld [tilespmem:s0+$0x4340]  }
0x4af: {  	vm1 =	vlt.u32 v16, v13  }
0x4b0: {  	v59 =	vadd.s32 v6, v48;
	_ =	sdelay $0x2  }
0x4b1: {  	v60 =	vnsel vm1, $0x0, v17;
	v17 =	vsub.f32 $0.0e+00, v17  }
0x4b2: {  	[tilespmem:s11+$0x14F60] =	vst v60  }
0x4b3: {  	[tilespmem:v59+s30+$0x0] =	vst.idx.msk vm1, v17  }
0x4b4: {  	v17 =	vld [tilespmem:s0+$0x4350]  }
0x4b5: {  	vm1 =	vlt.u32 v16, v14  }
0x4b6: {  	v61 =	vadd.s32 v7, v48;
	_ =	sdelay $0x1  }
0x4b7: {  	v21 =	vimm.s32 @!p0 $0xEDCBA987;
	v22 =	vimm.s32 @!p0 $0x65432100  }
0x4b8: {  	v21 =	vunpack.c.l.s4.s8 @!p0 v21;
	v62 =	vnsel vm1, $0x0, v17;
	v17 =	vsub.f32 $0.0e+00, v17  }
0x4b9: {  	v20 =	vunpack.c.l.s4.s8 @!p0 v22;
	[tilespmem:s11+$0x14F70] =	vst v62  }
0x4ba: {  	[tilespmem:v61+s30+$0x0] =	vst.idx.msk vm1, v17;
	v17 =	vunpack.c.0.s8.s32 @!p0 v21  }
0x4bb: {  	v20 =	vunpack.c.0.s8.s32 @!p0 v20;
	v19 =	vld [tilespmem:s0+$0x4360]  }
0x4bc: {  	vm1 =	vlt.u32 v16, v15;
	v16 =	vand.u32 @!p0 $0xF, v17  }
0x4bd: {  	v17 =	vadd.s32 v8, v48;
	v16 =	vcombine.low @!p0 v20, v16;
	_ =	sdelay $0x2  }
0x4be: {  	v63 =	vnsel vm1, $0x0, v19;
	v19 =	vsub.f32 $0.0e+00, v19  }
0x4bf: {  	[tilespmem:s11+$0x14F80] =	vst v63  }
0x4c0: {  	s0 =	simm.s32 @!p0 $0x420;
	[tilespmem:v17+s30+$0x0] =	vst.idx.msk vm1, v19  }
0x4c1: {  	v17 =	vlaneseq.u32 @!p0;
	v16 =	vld.idx.msk @!p0 [tilespmem:v16+s0+$0x0], $0xffff  }
0x4c2: {  	v18 =	vmul.u32 @!p0 $0x88, v17;
	_ =	sdelay $0x1  }
0x4c3: {  	v19 =	vadd.s32 @!p0 $0xF, v17  }
0x4c4: {  	vm1 =	veq.s32 @!p0 v17, $0x0  }
0x4c5: {  	v20 =	vsel @!p0 vm1, $0x0, v16;
	v16 =	vsub.f32 @!p0 $0.0e+00, v16  }
0x4c6: {  	s2 =	simm.s32 @!p0 $0x10C20;
	[tilespmem:$0x10C20] =	vst @!p0 v20  }
0x4c7: {  	[tilespmem:v18+s2+$0x0] =	vst.idx.msk @!p0 vm0, v16  }
0x4c8: {  	v16 =	vld.idx.msk @!p0 [tilespmem:v19+s0+$0x0], $0xffff;
	_ =	sdelay $0x1  }
0x4c9: {  	v19 =	vadd.s32 @!p0 $0x880, v18  }
0x4ca: {  	v20 =	vadd.s32 @!p0 $0x1F, v17;
	_ =	sdelay $0x1  }
0x4cb: {  	v21 =	vsub.f32 @!p0 $0.0e+00, v16  }
0x4cc: {  	[tilespmem:$0x10C30] =	vst @!p0 v16  }
0x4cd: {  	[tilespmem:v19+s2+$0x0] =	vst.idx.msk @!p0 $0xffff, v21  }
0x4ce: {  	v16 =	vld.idx.msk @!p0 [tilespmem:v20+s0+$0x0], $0xffff;
	_ =	sdelay $0x1  }
0x4cf: {  	v19 =	vadd.s32 @!p0 $0x1100, v18  }
0x4d0: {  	v20 =	vadd.s32 @!p0 $0x2F, v17;
	_ =	sdelay $0x1  }
0x4d1: {  	v21 =	vsub.f32 @!p0 $0.0e+00, v16  }
0x4d2: {  	[tilespmem:$0x10C40] =	vst @!p0 v16  }
0x4d3: {  	[tilespmem:v19+s2+$0x0] =	vst.idx.msk @!p0 $0xffff, v21  }
0x4d4: {  	v16 =	vld.idx.msk @!p0 [tilespmem:v20+s0+$0x0], $0xffff;
	_ =	sdelay $0x1  }
0x4d5: {  	v19 =	vadd.s32 @!p0 $0x1980, v18  }
0x4d6: {  	v20 =	vadd.s32 @!p0 $0x3F, v17;
	_ =	sdelay $0x1  }
0x4d7: {  	v21 =	vsub.f32 @!p0 $0.0e+00, v16  }
0x4d8: {  	[tilespmem:$0x10C50] =	vst @!p0 v16  }
0x4d9: {  	[tilespmem:v19+s2+$0x0] =	vst.idx.msk @!p0 $0xffff, v21  }
0x4da: {  	v16 =	vld.idx.msk @!p0 [tilespmem:v20+s0+$0x0], $0xffff;
	_ =	sdelay $0x1  }
0x4db: {  	v19 =	vadd.s32 @!p0 $0x2200, v18  }
0x4dc: {  	v20 =	vadd.s32 @!p0 $0x4F, v17;
	_ =	sdelay $0x1  }
0x4dd: {  	v21 =	vsub.f32 @!p0 $0.0e+00, v16  }
0x4de: {  	[tilespmem:$0x10C60] =	vst @!p0 v16  }
0x4df: {  	[tilespmem:v19+s2+$0x0] =	vst.idx.msk @!p0 $0xffff, v21  }
0x4e0: {  	v16 =	vld.idx.msk @!p0 [tilespmem:v20+s0+$0x0], $0xffff;
	_ =	sdelay $0x1  }
0x4e1: {  	v19 =	vadd.s32 @!p0 $0x2A80, v18  }
0x4e2: {  	v20 =	vadd.s32 @!p0 $0x5F, v17;
	_ =	sdelay $0x1  }
0x4e3: {  	v21 =	vsub.f32 @!p0 $0.0e+00, v16  }
0x4e4: {  	[tilespmem:$0x10C70] =	vst @!p0 v16  }
0x4e5: {  	[tilespmem:v19+s2+$0x0] =	vst.idx.msk @!p0 $0xffff, v21  }
0x4e6: {  	v16 =	vld.idx.msk @!p0 [tilespmem:v20+s0+$0x0], $0xffff;
	_ =	sdelay $0x1  }
0x4e7: {  	v19 =	vadd.s32 @!p0 $0x3300, v18  }
0x4e8: {  	v17 =	vadd.s32 @!p0 $0x6F, v17;
	_ =	sdelay $0x1  }
0x4e9: {  	v20 =	vsub.f32 @!p0 $0.0e+00, v16  }
0x4ea: {  	[tilespmem:$0x10C80] =	vst @!p0 v16  }
0x4eb: {  	[tilespmem:v19+s2+$0x0] =	vst.idx.msk @!p0 $0xffff, v20  }
0x4ec: {  	v16 =	vld.idx.msk @!p0 [tilespmem:v17+s0+$0x0], $0xffff;
	_ =	sdelay $0x1  }
0x4ed: {  	v17 =	vadd.s32 @!p0 $0x3B80, v18;
	_ =	sdelay $0x2  }
0x4ee: {  	v18 =	vsub.f32 @!p0 $0.0e+00, v16  }
0x4ef: {  	s3 =	simm.s32 $0x10CA8;
	[tilespmem:$0x10C90] =	vst @!p0 v16  }
0x4f0: {  	s5 =	sadd.s32 $0x0, s8;
	s0 =	simm.s32 $0x10C20;
	[tilespmem:v17+s2+$0x0] =	vst.idx.msk @!p0 $0xffff, v18;
	s2 =	simm.s32 $0x200  }
.LBB2_30:
0x4f1: {  	[hbm4b:s5+s4] =	stream.linear.scatter [tilespmem:s0], [sflag:$0x3], $0x80, $0x38;
	[tilespmem:$0x19420] =	vst v63  }
0x4f2: {  	s5 =	smov.u32 s2;
	s0 =	smov.u32 s3;
	p1 =	sne.s32 s2, $0xFE00  }
.Ltmp16:
0x4f3: {  	s2 =	sadd.s32 $0x200, s2;
	(pc) =	sbr.rel @p1 .LBB2_30-.Ltmp16, $2  }
0x4f4: {  	_ =	sdelay $0x2  }
0x4f5: {  	s3 =	sadd.s32 $0x88, s3;
	s5 =	sadd.s32 s5, s8  }
0x4f6: {  	[hbm4b:s5+s4] =	stream.linear.scatter [tilespmem:s0], [sflag:$0x3], $0x80, $0x38;
	[tilespmem:$0x19420] =	vst v63  }
0x4f7: {  	s26 =	simm.s32 $0x4  }
0x4f8: {  	_ =	swait.ge [sflag:s26], $0x4000  }
0x4f9: {  	[sflag:s26] =	ssyncset.done $0x0  }
0x4fa: {  	[sflag:s26] =	ssyncadd.s32 $0xFFFFC000  }
0x4fb: {  	_ =	swait.ge [sflag:s26], $0x4000  }
0x4fc: {  	[sflag:s26] =	ssyncset.done $0x0  }
0x4fd: {  	[sflag:s26] =	ssyncadd.s32 $0xFFFFC000  }
0x4fe: {  	_ =	swait.ge [sflag:s14], $0x4000  }
0x4ff: {  	s2 =	rddreg [dreg:$0x19]  }
0x500: {  	s31 =	rddreg [dreg:$0xa];
	s2 =	sadd.s32 $0x1, s2  }
0x501: {  	p1 =	sne.s32 s2, s31  }
.Ltmp17:
0x502: {  	_ = 	snop;
	(pc) =	sbr.rel @p1 .LBB2_1-.Ltmp17, $3  }
0x503: {  	_ =	sdelay $0x1  }
0x504: {  	[sflag:s14] =	ssyncset.done $0x0  }
0x505: {  	[sflag:s14] =	ssyncadd.s32 $0xFFFFC000  }
0x506: {  	_ =	sfence.sel $0x180000  }
0x507: {  	[bflag:$0x0] =	sbarrier.arrive $0xFFFF  }
0x508: {  	_ =	strace $0x90000047  }
0x509: {  	s0 =	stileid.u32;
	[bflag:$0x2] =	sbarrier.arrive $0xFFFF  }
0x50a: {  	p0 =	sne.s32 s0, $0x0;
	s0 =	rddreg [dreg:$0x3]  }
0x50b: {  	s0 =	sadd.s32 @!p0 $0x100000, s0  }
0x50c: {  	[sflag:s0] =	ssyncadd.tile.s32 @!p0 $0x1;
	_ =	shalt  }
.Lfunc_end2:
_tile_overlayer_lowered:
.L_overlay_start_2:
0x50d: {  	(tag) =	ssettag $0x2  }
0x50e: {  	s0 =	rddreg [dreg:$0x0];
	s2 =	stileid.u32  }
0x50f: {  	s1 =	rddreg [dreg:$0x1];
	p0 =	sne.s32 s2, $0x0  }
0x510: {  	s3 =	rddreg [dreg:$0x2];
	[bflag:$0x3] =	sbarrier.arrive $0xFFFF;
	s2 =	simm.s32 @!p0 $0x1C05  }
0x511: {  	[timem:s3], [sflag:s2] =	dma.local @!p0 [hbm:s0], s1  }
0x512: {  	s0 =	simm.s32 @!p0 $0x5  }
0x513: {  	_ =	swait.ge @!p0 [sflag:s0], s1  }
0x514: {  	s1 =	ssub.s32 @!p0 $0x0, s1;
	[sflag:s0] =	ssyncset.done @!p0 $0x0  }
0x515: {  	[sflag:s0] =	ssyncadd.s32 @!p0 s1  }
0x516: {  	[bflag:$0x3] =	sbarrier.arrive $0xFFFF  }
0x517: {  	_ =	shalt  }

</sc_bundles>
